<compile_context>
chip_gen: v7x
topology: tpu7x:2x2x1
jax: 0.10.2.dev20260603
libtpu: 0.0.44.dev20260713+nightly
codegen_flags: <defaults>
</compile_context>

<pallas_src>
import jax
import jax.numpy as jnp
from jax import lax
from jax.experimental import pallas as pl
from jax.experimental.pallas import tpu as pltpu
from jax.experimental.pallas import tpu_sc as plsc

N = 10000
E = 320000
DX = 128
HC = 64
G = 16

SC_CORES = 2
SC_TILES = 16
NW = SC_CORES * SC_TILES
CH = 128
EPAD = ((E + NW * CH - 1) // (NW * CH)) * (NW * CH)
EPW = EPAD // NW
NCHUNK = EPW // CH
R = 10240
RPT = R // SC_TILES

_HI = lax.Precision.HIGHEST


def _mesh():
    return plsc.VectorSubcoreMesh(
        core_axis_name="c", subcore_axis_name="s",
        num_cores=SC_CORES, num_subcores=SC_TILES)


def _msg_body(hs_hbm, src_hbm, dst_hbm, zeros128_hbm, out_hbm,
              sidx_v, didx_v, rows_v, acc_sh, sem):
    c = lax.axis_index("c")
    s = lax.axis_index("s")
    wid = c * SC_TILES + s
    pltpu.sync_copy(zeros128_hbm, rows_v)
    for k in range(RPT // CH):
        pltpu.sync_copy(rows_v, acc_sh.at[pl.ds(s * RPT + k * CH, CH)])
    plsc.subcore_barrier()

    def chunk(k, carry):
        base = wid * EPW + k * CH
        pltpu.sync_copy(src_hbm.at[pl.ds(base, CH)], sidx_v)
        pltpu.async_copy(hs_hbm.at[sidx_v], rows_v, sem).wait()
        pltpu.sync_copy(dst_hbm.at[pl.ds(base, CH)], didx_v)
        pltpu.sync_copy(rows_v, acc_sh.at[didx_v], add=True)
        return carry

    lax.fori_loop(0, NCHUNK, chunk, 0)
    plsc.subcore_barrier()
    for k in range(RPT // CH):
        r0 = s * RPT + k * CH
        pltpu.sync_copy(acc_sh.at[pl.ds(r0, CH)], rows_v)
        pltpu.sync_copy(rows_v, out_hbm.at[c, pl.ds(r0, CH)])


def _sc_msg(hs, srcp, dstp, zeros128):
    return pl.kernel(
        _msg_body,
        out_type=jax.ShapeDtypeStruct((SC_CORES, R, DX), jnp.float32),
        mesh=_mesh(),
        scratch_types=[
            pltpu.VMEM((CH,), jnp.int32),
            pltpu.VMEM((CH,), jnp.int32),
            pltpu.VMEM((CH, DX), jnp.float32),
            pltpu.VMEM_SHARED((R, DX), jnp.float32),
            pltpu.SemaphoreType.DMA,
        ],
    )(hs, srcp, dstp, zeros128)


def _onehot_and_cnt(batch2d):
    onehot = (batch2d[...] == lax.broadcasted_iota(jnp.int32, (G, N), 0)
              ).astype(jnp.float32)
    cnt = jnp.sum(onehot, axis=1, keepdims=True)
    return onehot, jnp.maximum(cnt, 1.0)


def _tc0_body(x, batch2d, deg0, deg1, W0, dinv_o, hs0_o, xinit_o):
    dinv = lax.rsqrt(deg0[...] + deg1[...] + 1.0)
    dinv_o[...] = dinv
    hs0 = jnp.dot(x[...], W0[...], preferred_element_type=jnp.float32,
                  precision=_HI) * dinv
    hs0_o[...] = jnp.pad(hs0, ((0, R - N), (0, DX - HC)))
    onehot, cnt = _onehot_and_cnt(batch2d)
    xinit_o[...] = jnp.dot(onehot, x[...], preferred_element_type=jnp.float32,
                           precision=_HI) / cnt


def _tc0(x, batch2d, deg0, deg1, W0):
    return pl.pallas_call(
        _tc0_body,
        out_shape=[
            jax.ShapeDtypeStruct((N, 1), jnp.float32),
            jax.ShapeDtypeStruct((R, DX), jnp.float32),
            jax.ShapeDtypeStruct((G, DX), jnp.float32),
        ],
    )(x, batch2d, deg0, deg1, W0)


def _tc_layer_body(p0, p1, hs, dinv, b, Wn, batch2d, hsn_o, pooled_o):
    xn = jnp.tanh(dinv[...] * (p0[...] + p1[...] + hs[...]) + b[...])
    onehot, cnt = _onehot_and_cnt(batch2d)
    pooled_o[...] = jnp.dot(onehot, xn, preferred_element_type=jnp.float32,
                            precision=_HI) / cnt
    hsn_o[...] = jnp.pad(jnp.dot(xn, Wn[...], preferred_element_type=jnp.float32,
                                 precision=_HI) * dinv[...], ((0, R - N), (0, DX - HC)))


def _tc_layer(p0, p1, hs, dinv, b, Wn, batch2d):
    return pl.pallas_call(
        _tc_layer_body,
        out_shape=[
            jax.ShapeDtypeStruct((R, DX), jnp.float32),
            jax.ShapeDtypeStruct((G, HC), jnp.float32),
        ],
    )(p0, p1, hs, dinv, b, Wn, batch2d)


def _bn_relu(h, g, b):
    mu = jnp.mean(h, axis=0, keepdims=True)
    var = jnp.mean((h - mu) ** 2, axis=0, keepdims=True)
    return jnp.maximum((h - mu) * lax.rsqrt(var + 1e-5) * g + b, 0.0)


def _tc_final_body(p0, p1, hs, dinv, b2, batch2d, x_init, pooled1, pooled2,
                   mW0, mb0, mW1, mb1, mW2, mb2, mW3, mb3,
                   g0, bb0, g1, bb1, g2, bb2, out_o):
    xn = jnp.tanh(dinv[...] * (p0[...] + p1[...] + hs[...]) + b2[...])
    onehot, cnt = _onehot_and_cnt(batch2d)
    pooled3 = jnp.dot(onehot, xn, preferred_element_type=jnp.float32,
                      precision=_HI) / cnt
    h = jnp.concatenate([x_init[...], pooled1[...], pooled2[...], pooled3],
                        axis=1)
    h = _bn_relu(jnp.dot(h, mW0[...], preferred_element_type=jnp.float32,
                         precision=_HI) + mb0[...], g0[...], bb0[...])
    h = _bn_relu(jnp.dot(h, mW1[...], preferred_element_type=jnp.float32,
                         precision=_HI) + mb1[...], g1[...], bb1[...])
    h = _bn_relu(jnp.dot(h, mW2[...], preferred_element_type=jnp.float32,
                         precision=_HI) + mb2[...], g2[...], bb2[...])
    o = jnp.dot(h, mW3[...], preferred_element_type=jnp.float32,
                precision=_HI) + mb3[...]
    m = jnp.max(o, axis=1, keepdims=True)
    lse = m + jnp.log(jnp.sum(jnp.exp(o - m), axis=1, keepdims=True))
    out_o[...] = o - lse


def _tc_final(*args):
    return pl.pallas_call(
        _tc_final_body,
        out_shape=jax.ShapeDtypeStruct((G, 2), jnp.float32),
    )(*args)


def kernel(x, edge_index, batch, conv_W0, conv_b0, conv_W1, conv_b1,
           conv_W2, conv_b2, mlp_W0, mlp_b0, mlp_W1, mlp_b1, mlp_W2, mlp_b2,
           mlp_W3, mlp_b3, bn_g0, bn_b0, bn_g1, bn_b1, bn_g2, bn_b2):
    src = edge_index[0]
    dst = edge_index[1]
    pad = EPAD - E
    srcp = jnp.concatenate([src, jnp.zeros((pad,), src.dtype)])
    dstp = jnp.concatenate([dst, jnp.full((pad,), N, dst.dtype)])
    zeros128 = jnp.zeros((CH, DX), jnp.float32)
    ones_r = jnp.ones((R, DX), jnp.float32)
    batch2d = batch.reshape(1, N)

    degparts = _sc_msg(ones_r, srcp, dstp, zeros128)
    deg0 = degparts[0, :N, 0:1]
    deg1 = degparts[1, :N, 0:1]

    dinv, hs0, x_init = _tc0(x, batch2d, deg0, deg1, conv_W0)

    parts = _sc_msg(hs0, srcp, dstp, zeros128)
    hs1, pooled1 = _tc_layer(parts[0, :N, :HC], parts[1, :N, :HC], hs0[:N, :HC], dinv,
                             conv_b0.reshape(1, HC), conv_W1, batch2d)
    parts = _sc_msg(hs1, srcp, dstp, zeros128)
    hs2, pooled2 = _tc_layer(parts[0, :N, :HC], parts[1, :N, :HC], hs1[:N, :HC], dinv,
                             conv_b1.reshape(1, HC), conv_W2, batch2d)
    parts = _sc_msg(hs2, srcp, dstp, zeros128)

    return _tc_final(parts[0, :N, :HC], parts[1, :N, :HC], hs2[:N, :HC], dinv,
                     conv_b2.reshape(1, HC), batch2d, x_init, pooled1, pooled2,
                     mlp_W0, mlp_b0.reshape(1, -1), mlp_W1, mlp_b1.reshape(1, -1),
                     mlp_W2, mlp_b2.reshape(1, -1), mlp_W3, mlp_b3.reshape(1, -1),
                     bn_g0.reshape(1, -1), bn_b0.reshape(1, -1),
                     bn_g1.reshape(1, -1), bn_b1.reshape(1, -1),
                     bn_g2.reshape(1, -1), bn_b2.reshape(1, -1))

# --- scband reference (transcript-rebuilt; emitter-appended) ---
"""Pipeline reference for scband-cmuresidual-gnns-80169859548020 (READ-ONLY COPY).

The authoritative reference and input builder live on the scoring server;
editing this copy changes nothing except your own understanding.
"""

import jax, jax.numpy as jnp
import numpy as np

N = 10000
E = 320000
D = 128
HC = 64
L = 3
G = 16
HID = 128
NC = 2

def _init_linear(key, fan_in, fan_out):
    kw, kb = jax.random.split(key)
    bound = 1.0 / np.sqrt(fan_in)
    W = jax.random.uniform(kw, (fan_in, fan_out), minval=-bound, maxval=bound, dtype=jnp.float32)
    b = jax.random.uniform(kb, (fan_out,), minval=-bound, maxval=bound, dtype=jnp.float32)
    return W, b

def setup_inputs(seed: int = 0):
    key = jax.random.key(seed)
    ks = jax.random.split(key, 16)
    inp = {}
    inp['x'] = jax.random.normal(ks[0], (N, D), dtype=jnp.float32)
    inp['edge_index'] = jax.random.randint(ks[1], (2, E), 0, N, dtype=jnp.int32)
    inp['batch'] = jnp.sort(jax.random.randint(ks[2], (N,), 0, G, dtype=jnp.int32))
    dims = [(D, HC), (HC, HC), (HC, HC)]
    for i, (fi, fo) in enumerate(dims):
        W, b = _init_linear(ks[3 + i], fi, fo)
        inp['conv_W%d' % i] = W
        inp['conv_b%d' % i] = b
    in_dim = D + HC * L
    mlp_dims = [(in_dim, HID), (HID, HID // 2), (HID // 2, HID // 2), (HID // 2, NC)]
    for i, (fi, fo) in enumerate(mlp_dims):
        W, b = _init_linear(ks[7 + i], fi, fo)
        inp['mlp_W%d' % i] = W
        inp['mlp_b%d' % i] = b
    for i, d in enumerate([HID, HID // 2, HID // 2]):
        inp['bn_g%d' % i] = jnp.ones((d,), dtype=jnp.float32)
        inp['bn_b%d' % i] = jnp.zeros((d,), dtype=jnp.float32)
    return inp

def _gcn_conv(x, edge_index, W, b):
    n = x.shape[0]
    h = x @ W
    loop = jnp.arange(n, dtype=edge_index.dtype)
    src = jnp.concatenate([edge_index[0], loop])
    dst = jnp.concatenate([edge_index[1], loop])
    deg = jnp.zeros((n,), dtype=h.dtype).at[dst].add(1.0)
    dinv = jnp.where(deg > 0, jax.lax.rsqrt(jnp.maximum(deg, 1e-12)), 0.0)
    norm = dinv[src] * dinv[dst]
    msg = h[src] * norm[:, None]
    out = jnp.zeros_like(h).at[dst].add(msg)
    return out + b

def _mean_aggr(h, batch):
    sums = jax.ops.segment_sum(h, batch, num_segments=G)
    cnt = jax.ops.segment_sum(jnp.ones((h.shape[0], 1), dtype=h.dtype), batch, num_segments=G)
    return sums / jnp.maximum(cnt, 1.0)

def _bn(h, g, b):
    mu = jnp.mean(h, axis=0)
    var = jnp.mean((h - mu) ** 2, axis=0)
    return (h - mu) * jax.lax.rsqrt(var + 1e-5) * g + b

def reference(x, edge_index, batch, conv_W0, conv_b0, conv_W1, conv_b1, conv_W2, conv_b2, mlp_W0, mlp_b0, mlp_W1, mlp_b1, mlp_W2, mlp_b2, mlp_W3, mlp_b3, bn_g0, bn_b0, bn_g1, bn_b1, bn_g2, bn_b2):
    x_init = _mean_aggr(x, batch)
    convs = [(conv_W0, conv_b0), (conv_W1, conv_b1), (conv_W2, conv_b2)]
    xs = [x]
    for W, b in convs:
        xs.append(jnp.tanh(_gcn_conv(xs[-1], edge_index, W, b)))
    pooled = [_mean_aggr(xx, batch) for xx in xs[1:]]
    h = jnp.concatenate([x_init] + pooled, axis=1)
    h = jax.nn.relu(_bn(h @ mlp_W0 + mlp_b0, bn_g0, bn_b0))
    h = jax.nn.relu(_bn(h @ mlp_W1 + mlp_b1, bn_g1, bn_b1))
    h = jax.nn.relu(_bn(h @ mlp_W2 + mlp_b2, bn_g2, bn_b2))
    out = h @ mlp_W3 + mlp_b3
    return out - jax.nn.logsumexp(out, axis=1, keepdims=True)

if __name__ == "__main__":
    import jax
    _d = setup_inputs()
    print(jax.jit(kernel)(*tuple(_d.values())))

</pallas_src>

<mosaic_0001>
#map = affine_map<(d0, d1) -> (0, 0)>
#map1 = affine_map<(d0, d1) -> (0)>
#map2 = affine_map<(d0, d1) -> (0, 0, 0)>
module attributes {stable_mosaic.version = 14 : i64} {
  func.func @_msg_body(%arg0: i32, %arg1: i32, %arg2: memref<10240x128xf32, #tpu.memory_space<hbm>>, %arg3: memref<323584xi32, #tpu.memory_space<hbm>>, %arg4: memref<323584xi32, #tpu.memory_space<hbm>>, %arg5: memref<128x128xf32, #tpu.memory_space<hbm>>, %arg6: memref<2x10240x128xf32, #tpu.memory_space<hbm>>, %arg7: memref<128xi32, #tpu.memory_space<vmem>>, %arg8: memref<128xi32, #tpu.memory_space<vmem>>, %arg9: memref<128x128xf32, #tpu.memory_space<vmem>>, %arg10: memref<10240x128xf32, #tpu.memory_space<vmem_shared>>, %arg11: memref<!tpu.dma_semaphore, #tpu.memory_space<semaphore_mem>>) attributes {dimension_semantics = [#tpu.dimension_semantics<core_parallel>, #tpu.dimension_semantics<subcore_parallel>], iteration_bounds = array<i64: 2, 16>, scalar_prefetch = 0 : i64, scratch_operands = 5 : i64, tpu.core_type = #tpu.core_type<sc_vector_subcore>, window_params = [{transform_indices = #map}, {transform_indices = #map1}, {transform_indices = #map1}, {transform_indices = #map}, {transform_indices = #map2}]} {
    %mul3A = arith.constant 16 : i32
    %mul3A_0 = arith.muli %arg0, %mul3A : i32
    %add3A = arith.addi %mul3A_0, %arg1 : i32
    "tpu.region"() ({
      %run_scoped3A = tpu.sem_alloc : memref<!tpu.dma_semaphore, #tpu.memory_space<semaphore_mem>>
      tpu.enqueue_dma source(%arg5 : memref<128x128xf32, #tpu.memory_space<hbm>>) target(%arg9 : memref<128x128xf32, #tpu.memory_space<vmem>>) target_semaphore(%run_scoped3A : memref<!tpu.dma_semaphore, #tpu.memory_space<semaphore_mem>>)
      tpu.wait_dma2 semaphore(%run_scoped3A : memref<!tpu.dma_semaphore, #tpu.memory_space<semaphore_mem>>) src(%arg5 : memref<128x128xf32, #tpu.memory_space<hbm>>) dst(%arg9 : memref<128x128xf32, #tpu.memory_space<vmem>>)
      tpu.yield
    }) : () -> ()
    %mul3A_1 = arith.constant 640 : i32
    %mul3A_2 = arith.muli %arg1, %mul3A_1 : i32
    %add3A_3 = arith.constant 0 : i32
    %add3A_4 = arith.addi %mul3A_2, %add3A_3 : i32
    "tpu.region"() ({
      %run_scoped3A = tpu.sem_alloc : memref<!tpu.dma_semaphore, #tpu.memory_space<semaphore_mem>>
      %dma_start3A = arith.constant 0 : i32
      %dma_start3A_47 = tpu.memref_slice %arg10[%add3A_4, %dma_start3A] : memref<10240x128xf32, #tpu.memory_space<vmem_shared>> -> memref<128x128xf32, #tpu.memory_space<vmem_shared>>
      %dma_start3A_48 = arith.constant 0 : i32
      %dma_start3A_49 = tpu.memref_slice %arg10[%add3A_4, %dma_start3A_48] : memref<10240x128xf32, #tpu.memory_space<vmem_shared>> -> memref<128x128xf32, #tpu.memory_space<vmem_shared>>
      tpu.enqueue_dma source(%arg9 : memref<128x128xf32, #tpu.memory_space<vmem>>) target(%dma_start3A_49 : memref<128x128xf32, #tpu.memory_space<vmem_shared>>) target_semaphore(%run_scoped3A : memref<!tpu.dma_semaphore, #tpu.memory_space<semaphore_mem>>)
      %dma_wait3A = arith.constant 0 : i32
      %dma_wait3A_50 = tpu.memref_slice %arg10[%add3A_4, %dma_wait3A] : memref<10240x128xf32, #tpu.memory_space<vmem_shared>> -> memref<128x128xf32, #tpu.memory_space<vmem_shared>>
      %dma_wait3A_51 = arith.constant 0 : i32
      %dma_wait3A_52 = tpu.memref_slice %arg10[%add3A_4, %dma_wait3A_51] : memref<10240x128xf32, #tpu.memory_space<vmem_shared>> -> memref<128x128xf32, #tpu.memory_space<vmem_shared>>
      tpu.wait_dma2 semaphore(%run_scoped3A : memref<!tpu.dma_semaphore, #tpu.memory_space<semaphore_mem>>) src(%arg9 : memref<128x128xf32, #tpu.memory_space<vmem>>) dst(%dma_wait3A_52 : memref<128x128xf32, #tpu.memory_space<vmem_shared>>)
      tpu.yield
    }) : () -> ()
    %mul3A_5 = arith.constant 640 : i32
    %mul3A_6 = arith.muli %arg1, %mul3A_5 : i32
    %add3A_7 = arith.constant 128 : i32
    %add3A_8 = arith.addi %mul3A_6, %add3A_7 : i32
    "tpu.region"() ({
      %run_scoped3A = tpu.sem_alloc : memref<!tpu.dma_semaphore, #tpu.memory_space<semaphore_mem>>
      %dma_start3A = arith.constant 0 : i32
      %dma_start3A_47 = tpu.memref_slice %arg10[%add3A_8, %dma_start3A] : memref<10240x128xf32, #tpu.memory_space<vmem_shared>> -> memref<128x128xf32, #tpu.memory_space<vmem_shared>>
      %dma_start3A_48 = arith.constant 0 : i32
      %dma_start3A_49 = tpu.memref_slice %arg10[%add3A_8, %dma_start3A_48] : memref<10240x128xf32, #tpu.memory_space<vmem_shared>> -> memref<128x128xf32, #tpu.memory_space<vmem_shared>>
      tpu.enqueue_dma source(%arg9 : memref<128x128xf32, #tpu.memory_space<vmem>>) target(%dma_start3A_49 : memref<128x128xf32, #tpu.memory_space<vmem_shared>>) target_semaphore(%run_scoped3A : memref<!tpu.dma_semaphore, #tpu.memory_space<semaphore_mem>>)
      %dma_wait3A = arith.constant 0 : i32
      %dma_wait3A_50 = tpu.memref_slice %arg10[%add3A_8, %dma_wait3A] : memref<10240x128xf32, #tpu.memory_space<vmem_shared>> -> memref<128x128xf32, #tpu.memory_space<vmem_shared>>
      %dma_wait3A_51 = arith.constant 0 : i32
      %dma_wait3A_52 = tpu.memref_slice %arg10[%add3A_8, %dma_wait3A_51] : memref<10240x128xf32, #tpu.memory_space<vmem_shared>> -> memref<128x128xf32, #tpu.memory_space<vmem_shared>>
      tpu.wait_dma2 semaphore(%run_scoped3A : memref<!tpu.dma_semaphore, #tpu.memory_space<semaphore_mem>>) src(%arg9 : memref<128x128xf32, #tpu.memory_space<vmem>>) dst(%dma_wait3A_52 : memref<128x128xf32, #tpu.memory_space<vmem_shared>>)
      tpu.yield
    }) : () -> ()
    %mul3A_9 = arith.constant 640 : i32
    %mul3A_10 = arith.muli %arg1, %mul3A_9 : i32
    %add3A_11 = arith.constant 256 : i32
    %add3A_12 = arith.addi %mul3A_10, %add3A_11 : i32
    "tpu.region"() ({
      %run_scoped3A = tpu.sem_alloc : memref<!tpu.dma_semaphore, #tpu.memory_space<semaphore_mem>>
      %dma_start3A = arith.constant 0 : i32
      %dma_start3A_47 = tpu.memref_slice %arg10[%add3A_12, %dma_start3A] : memref<10240x128xf32, #tpu.memory_space<vmem_shared>> -> memref<128x128xf32, #tpu.memory_space<vmem_shared>>
      %dma_start3A_48 = arith.constant 0 : i32
      %dma_start3A_49 = tpu.memref_slice %arg10[%add3A_12, %dma_start3A_48] : memref<10240x128xf32, #tpu.memory_space<vmem_shared>> -> memref<128x128xf32, #tpu.memory_space<vmem_shared>>
      tpu.enqueue_dma source(%arg9 : memref<128x128xf32, #tpu.memory_space<vmem>>) target(%dma_start3A_49 : memref<128x128xf32, #tpu.memory_space<vmem_shared>>) target_semaphore(%run_scoped3A : memref<!tpu.dma_semaphore, #tpu.memory_space<semaphore_mem>>)
      %dma_wait3A = arith.constant 0 : i32
      %dma_wait3A_50 = tpu.memref_slice %arg10[%add3A_12, %dma_wait3A] : memref<10240x128xf32, #tpu.memory_space<vmem_shared>> -> memref<128x128xf32, #tpu.memory_space<vmem_shared>>
      %dma_wait3A_51 = arith.constant 0 : i32
      %dma_wait3A_52 = tpu.memref_slice %arg10[%add3A_12, %dma_wait3A_51] : memref<10240x128xf32, #tpu.memory_space<vmem_shared>> -> memref<128x128xf32, #tpu.memory_space<vmem_shared>>
      tpu.wait_dma2 semaphore(%run_scoped3A : memref<!tpu.dma_semaphore, #tpu.memory_space<semaphore_mem>>) src(%arg9 : memref<128x128xf32, #tpu.memory_space<vmem>>) dst(%dma_wait3A_52 : memref<128x128xf32, #tpu.memory_space<vmem_shared>>)
      tpu.yield
    }) : () -> ()
    %mul3A_13 = arith.constant 640 : i32
    %mul3A_14 = arith.muli %arg1, %mul3A_13 : i32
    %add3A_15 = arith.constant 384 : i32
    %add3A_16 = arith.addi %mul3A_14, %add3A_15 : i32
    "tpu.region"() ({
      %run_scoped3A = tpu.sem_alloc : memref<!tpu.dma_semaphore, #tpu.memory_space<semaphore_mem>>
      %dma_start3A = arith.constant 0 : i32
      %dma_start3A_47 = tpu.memref_slice %arg10[%add3A_16, %dma_start3A] : memref<10240x128xf32, #tpu.memory_space<vmem_shared>> -> memref<128x128xf32, #tpu.memory_space<vmem_shared>>
      %dma_start3A_48 = arith.constant 0 : i32
      %dma_start3A_49 = tpu.memref_slice %arg10[%add3A_16, %dma_start3A_48] : memref<10240x128xf32, #tpu.memory_space<vmem_shared>> -> memref<128x128xf32, #tpu.memory_space<vmem_shared>>
      tpu.enqueue_dma source(%arg9 : memref<128x128xf32, #tpu.memory_space<vmem>>) target(%dma_start3A_49 : memref<128x128xf32, #tpu.memory_space<vmem_shared>>) target_semaphore(%run_scoped3A : memref<!tpu.dma_semaphore, #tpu.memory_space<semaphore_mem>>)
      %dma_wait3A = arith.constant 0 : i32
      %dma_wait3A_50 = tpu.memref_slice %arg10[%add3A_16, %dma_wait3A] : memref<10240x128xf32, #tpu.memory_space<vmem_shared>> -> memref<128x128xf32, #tpu.memory_space<vmem_shared>>
      %dma_wait3A_51 = arith.constant 0 : i32
      %dma_wait3A_52 = tpu.memref_slice %arg10[%add3A_16, %dma_wait3A_51] : memref<10240x128xf32, #tpu.memory_space<vmem_shared>> -> memref<128x128xf32, #tpu.memory_space<vmem_shared>>
      tpu.wait_dma2 semaphore(%run_scoped3A : memref<!tpu.dma_semaphore, #tpu.memory_space<semaphore_mem>>) src(%arg9 : memref<128x128xf32, #tpu.memory_space<vmem>>) dst(%dma_wait3A_52 : memref<128x128xf32, #tpu.memory_space<vmem_shared>>)
      tpu.yield
    }) : () -> ()
    %mul3A_17 = arith.constant 640 : i32
    %mul3A_18 = arith.muli %arg1, %mul3A_17 : i32
    %add3A_19 = arith.constant 512 : i32
    %add3A_20 = arith.addi %mul3A_18, %add3A_19 : i32
    "tpu.region"() ({
      %run_scoped3A = tpu.sem_alloc : memref<!tpu.dma_semaphore, #tpu.memory_space<semaphore_mem>>
      %dma_start3A = arith.constant 0 : i32
      %dma_start3A_47 = tpu.memref_slice %arg10[%add3A_20, %dma_start3A] : memref<10240x128xf32, #tpu.memory_space<vmem_shared>> -> memref<128x128xf32, #tpu.memory_space<vmem_shared>>
      %dma_start3A_48 = arith.constant 0 : i32
      %dma_start3A_49 = tpu.memref_slice %arg10[%add3A_20, %dma_start3A_48] : memref<10240x128xf32, #tpu.memory_space<vmem_shared>> -> memref<128x128xf32, #tpu.memory_space<vmem_shared>>
      tpu.enqueue_dma source(%arg9 : memref<128x128xf32, #tpu.memory_space<vmem>>) target(%dma_start3A_49 : memref<128x128xf32, #tpu.memory_space<vmem_shared>>) target_semaphore(%run_scoped3A : memref<!tpu.dma_semaphore, #tpu.memory_space<semaphore_mem>>)
      %dma_wait3A = arith.constant 0 : i32
      %dma_wait3A_50 = tpu.memref_slice %arg10[%add3A_20, %dma_wait3A] : memref<10240x128xf32, #tpu.memory_space<vmem_shared>> -> memref<128x128xf32, #tpu.memory_space<vmem_shared>>
      %dma_wait3A_51 = arith.constant 0 : i32
      %dma_wait3A_52 = tpu.memref_slice %arg10[%add3A_20, %dma_wait3A_51] : memref<10240x128xf32, #tpu.memory_space<vmem_shared>> -> memref<128x128xf32, #tpu.memory_space<vmem_shared>>
      tpu.wait_dma2 semaphore(%run_scoped3A : memref<!tpu.dma_semaphore, #tpu.memory_space<semaphore_mem>>) src(%arg9 : memref<128x128xf32, #tpu.memory_space<vmem>>) dst(%dma_wait3A_52 : memref<128x128xf32, #tpu.memory_space<vmem_shared>>)
      tpu.yield
    }) : () -> ()
    %barrier3A = arith.constant 0 : index
    tpu.barrier barrier_id(%barrier3A)
    %scan3A = arith.constant 0 : i32
    %scan3A_21 = arith.constant 0 : i32
    %scan3A_22 = arith.constant 79 : i32
    %scan3A_23 = arith.addi %scan3A_21, %scan3A_22 : i32
    %scan3A_24 = arith.constant 1 : i32
    scf.for %scan3A_47 = %scan3A_21 to %scan3A_23 step %scan3A_24  : i32 {
      %mul3A_48 = arith.constant 10112 : i32
      %mul3A_49 = arith.muli %add3A, %mul3A_48 : i32
      %mul3A_50 = arith.constant 128 : i32
      %mul3A_51 = arith.muli %scan3A_47, %mul3A_50 : i32
      %add3A_52 = arith.addi %mul3A_49, %mul3A_51 : i32
      "tpu.region"() ({
        %run_scoped3A = tpu.sem_alloc : memref<!tpu.dma_semaphore, #tpu.memory_space<semaphore_mem>>
        %dma_start3A_57 = tpu.memref_slice %arg3[%add3A_52] : memref<323584xi32, #tpu.memory_space<hbm>> -> memref<128xi32, #tpu.memory_space<hbm>>
        %dma_start3A_58 = tpu.memref_slice %arg3[%add3A_52] : memref<323584xi32, #tpu.memory_space<hbm>> -> memref<128xi32, #tpu.memory_space<hbm>>
        tpu.enqueue_dma source(%dma_start3A_58 : memref<128xi32, #tpu.memory_space<hbm>>) target(%arg7 : memref<128xi32, #tpu.memory_space<vmem>>) target_semaphore(%run_scoped3A : memref<!tpu.dma_semaphore, #tpu.memory_space<semaphore_mem>>)
        %dma_wait3A_59 = tpu.memref_slice %arg3[%add3A_52] : memref<323584xi32, #tpu.memory_space<hbm>> -> memref<128xi32, #tpu.memory_space<hbm>>
        %dma_wait3A_60 = tpu.memref_slice %arg3[%add3A_52] : memref<323584xi32, #tpu.memory_space<hbm>> -> memref<128xi32, #tpu.memory_space<hbm>>
        tpu.wait_dma2 semaphore(%run_scoped3A : memref<!tpu.dma_semaphore, #tpu.memory_space<semaphore_mem>>) src(%dma_wait3A_60 : memref<128xi32, #tpu.memory_space<hbm>>) dst(%arg7 : memref<128xi32, #tpu.memory_space<vmem>>)
        tpu.yield
      }) : () -> ()
      %dma_start3A = arith.constant 0 : i32
      %dma_start3A_53 = arith.constant 0 : i32
      %dma_start3A_54 = tpu.memref_slice %arg2[%dma_start3A, %dma_start3A_53] : memref<10240x128xf32, #tpu.memory_space<hbm>> -> memref<10240x128xf32, #tpu.memory_space<hbm>>
      tpu.enqueue_indirect_dma source(%dma_start3A_54 : memref<10240x128xf32, #tpu.memory_space<hbm>>) target(%arg9 : memref<128x128xf32, #tpu.memory_space<vmem>>) offsets(%arg7 : memref<128xi32, #tpu.memory_space<vmem>>) semaphore(%arg11 : memref<!tpu.dma_semaphore, #tpu.memory_space<semaphore_mem>>)
      %dma_wait3A = arith.constant 0 : i32
      %dma_wait3A_55 = arith.constant 0 : i32
      %dma_wait3A_56 = tpu.memref_slice %arg2[%dma_wait3A, %dma_wait3A_55] : memref<10240x128xf32, #tpu.memory_space<hbm>> -> memref<10240x128xf32, #tpu.memory_space<hbm>>
      tpu.wait_indirect_dma semaphore(%arg11 : memref<!tpu.dma_semaphore, #tpu.memory_space<semaphore_mem>>) src(%dma_wait3A_56 : memref<10240x128xf32, #tpu.memory_space<hbm>>) dst(%arg9 : memref<128x128xf32, #tpu.memory_space<vmem>>)
      "tpu.region"() ({
        %run_scoped3A = tpu.sem_alloc : memref<!tpu.dma_semaphore, #tpu.memory_space<semaphore_mem>>
        %dma_start3A_57 = tpu.memref_slice %arg4[%add3A_52] : memref<323584xi32, #tpu.memory_space<hbm>> -> memref<128xi32, #tpu.memory_space<hbm>>
        %dma_start3A_58 = tpu.memref_slice %arg4[%add3A_52] : memref<323584xi32, #tpu.memory_space<hbm>> -> memref<128xi32, #tpu.memory_space<hbm>>
        tpu.enqueue_dma source(%dma_start3A_58 : memref<128xi32, #tpu.memory_space<hbm>>) target(%arg8 : memref<128xi32, #tpu.memory_space<vmem>>) target_semaphore(%run_scoped3A : memref<!tpu.dma_semaphore, #tpu.memory_space<semaphore_mem>>)
        %dma_wait3A_59 = tpu.memref_slice %arg4[%add3A_52] : memref<323584xi32, #tpu.memory_space<hbm>> -> memref<128xi32, #tpu.memory_space<hbm>>
        %dma_wait3A_60 = tpu.memref_slice %arg4[%add3A_52] : memref<323584xi32, #tpu.memory_space<hbm>> -> memref<128xi32, #tpu.memory_space<hbm>>
        tpu.wait_dma2 semaphore(%run_scoped3A : memref<!tpu.dma_semaphore, #tpu.memory_space<semaphore_mem>>) src(%dma_wait3A_60 : memref<128xi32, #tpu.memory_space<hbm>>) dst(%arg8 : memref<128xi32, #tpu.memory_space<vmem>>)
        tpu.yield
      }) : () -> ()
      "tpu.region"() ({
        %run_scoped3A = tpu.sem_alloc : memref<!tpu.dma_semaphore, #tpu.memory_space<semaphore_mem>>
        %dma_start3A_57 = arith.constant 0 : i32
        %dma_start3A_58 = arith.constant 0 : i32
        %dma_start3A_59 = tpu.memref_slice %arg10[%dma_start3A_57, %dma_start3A_58] : memref<10240x128xf32, #tpu.memory_space<vmem_shared>> -> memref<10240x128xf32, #tpu.memory_space<vmem_shared>>
        tpu.enqueue_indirect_dma source(%arg9 : memref<128x128xf32, #tpu.memory_space<vmem>>) target(%dma_start3A_59 : memref<10240x128xf32, #tpu.memory_space<vmem_shared>>) offsets(%arg8 : memref<128xi32, #tpu.memory_space<vmem>>) semaphore(%run_scoped3A : memref<!tpu.dma_semaphore, #tpu.memory_space<semaphore_mem>>) {add = true}
        %dma_wait3A_60 = arith.constant 0 : i32
        %dma_wait3A_61 = arith.constant 0 : i32
        %dma_wait3A_62 = tpu.memref_slice %arg10[%dma_wait3A_60, %dma_wait3A_61] : memref<10240x128xf32, #tpu.memory_space<vmem_shared>> -> memref<10240x128xf32, #tpu.memory_space<vmem_shared>>
        tpu.wait_indirect_dma semaphore(%run_scoped3A : memref<!tpu.dma_semaphore, #tpu.memory_space<semaphore_mem>>) src(%arg9 : memref<128x128xf32, #tpu.memory_space<vmem>>) dst(%dma_wait3A_62 : memref<10240x128xf32, #tpu.memory_space<vmem_shared>>)
        tpu.yield
      }) : () -> ()
    }
    %scan3A_25 = arith.constant 79 : i32
    %barrier3A_26 = arith.constant 0 : index
    tpu.barrier barrier_id(%barrier3A_26)
    %mul3A_27 = arith.constant 640 : i32
    %mul3A_28 = arith.muli %arg1, %mul3A_27 : i32
    %add3A_29 = arith.constant 0 : i32
    %add3A_30 = arith.addi %mul3A_28, %add3A_29 : i32
    "tpu.region"() ({
      %run_scoped3A = tpu.sem_alloc : memref<!tpu.dma_semaphore, #tpu.memory_space<semaphore_mem>>
      %dma_start3A = arith.constant 0 : i32
      %dma_start3A_47 = tpu.memref_slice %arg10[%add3A_30, %dma_start3A] : memref<10240x128xf32, #tpu.memory_space<vmem_shared>> -> memref<128x128xf32, #tpu.memory_space<vmem_shared>>
      %dma_start3A_48 = arith.constant 0 : i32
      %dma_start3A_49 = tpu.memref_slice %arg10[%add3A_30, %dma_start3A_48] : memref<10240x128xf32, #tpu.memory_space<vmem_shared>> -> memref<128x128xf32, #tpu.memory_space<vmem_shared>>
      tpu.enqueue_dma source(%dma_start3A_49 : memref<128x128xf32, #tpu.memory_space<vmem_shared>>) target(%arg9 : memref<128x128xf32, #tpu.memory_space<vmem>>) target_semaphore(%run_scoped3A : memref<!tpu.dma_semaphore, #tpu.memory_space<semaphore_mem>>)
      %dma_wait3A = arith.constant 0 : i32
      %dma_wait3A_50 = tpu.memref_slice %arg10[%add3A_30, %dma_wait3A] : memref<10240x128xf32, #tpu.memory_space<vmem_shared>> -> memref<128x128xf32, #tpu.memory_space<vmem_shared>>
      %dma_wait3A_51 = arith.constant 0 : i32
      %dma_wait3A_52 = tpu.memref_slice %arg10[%add3A_30, %dma_wait3A_51] : memref<10240x128xf32, #tpu.memory_space<vmem_shared>> -> memref<128x128xf32, #tpu.memory_space<vmem_shared>>
      tpu.wait_dma2 semaphore(%run_scoped3A : memref<!tpu.dma_semaphore, #tpu.memory_space<semaphore_mem>>) src(%dma_wait3A_52 : memref<128x128xf32, #tpu.memory_space<vmem_shared>>) dst(%arg9 : memref<128x128xf32, #tpu.memory_space<vmem>>)
      tpu.yield
    }) : () -> ()
    "tpu.region"() ({
      %run_scoped3A = tpu.sem_alloc : memref<!tpu.dma_semaphore, #tpu.memory_space<semaphore_mem>>
      %dma_start3A = arith.constant 0 : i32
      %dma_start3A_47 = tpu.memref_slice %arg6[%arg0, %add3A_30, %dma_start3A] : memref<2x10240x128xf32, #tpu.memory_space<hbm>> -> memref<1x128x128xf32, #tpu.memory_space<hbm>>
      %dma_start3A_48 = tpu.memref_squeeze %dma_start3A_47 : memref<1x128x128xf32, #tpu.memory_space<hbm>> -> memref<128x128xf32, #tpu.memory_space<hbm>>
      %dma_start3A_49 = arith.constant 0 : i32
      %dma_start3A_50 = tpu.memref_slice %arg6[%arg0, %add3A_30, %dma_start3A_49] : memref<2x10240x128xf32, #tpu.memory_space<hbm>> -> memref<1x128x128xf32, #tpu.memory_space<hbm>>
      %dma_start3A_51 = tpu.memref_squeeze %dma_start3A_50 : memref<1x128x128xf32, #tpu.memory_space<hbm>> -> memref<128x128xf32, #tpu.memory_space<hbm>>
      tpu.enqueue_dma source(%arg9 : memref<128x128xf32, #tpu.memory_space<vmem>>) target(%dma_start3A_51 : memref<128x128xf32, #tpu.memory_space<hbm>>) target_semaphore(%run_scoped3A : memref<!tpu.dma_semaphore, #tpu.memory_space<semaphore_mem>>)
      %dma_wait3A = arith.constant 0 : i32
      %dma_wait3A_52 = tpu.memref_slice %arg6[%arg0, %add3A_30, %dma_wait3A] : memref<2x10240x128xf32, #tpu.memory_space<hbm>> -> memref<1x128x128xf32, #tpu.memory_space<hbm>>
      %dma_wait3A_53 = tpu.memref_squeeze %dma_wait3A_52 : memref<1x128x128xf32, #tpu.memory_space<hbm>> -> memref<128x128xf32, #tpu.memory_space<hbm>>
      %dma_wait3A_54 = arith.constant 0 : i32
      %dma_wait3A_55 = tpu.memref_slice %arg6[%arg0, %add3A_30, %dma_wait3A_54] : memref<2x10240x128xf32, #tpu.memory_space<hbm>> -> memref<1x128x128xf32, #tpu.memory_space<hbm>>
      %dma_wait3A_56 = tpu.memref_squeeze %dma_wait3A_55 : memref<1x128x128xf32, #tpu.memory_space<hbm>> -> memref<128x128xf32, #tpu.memory_space<hbm>>
      tpu.wait_dma2 semaphore(%run_scoped3A : memref<!tpu.dma_semaphore, #tpu.memory_space<semaphore_mem>>) src(%arg9 : memref<128x128xf32, #tpu.memory_space<vmem>>) dst(%dma_wait3A_56 : memref<128x128xf32, #tpu.memory_space<hbm>>)
      tpu.yield
    }) : () -> ()
    %mul3A_31 = arith.constant 640 : i32
    %mul3A_32 = arith.muli %arg1, %mul3A_31 : i32
    %add3A_33 = arith.constant 128 : i32
    %add3A_34 = arith.addi %mul3A_32, %add3A_33 : i32
    "tpu.region"() ({
      %run_scoped3A = tpu.sem_alloc : memref<!tpu.dma_semaphore, #tpu.memory_space<semaphore_mem>>
      %dma_start3A = arith.constant 0 : i32
      %dma_start3A_47 = tpu.memref_slice %arg10[%add3A_34, %dma_start3A] : memref<10240x128xf32, #tpu.memory_space<vmem_shared>> -> memref<128x128xf32, #tpu.memory_space<vmem_shared>>
      %dma_start3A_48 = arith.constant 0 : i32
      %dma_start3A_49 = tpu.memref_slice %arg10[%add3A_34, %dma_start3A_48] : memref<10240x128xf32, #tpu.memory_space<vmem_shared>> -> memref<128x128xf32, #tpu.memory_space<vmem_shared>>
      tpu.enqueue_dma source(%dma_start3A_49 : memref<128x128xf32, #tpu.memory_space<vmem_shared>>) target(%arg9 : memref<128x128xf32, #tpu.memory_space<vmem>>) target_semaphore(%run_scoped3A : memref<!tpu.dma_semaphore, #tpu.memory_space<semaphore_mem>>)
      %dma_wait3A = arith.constant 0 : i32
      %dma_wait3A_50 = tpu.memref_slice %arg10[%add3A_34, %dma_wait3A] : memref<10240x128xf32, #tpu.memory_space<vmem_shared>> -> memref<128x128xf32, #tpu.memory_space<vmem_shared>>
      %dma_wait3A_51 = arith.constant 0 : i32
      %dma_wait3A_52 = tpu.memref_slice %arg10[%add3A_34, %dma_wait3A_51] : memref<10240x128xf32, #tpu.memory_space<vmem_shared>> -> memref<128x128xf32, #tpu.memory_space<vmem_shared>>
      tpu.wait_dma2 semaphore(%run_scoped3A : memref<!tpu.dma_semaphore, #tpu.memory_space<semaphore_mem>>) src(%dma_wait3A_52 : memref<128x128xf32, #tpu.memory_space<vmem_shared>>) dst(%arg9 : memref<128x128xf32, #tpu.memory_space<vmem>>)
      tpu.yield
    }) : () -> ()
    "tpu.region"() ({
      %run_scoped3A = tpu.sem_alloc : memref<!tpu.dma_semaphore, #tpu.memory_space<semaphore_mem>>
      %dma_start3A = arith.constant 0 : i32
      %dma_start3A_47 = tpu.memref_slice %arg6[%arg0, %add3A_34, %dma_start3A] : memref<2x10240x128xf32, #tpu.memory_space<hbm>> -> memref<1x128x128xf32, #tpu.memory_space<hbm>>
      %dma_start3A_48 = tpu.memref_squeeze %dma_start3A_47 : memref<1x128x128xf32, #tpu.memory_space<hbm>> -> memref<128x128xf32, #tpu.memory_space<hbm>>
      %dma_start3A_49 = arith.constant 0 : i32
      %dma_start3A_50 = tpu.memref_slice %arg6[%arg0, %add3A_34, %dma_start3A_49] : memref<2x10240x128xf32, #tpu.memory_space<hbm>> -> memref<1x128x128xf32, #tpu.memory_space<hbm>>
      %dma_start3A_51 = tpu.memref_squeeze %dma_start3A_50 : memref<1x128x128xf32, #tpu.memory_space<hbm>> -> memref<128x128xf32, #tpu.memory_space<hbm>>
      tpu.enqueue_dma source(%arg9 : memref<128x128xf32, #tpu.memory_space<vmem>>) target(%dma_start3A_51 : memref<128x128xf32, #tpu.memory_space<hbm>>) target_semaphore(%run_scoped3A : memref<!tpu.dma_semaphore, #tpu.memory_space<semaphore_mem>>)
      %dma_wait3A = arith.constant 0 : i32
      %dma_wait3A_52 = tpu.memref_slice %arg6[%arg0, %add3A_34, %dma_wait3A] : memref<2x10240x128xf32, #tpu.memory_space<hbm>> -> memref<1x128x128xf32, #tpu.memory_space<hbm>>
      %dma_wait3A_53 = tpu.memref_squeeze %dma_wait3A_52 : memref<1x128x128xf32, #tpu.memory_space<hbm>> -> memref<128x128xf32, #tpu.memory_space<hbm>>
      %dma_wait3A_54 = arith.constant 0 : i32
      %dma_wait3A_55 = tpu.memref_slice %arg6[%arg0, %add3A_34, %dma_wait3A_54] : memref<2x10240x128xf32, #tpu.memory_space<hbm>> -> memref<1x128x128xf32, #tpu.memory_space<hbm>>
      %dma_wait3A_56 = tpu.memref_squeeze %dma_wait3A_55 : memref<1x128x128xf32, #tpu.memory_space<hbm>> -> memref<128x128xf32, #tpu.memory_space<hbm>>
      tpu.wait_dma2 semaphore(%run_scoped3A : memref<!tpu.dma_semaphore, #tpu.memory_space<semaphore_mem>>) src(%arg9 : memref<128x128xf32, #tpu.memory_space<vmem>>) dst(%dma_wait3A_56 : memref<128x128xf32, #tpu.memory_space<hbm>>)
      tpu.yield
    }) : () -> ()
    %mul3A_35 = arith.constant 640 : i32
    %mul3A_36 = arith.muli %arg1, %mul3A_35 : i32
    %add3A_37 = arith.constant 256 : i32
    %add3A_38 = arith.addi %mul3A_36, %add3A_37 : i32
    "tpu.region"() ({
      %run_scoped3A = tpu.sem_alloc : memref<!tpu.dma_semaphore, #tpu.memory_space<semaphore_mem>>
      %dma_start3A = arith.constant 0 : i32
      %dma_start3A_47 = tpu.memref_slice %arg10[%add3A_38, %dma_start3A] : memref<10240x128xf32, #tpu.memory_space<vmem_shared>> -> memref<128x128xf32, #tpu.memory_space<vmem_shared>>
      %dma_start3A_48 = arith.constant 0 : i32
      %dma_start3A_49 = tpu.memref_slice %arg10[%add3A_38, %dma_start3A_48] : memref<10240x128xf32, #tpu.memory_space<vmem_shared>> -> memref<128x128xf32, #tpu.memory_space<vmem_shared>>
      tpu.enqueue_dma source(%dma_start3A_49 : memref<128x128xf32, #tpu.memory_space<vmem_shared>>) target(%arg9 : memref<128x128xf32, #tpu.memory_space<vmem>>) target_semaphore(%run_scoped3A : memref<!tpu.dma_semaphore, #tpu.memory_space<semaphore_mem>>)
      %dma_wait3A = arith.constant 0 : i32
      %dma_wait3A_50 = tpu.memref_slice %arg10[%add3A_38, %dma_wait3A] : memref<10240x128xf32, #tpu.memory_space<vmem_shared>> -> memref<128x128xf32, #tpu.memory_space<vmem_shared>>
      %dma_wait3A_51 = arith.constant 0 : i32
      %dma_wait3A_52 = tpu.memref_slice %arg10[%add3A_38, %dma_wait3A_51] : memref<10240x128xf32, #tpu.memory_space<vmem_shared>> -> memref<128x128xf32, #tpu.memory_space<vmem_shared>>
      tpu.wait_dma2 semaphore(%run_scoped3A : memref<!tpu.dma_semaphore, #tpu.memory_space<semaphore_mem>>) src(%dma_wait3A_52 : memref<128x128xf32, #tpu.memory_space<vmem_shared>>) dst(%arg9 : memref<128x128xf32, #tpu.memory_space<vmem>>)
      tpu.yield
    }) : () -> ()
    "tpu.region"() ({
      %run_scoped3A = tpu.sem_alloc : memref<!tpu.dma_semaphore, #tpu.memory_space<semaphore_mem>>
      %dma_start3A = arith.constant 0 : i32
      %dma_start3A_47 = tpu.memref_slice %arg6[%arg0, %add3A_38, %dma_start3A] : memref<2x10240x128xf32, #tpu.memory_space<hbm>> -> memref<1x128x128xf32, #tpu.memory_space<hbm>>
      %dma_start3A_48 = tpu.memref_squeeze %dma_start3A_47 : memref<1x128x128xf32, #tpu.memory_space<hbm>> -> memref<128x128xf32, #tpu.memory_space<hbm>>
      %dma_start3A_49 = arith.constant 0 : i32
      %dma_start3A_50 = tpu.memref_slice %arg6[%arg0, %add3A_38, %dma_start3A_49] : memref<2x10240x128xf32, #tpu.memory_space<hbm>> -> memref<1x128x128xf32, #tpu.memory_space<hbm>>
      %dma_start3A_51 = tpu.memref_squeeze %dma_start3A_50 : memref<1x128x128xf32, #tpu.memory_space<hbm>> -> memref<128x128xf32, #tpu.memory_space<hbm>>
      tpu.enqueue_dma source(%arg9 : memref<128x128xf32, #tpu.memory_space<vmem>>) target(%dma_start3A_51 : memref<128x128xf32, #tpu.memory_space<hbm>>) target_semaphore(%run_scoped3A : memref<!tpu.dma_semaphore, #tpu.memory_space<semaphore_mem>>)
      %dma_wait3A = arith.constant 0 : i32
      %dma_wait3A_52 = tpu.memref_slice %arg6[%arg0, %add3A_38, %dma_wait3A] : memref<2x10240x128xf32, #tpu.memory_space<hbm>> -> memref<1x128x128xf32, #tpu.memory_space<hbm>>
      %dma_wait3A_53 = tpu.memref_squeeze %dma_wait3A_52 : memref<1x128x128xf32, #tpu.memory_space<hbm>> -> memref<128x128xf32, #tpu.memory_space<hbm>>
      %dma_wait3A_54 = arith.constant 0 : i32
      %dma_wait3A_55 = tpu.memref_slice %arg6[%arg0, %add3A_38, %dma_wait3A_54] : memref<2x10240x128xf32, #tpu.memory_space<hbm>> -> memref<1x128x128xf32, #tpu.memory_space<hbm>>
      %dma_wait3A_56 = tpu.memref_squeeze %dma_wait3A_55 : memref<1x128x128xf32, #tpu.memory_space<hbm>> -> memref<128x128xf32, #tpu.memory_space<hbm>>
      tpu.wait_dma2 semaphore(%run_scoped3A : memref<!tpu.dma_semaphore, #tpu.memory_space<semaphore_mem>>) src(%arg9 : memref<128x128xf32, #tpu.memory_space<vmem>>) dst(%dma_wait3A_56 : memref<128x128xf32, #tpu.memory_space<hbm>>)
      tpu.yield
    }) : () -> ()
    %mul3A_39 = arith.constant 640 : i32
    %mul3A_40 = arith.muli %arg1, %mul3A_39 : i32
    %add3A_41 = arith.constant 384 : i32
    %add3A_42 = arith.addi %mul3A_40, %add3A_41 : i32
    "tpu.region"() ({
      %run_scoped3A = tpu.sem_alloc : memref<!tpu.dma_semaphore, #tpu.memory_space<semaphore_mem>>
      %dma_start3A = arith.constant 0 : i32
      %dma_start3A_47 = tpu.memref_slice %arg10[%add3A_42, %dma_start3A] : memref<10240x128xf32, #tpu.memory_space<vmem_shared>> -> memref<128x128xf32, #tpu.memory_space<vmem_shared>>
      %dma_start3A_48 = arith.constant 0 : i32
      %dma_start3A_49 = tpu.memref_slice %arg10[%add3A_42, %dma_start3A_48] : memref<10240x128xf32, #tpu.memory_space<vmem_shared>> -> memref<128x128xf32, #tpu.memory_space<vmem_shared>>
      tpu.enqueue_dma source(%dma_start3A_49 : memref<128x128xf32, #tpu.memory_space<vmem_shared>>) target(%arg9 : memref<128x128xf32, #tpu.memory_space<vmem>>) target_semaphore(%run_scoped3A : memref<!tpu.dma_semaphore, #tpu.memory_space<semaphore_mem>>)
      %dma_wait3A = arith.constant 0 : i32
      %dma_wait3A_50 = tpu.memref_slice %arg10[%add3A_42, %dma_wait3A] : memref<10240x128xf32, #tpu.memory_space<vmem_shared>> -> memref<128x128xf32, #tpu.memory_space<vmem_shared>>
      %dma_wait3A_51 = arith.constant 0 : i32
      %dma_wait3A_52 = tpu.memref_slice %arg10[%add3A_42, %dma_wait3A_51] : memref<10240x128xf32, #tpu.memory_space<vmem_shared>> -> memref<128x128xf32, #tpu.memory_space<vmem_shared>>
      tpu.wait_dma2 semaphore(%run_scoped3A : memref<!tpu.dma_semaphore, #tpu.memory_space<semaphore_mem>>) src(%dma_wait3A_52 : memref<128x128xf32, #tpu.memory_space<vmem_shared>>) dst(%arg9 : memref<128x128xf32, #tpu.memory_space<vmem>>)
      tpu.yield
    }) : () -> ()
    "tpu.region"() ({
      %run_scoped3A = tpu.sem_alloc : memref<!tpu.dma_semaphore, #tpu.memory_space<semaphore_mem>>
      %dma_start3A = arith.constant 0 : i32
      %dma_start3A_47 = tpu.memref_slice %arg6[%arg0, %add3A_42, %dma_start3A] : memref<2x10240x128xf32, #tpu.memory_space<hbm>> -> memref<1x128x128xf32, #tpu.memory_space<hbm>>
      %dma_start3A_48 = tpu.memref_squeeze %dma_start3A_47 : memref<1x128x128xf32, #tpu.memory_space<hbm>> -> memref<128x128xf32, #tpu.memory_space<hbm>>
      %dma_start3A_49 = arith.constant 0 : i32
      %dma_start3A_50 = tpu.memref_slice %arg6[%arg0, %add3A_42, %dma_start3A_49] : memref<2x10240x128xf32, #tpu.memory_space<hbm>> -> memref<1x128x128xf32, #tpu.memory_space<hbm>>
      %dma_start3A_51 = tpu.memref_squeeze %dma_start3A_50 : memref<1x128x128xf32, #tpu.memory_space<hbm>> -> memref<128x128xf32, #tpu.memory_space<hbm>>
      tpu.enqueue_dma source(%arg9 : memref<128x128xf32, #tpu.memory_space<vmem>>) target(%dma_start3A_51 : memref<128x128xf32, #tpu.memory_space<hbm>>) target_semaphore(%run_scoped3A : memref<!tpu.dma_semaphore, #tpu.memory_space<semaphore_mem>>)
      %dma_wait3A = arith.constant 0 : i32
      %dma_wait3A_52 = tpu.memref_slice %arg6[%arg0, %add3A_42, %dma_wait3A] : memref<2x10240x128xf32, #tpu.memory_space<hbm>> -> memref<1x128x128xf32, #tpu.memory_space<hbm>>
      %dma_wait3A_53 = tpu.memref_squeeze %dma_wait3A_52 : memref<1x128x128xf32, #tpu.memory_space<hbm>> -> memref<128x128xf32, #tpu.memory_space<hbm>>
      %dma_wait3A_54 = arith.constant 0 : i32
      %dma_wait3A_55 = tpu.memref_slice %arg6[%arg0, %add3A_42, %dma_wait3A_54] : memref<2x10240x128xf32, #tpu.memory_space<hbm>> -> memref<1x128x128xf32, #tpu.memory_space<hbm>>
      %dma_wait3A_56 = tpu.memref_squeeze %dma_wait3A_55 : memref<1x128x128xf32, #tpu.memory_space<hbm>> -> memref<128x128xf32, #tpu.memory_space<hbm>>
      tpu.wait_dma2 semaphore(%run_scoped3A : memref<!tpu.dma_semaphore, #tpu.memory_space<semaphore_mem>>) src(%arg9 : memref<128x128xf32, #tpu.memory_space<vmem>>) dst(%dma_wait3A_56 : memref<128x128xf32, #tpu.memory_space<hbm>>)
      tpu.yield
    }) : () -> ()
    %mul3A_43 = arith.constant 640 : i32
    %mul3A_44 = arith.muli %arg1, %mul3A_43 : i32
    %add3A_45 = arith.constant 512 : i32
    %add3A_46 = arith.addi %mul3A_44, %add3A_45 : i32
    "tpu.region"() ({
      %run_scoped3A = tpu.sem_alloc : memref<!tpu.dma_semaphore, #tpu.memory_space<semaphore_mem>>
      %dma_start3A = arith.constant 0 : i32
      %dma_start3A_47 = tpu.memref_slice %arg10[%add3A_46, %dma_start3A] : memref<10240x128xf32, #tpu.memory_space<vmem_shared>> -> memref<128x128xf32, #tpu.memory_space<vmem_shared>>
      %dma_start3A_48 = arith.constant 0 : i32
      %dma_start3A_49 = tpu.memref_slice %arg10[%add3A_46, %dma_start3A_48] : memref<10240x128xf32, #tpu.memory_space<vmem_shared>> -> memref<128x128xf32, #tpu.memory_space<vmem_shared>>
      tpu.enqueue_dma source(%dma_start3A_49 : memref<128x128xf32, #tpu.memory_space<vmem_shared>>) target(%arg9 : memref<128x128xf32, #tpu.memory_space<vmem>>) target_semaphore(%run_scoped3A : memref<!tpu.dma_semaphore, #tpu.memory_space<semaphore_mem>>)
      %dma_wait3A = arith.constant 0 : i32
      %dma_wait3A_50 = tpu.memref_slice %arg10[%add3A_46, %dma_wait3A] : memref<10240x128xf32, #tpu.memory_space<vmem_shared>> -> memref<128x128xf32, #tpu.memory_space<vmem_shared>>
      %dma_wait3A_51 = arith.constant 0 : i32
      %dma_wait3A_52 = tpu.memref_slice %arg10[%add3A_46, %dma_wait3A_51] : memref<10240x128xf32, #tpu.memory_space<vmem_shared>> -> memref<128x128xf32, #tpu.memory_space<vmem_shared>>
      tpu.wait_dma2 semaphore(%run_scoped3A : memref<!tpu.dma_semaphore, #tpu.memory_space<semaphore_mem>>) src(%dma_wait3A_52 : memref<128x128xf32, #tpu.memory_space<vmem_shared>>) dst(%arg9 : memref<128x128xf32, #tpu.memory_space<vmem>>)
      tpu.yield
    }) : () -> ()
    "tpu.region"() ({
      %run_scoped3A = tpu.sem_alloc : memref<!tpu.dma_semaphore, #tpu.memory_space<semaphore_mem>>
      %dma_start3A = arith.constant 0 : i32
      %dma_start3A_47 = tpu.memref_slice %arg6[%arg0, %add3A_46, %dma_start3A] : memref<2x10240x128xf32, #tpu.memory_space<hbm>> -> memref<1x128x128xf32, #tpu.memory_space<hbm>>
      %dma_start3A_48 = tpu.memref_squeeze %dma_start3A_47 : memref<1x128x128xf32, #tpu.memory_space<hbm>> -> memref<128x128xf32, #tpu.memory_space<hbm>>
      %dma_start3A_49 = arith.constant 0 : i32
      %dma_start3A_50 = tpu.memref_slice %arg6[%arg0, %add3A_46, %dma_start3A_49] : memref<2x10240x128xf32, #tpu.memory_space<hbm>> -> memref<1x128x128xf32, #tpu.memory_space<hbm>>
      %dma_start3A_51 = tpu.memref_squeeze %dma_start3A_50 : memref<1x128x128xf32, #tpu.memory_space<hbm>> -> memref<128x128xf32, #tpu.memory_space<hbm>>
      tpu.enqueue_dma source(%arg9 : memref<128x128xf32, #tpu.memory_space<vmem>>) target(%dma_start3A_51 : memref<128x128xf32, #tpu.memory_space<hbm>>) target_semaphore(%run_scoped3A : memref<!tpu.dma_semaphore, #tpu.memory_space<semaphore_mem>>)
      %dma_wait3A = arith.constant 0 : i32
      %dma_wait3A_52 = tpu.memref_slice %arg6[%arg0, %add3A_46, %dma_wait3A] : memref<2x10240x128xf32, #tpu.memory_space<hbm>> -> memref<1x128x128xf32, #tpu.memory_space<hbm>>
      %dma_wait3A_53 = tpu.memref_squeeze %dma_wait3A_52 : memref<1x128x128xf32, #tpu.memory_space<hbm>> -> memref<128x128xf32, #tpu.memory_space<hbm>>
      %dma_wait3A_54 = arith.constant 0 : i32
      %dma_wait3A_55 = tpu.memref_slice %arg6[%arg0, %add3A_46, %dma_wait3A_54] : memref<2x10240x128xf32, #tpu.memory_space<hbm>> -> memref<1x128x128xf32, #tpu.memory_space<hbm>>
      %dma_wait3A_56 = tpu.memref_squeeze %dma_wait3A_55 : memref<1x128x128xf32, #tpu.memory_space<hbm>> -> memref<128x128xf32, #tpu.memory_space<hbm>>
      tpu.wait_dma2 semaphore(%run_scoped3A : memref<!tpu.dma_semaphore, #tpu.memory_space<semaphore_mem>>) src(%arg9 : memref<128x128xf32, #tpu.memory_space<vmem>>) dst(%dma_wait3A_56 : memref<128x128xf32, #tpu.memory_space<hbm>>)
      tpu.yield
    }) : () -> ()
    return
  }
}

#map = affine_map<(d0, d1) -> (0, 0)>
#map1 = affine_map<(d0, d1) -> (0)>
#map2 = affine_map<(d0, d1) -> (0, 0, 0)>
module attributes {stable_mosaic.version = 14 : i64} {
  func.func @_msg_body(%arg0: i32, %arg1: i32, %arg2: memref<10240x128xf32, #tpu.memory_space<hbm>>, %arg3: memref<323584xi32, #tpu.memory_space<hbm>>, %arg4: memref<323584xi32, #tpu.memory_space<hbm>>, %arg5: memref<128x128xf32, #tpu.memory_space<hbm>>, %arg6: memref<2x10240x128xf32, #tpu.memory_space<hbm>>, %arg7: memref<128xi32, #tpu.memory_space<vmem>>, %arg8: memref<128xi32, #tpu.memory_space<vmem>>, %arg9: memref<128x128xf32, #tpu.memory_space<vmem>>, %arg10: memref<10240x128xf32, #tpu.memory_space<vmem_shared>>, %arg11: memref<!tpu.dma_semaphore, #tpu.memory_space<semaphore_mem>>) attributes {dimension_semantics = [#tpu.dimension_semantics<core_parallel>, #tpu.dimension_semantics<subcore_parallel>], iteration_bounds = array<i64: 2, 16>, scalar_prefetch = 0 : i64, scratch_operands = 5 : i64, tpu.core_type = #tpu.core_type<sc_vector_subcore>, window_params = [{transform_indices = #map}, {transform_indices = #map1}, {transform_indices = #map1}, {transform_indices = #map}, {transform_indices = #map2}]} {
    %mul3A = arith.constant 16 : i32
    %mul3A_0 = arith.muli %arg0, %mul3A : i32
    %add3A = arith.addi %mul3A_0, %arg1 : i32
    "tpu.region"() ({
      %run_scoped3A = tpu.sem_alloc : memref<!tpu.dma_semaphore, #tpu.memory_space<semaphore_mem>>
      tpu.enqueue_dma source(%arg5 : memref<128x128xf32, #tpu.memory_space<hbm>>) target(%arg9 : memref<128x128xf32, #tpu.memory_space<vmem>>) target_semaphore(%run_scoped3A : memref<!tpu.dma_semaphore, #tpu.memory_space<semaphore_mem>>)
      tpu.wait_dma2 semaphore(%run_scoped3A : memref<!tpu.dma_semaphore, #tpu.memory_space<semaphore_mem>>) src(%arg5 : memref<128x128xf32, #tpu.memory_space<hbm>>) dst(%arg9 : memref<128x128xf32, #tpu.memory_space<vmem>>)
      tpu.yield
    }) : () -> ()
    %mul3A_1 = arith.constant 640 : i32
    %mul3A_2 = arith.muli %arg1, %mul3A_1 : i32
    %add3A_3 = arith.constant 0 : i32
    %add3A_4 = arith.addi %mul3A_2, %add3A_3 : i32
    "tpu.region"() ({
      %run_scoped3A = tpu.sem_alloc : memref<!tpu.dma_semaphore, #tpu.memory_space<semaphore_mem>>
      %dma_start3A = arith.constant 0 : i32
      %dma_start3A_47 = tpu.memref_slice %arg10[%add3A_4, %dma_start3A] : memref<10240x128xf32, #tpu.memory_space<vmem_shared>> -> memref<128x128xf32, #tpu.memory_space<vmem_shared>>
      %dma_start3A_48 = arith.constant 0 : i32
      %dma_start3A_49 = tpu.memref_slice %arg10[%add3A_4, %dma_start3A_48] : memref<10240x128xf32, #tpu.memory_space<vmem_shared>> -> memref<128x128xf32, #tpu.memory_space<vmem_shared>>
      tpu.enqueue_dma source(%arg9 : memref<128x128xf32, #tpu.memory_space<vmem>>) target(%dma_start3A_49 : memref<128x128xf32, #tpu.memory_space<vmem_shared>>) target_semaphore(%run_scoped3A : memref<!tpu.dma_semaphore, #tpu.memory_space<semaphore_mem>>)
      %dma_wait3A = arith.constant 0 : i32
      %dma_wait3A_50 = tpu.memref_slice %arg10[%add3A_4, %dma_wait3A] : memref<10240x128xf32, #tpu.memory_space<vmem_shared>> -> memref<128x128xf32, #tpu.memory_space<vmem_shared>>
      %dma_wait3A_51 = arith.constant 0 : i32
      %dma_wait3A_52 = tpu.memref_slice %arg10[%add3A_4, %dma_wait3A_51] : memref<10240x128xf32, #tpu.memory_space<vmem_shared>> -> memref<128x128xf32, #tpu.memory_space<vmem_shared>>
      tpu.wait_dma2 semaphore(%run_scoped3A : memref<!tpu.dma_semaphore, #tpu.memory_space<semaphore_mem>>) src(%arg9 : memref<128x128xf32, #tpu.memory_space<vmem>>) dst(%dma_wait3A_52 : memref<128x128xf32, #tpu.memory_space<vmem_shared>>)
      tpu.yield
    }) : () -> ()
    %mul3A_5 = arith.constant 640 : i32
    %mul3A_6 = arith.muli %arg1, %mul3A_5 : i32
    %add3A_7 = arith.constant 128 : i32
    %add3A_8 = arith.addi %mul3A_6, %add3A_7 : i32
    "tpu.region"() ({
      %run_scoped3A = tpu.sem_alloc : memref<!tpu.dma_semaphore, #tpu.memory_space<semaphore_mem>>
      %dma_start3A = arith.constant 0 : i32
      %dma_start3A_47 = tpu.memref_slice %arg10[%add3A_8, %dma_start3A] : memref<10240x128xf32, #tpu.memory_space<vmem_shared>> -> memref<128x128xf32, #tpu.memory_space<vmem_shared>>
      %dma_start3A_48 = arith.constant 0 : i32
      %dma_start3A_49 = tpu.memref_slice %arg10[%add3A_8, %dma_start3A_48] : memref<10240x128xf32, #tpu.memory_space<vmem_shared>> -> memref<128x128xf32, #tpu.memory_space<vmem_shared>>
      tpu.enqueue_dma source(%arg9 : memref<128x128xf32, #tpu.memory_space<vmem>>) target(%dma_start3A_49 : memref<128x128xf32, #tpu.memory_space<vmem_shared>>) target_semaphore(%run_scoped3A : memref<!tpu.dma_semaphore, #tpu.memory_space<semaphore_mem>>)
      %dma_wait3A = arith.constant 0 : i32
      %dma_wait3A_50 = tpu.memref_slice %arg10[%add3A_8, %dma_wait3A] : memref<10240x128xf32, #tpu.memory_space<vmem_shared>> -> memref<128x128xf32, #tpu.memory_space<vmem_shared>>
      %dma_wait3A_51 = arith.constant 0 : i32
      %dma_wait3A_52 = tpu.memref_slice %arg10[%add3A_8, %dma_wait3A_51] : memref<10240x128xf32, #tpu.memory_space<vmem_shared>> -> memref<128x128xf32, #tpu.memory_space<vmem_shared>>
      tpu.wait_dma2 semaphore(%run_scoped3A : memref<!tpu.dma_semaphore, #tpu.memory_space<semaphore_mem>>) src(%arg9 : memref<128x128xf32, #tpu.memory_space<vmem>>) dst(%dma_wait3A_52 : memref<128x128xf32, #tpu.memory_space<vmem_shared>>)
      tpu.yield
    }) : () -> ()
    %mul3A_9 = arith.constant 640 : i32
    %mul3A_10 = arith.muli %arg1, %mul3A_9 : i32
    %add3A_11 = arith.constant 256 : i32
    %add3A_12 = arith.addi %mul3A_10, %add3A_11 : i32
    "tpu.region"() ({
      %run_scoped3A = tpu.sem_alloc : memref<!tpu.dma_semaphore, #tpu.memory_space<semaphore_mem>>
      %dma_start3A = arith.constant 0 : i32
      %dma_start3A_47 = tpu.memref_slice %arg10[%add3A_12, %dma_start3A] : memref<10240x128xf32, #tpu.memory_space<vmem_shared>> -> memref<128x128xf32, #tpu.memory_space<vmem_shared>>
      %dma_start3A_48 = arith.constant 0 : i32
      %dma_start3A_49 = tpu.memref_slice %arg10[%add3A_12, %dma_start3A_48] : memref<10240x128xf32, #tpu.memory_space<vmem_shared>> -> memref<128x128xf32, #tpu.memory_space<vmem_shared>>
      tpu.enqueue_dma source(%arg9 : memref<128x128xf32, #tpu.memory_space<vmem>>) target(%dma_start3A_49 : memref<128x128xf32, #tpu.memory_space<vmem_shared>>) target_semaphore(%run_scoped3A : memref<!tpu.dma_semaphore, #tpu.memory_space<semaphore_mem>>)
      %dma_wait3A = arith.constant 0 : i32
      %dma_wait3A_50 = tpu.memref_slice %arg10[%add3A_12, %dma_wait3A] : memref<10240x128xf32, #tpu.memory_space<vmem_shared>> -> memref<128x128xf32, #tpu.memory_space<vmem_shared>>
      %dma_wait3A_51 = arith.constant 0 : i32
      %dma_wait3A_52 = tpu.memref_slice %arg10[%add3A_12, %dma_wait3A_51] : memref<10240x128xf32, #tpu.memory_space<vmem_shared>> -> memref<128x128xf32, #tpu.memory_space<vmem_shared>>
      tpu.wait_dma2 semaphore(%run_scoped3A : memref<!tpu.dma_semaphore, #tpu.memory_space<semaphore_mem>>) src(%arg9 : memref<128x128xf32, #tpu.memory_space<vmem>>) dst(%dma_wait3A_52 : memref<128x128xf32, #tpu.memory_space<vmem_shared>>)
      tpu.yield
    }) : () -> ()
    %mul3A_13 = arith.constant 640 : i32
    %mul3A_14 = arith.muli %arg1, %mul3A_13 : i32
    %add3A_15 = arith.constant 384 : i32
    %add3A_16 = arith.addi %mul3A_14, %add3A_15 : i32
    "tpu.region"() ({
      %run_scoped3A = tpu.sem_alloc : memref<!tpu.dma_semaphore, #tpu.memory_space<semaphore_mem>>
      %dma_start3A = arith.constant 0 : i32
      %dma_start3A_47 = tpu.memref_slice %arg10[%add3A_16, %dma_start3A] : memref<10240x128xf32, #tpu.memory_space<vmem_shared>> -> memref<128x128xf32, #tpu.memory_space<vmem_shared>>
      %dma_start3A_48 = arith.constant 0 : i32
      %dma_start3A_49 = tpu.memref_slice %arg10[%add3A_16, %dma_start3A_48] : memref<10240x128xf32, #tpu.memory_space<vmem_shared>> -> memref<128x128xf32, #tpu.memory_space<vmem_shared>>
      tpu.enqueue_dma source(%arg9 : memref<128x128xf32, #tpu.memory_space<vmem>>) target(%dma_start3A_49 : memref<128x128xf32, #tpu.memory_space<vmem_shared>>) target_semaphore(%run_scoped3A : memref<!tpu.dma_semaphore, #tpu.memory_space<semaphore_mem>>)
      %dma_wait3A = arith.constant 0 : i32
      %dma_wait3A_50 = tpu.memref_slice %arg10[%add3A_16, %dma_wait3A] : memref<10240x128xf32, #tpu.memory_space<vmem_shared>> -> memref<128x128xf32, #tpu.memory_space<vmem_shared>>
      %dma_wait3A_51 = arith.constant 0 : i32
      %dma_wait3A_52 = tpu.memref_slice %arg10[%add3A_16, %dma_wait3A_51] : memref<10240x128xf32, #tpu.memory_space<vmem_shared>> -> memref<128x128xf32, #tpu.memory_space<vmem_shared>>
      tpu.wait_dma2 semaphore(%run_scoped3A : memref<!tpu.dma_semaphore, #tpu.memory_space<semaphore_mem>>) src(%arg9 : memref<128x128xf32, #tpu.memory_space<vmem>>) dst(%dma_wait3A_52 : memref<128x128xf32, #tpu.memory_space<vmem_shared>>)
      tpu.yield
    }) : () -> ()
    %mul3A_17 = arith.constant 640 : i32
    %mul3A_18 = arith.muli %arg1, %mul3A_17 : i32
    %add3A_19 = arith.constant 512 : i32
    %add3A_20 = arith.addi %mul3A_18, %add3A_19 : i32
    "tpu.region"() ({
      %run_scoped3A = tpu.sem_alloc : memref<!tpu.dma_semaphore, #tpu.memory_space<semaphore_mem>>
      %dma_start3A = arith.constant 0 : i32
      %dma_start3A_47 = tpu.memref_slice %arg10[%add3A_20, %dma_start3A] : memref<10240x128xf32, #tpu.memory_space<vmem_shared>> -> memref<128x128xf32, #tpu.memory_space<vmem_shared>>
      %dma_start3A_48 = arith.constant 0 : i32
      %dma_start3A_49 = tpu.memref_slice %arg10[%add3A_20, %dma_start3A_48] : memref<10240x128xf32, #tpu.memory_space<vmem_shared>> -> memref<128x128xf32, #tpu.memory_space<vmem_shared>>
      tpu.enqueue_dma source(%arg9 : memref<128x128xf32, #tpu.memory_space<vmem>>) target(%dma_start3A_49 : memref<128x128xf32, #tpu.memory_space<vmem_shared>>) target_semaphore(%run_scoped3A : memref<!tpu.dma_semaphore, #tpu.memory_space<semaphore_mem>>)
      %dma_wait3A = arith.constant 0 : i32
      %dma_wait3A_50 = tpu.memref_slice %arg10[%add3A_20, %dma_wait3A] : memref<10240x128xf32, #tpu.memory_space<vmem_shared>> -> memref<128x128xf32, #tpu.memory_space<vmem_shared>>
      %dma_wait3A_51 = arith.constant 0 : i32
      %dma_wait3A_52 = tpu.memref_slice %arg10[%add3A_20, %dma_wait3A_51] : memref<10240x128xf32, #tpu.memory_space<vmem_shared>> -> memref<128x128xf32, #tpu.memory_space<vmem_shared>>
      tpu.wait_dma2 semaphore(%run_scoped3A : memref<!tpu.dma_semaphore, #tpu.memory_space<semaphore_mem>>) src(%arg9 : memref<128x128xf32, #tpu.memory_space<vmem>>) dst(%dma_wait3A_52 : memref<128x128xf32, #tpu.memory_space<vmem_shared>>)
      tpu.yield
    }) : () -> ()
    %barrier3A = arith.constant 0 : index
    tpu.barrier barrier_id(%barrier3A)
    %scan3A = arith.constant 0 : i32
    %scan3A_21 = arith.constant 0 : i32
    %scan3A_22 = arith.constant 79 : i32
    %scan3A_23 = arith.addi %scan3A_21, %scan3A_22 : i32
    %scan3A_24 = arith.constant 1 : i32
    scf.for %scan3A_47 = %scan3A_21 to %scan3A_23 step %scan3A_24  : i32 {
      %mul3A_48 = arith.constant 10112 : i32
      %mul3A_49 = arith.muli %add3A, %mul3A_48 : i32
      %mul3A_50 = arith.constant 128 : i32
      %mul3A_51 = arith.muli %scan3A_47, %mul3A_50 : i32
      %add3A_52 = arith.addi %mul3A_49, %mul3A_51 : i32
      "tpu.region"() ({
        %run_scoped3A = tpu.sem_alloc : memref<!tpu.dma_semaphore, #tpu.memory_space<semaphore_mem>>
        %dma_start3A_57 = tpu.memref_slice %arg3[%add3A_52] : memref<323584xi32, #tpu.memory_space<hbm>> -> memref<128xi32, #tpu.memory_space<hbm>>
        %dma_start3A_58 = tpu.memref_slice %arg3[%add3A_52] : memref<323584xi32, #tpu.memory_space<hbm>> -> memref<128xi32, #tpu.memory_space<hbm>>
        tpu.enqueue_dma source(%dma_start3A_58 : memref<128xi32, #tpu.memory_space<hbm>>) target(%arg7 : memref<128xi32, #tpu.memory_space<vmem>>) target_semaphore(%run_scoped3A : memref<!tpu.dma_semaphore, #tpu.memory_space<semaphore_mem>>)
        %dma_wait3A_59 = tpu.memref_slice %arg3[%add3A_52] : memref<323584xi32, #tpu.memory_space<hbm>> -> memref<128xi32, #tpu.memory_space<hbm>>
        %dma_wait3A_60 = tpu.memref_slice %arg3[%add3A_52] : memref<323584xi32, #tpu.memory_space<hbm>> -> memref<128xi32, #tpu.memory_space<hbm>>
        tpu.wait_dma2 semaphore(%run_scoped3A : memref<!tpu.dma_semaphore, #tpu.memory_space<semaphore_mem>>) src(%dma_wait3A_60 : memref<128xi32, #tpu.memory_space<hbm>>) dst(%arg7 : memref<128xi32, #tpu.memory_space<vmem>>)
        tpu.yield
      }) : () -> ()
      %dma_start3A = arith.constant 0 : i32
      %dma_start3A_53 = arith.constant 0 : i32
      %dma_start3A_54 = tpu.memref_slice %arg2[%dma_start3A, %dma_start3A_53] : memref<10240x128xf32, #tpu.memory_space<hbm>> -> memref<10240x128xf32, #tpu.memory_space<hbm>>
      tpu.enqueue_indirect_dma source(%dma_start3A_54 : memref<10240x128xf32, #tpu.memory_space<hbm>>) target(%arg9 : memref<128x128xf32, #tpu.memory_space<vmem>>) offsets(%arg7 : memref<128xi32, #tpu.memory_space<vmem>>) semaphore(%arg11 : memref<!tpu.dma_semaphore, #tpu.memory_space<semaphore_mem>>)
      %dma_wait3A = arith.constant 0 : i32
      %dma_wait3A_55 = arith.constant 0 : i32
      %dma_wait3A_56 = tpu.memref_slice %arg2[%dma_wait3A, %dma_wait3A_55] : memref<10240x128xf32, #tpu.memory_space<hbm>> -> memref<10240x128xf32, #tpu.memory_space<hbm>>
      tpu.wait_indirect_dma semaphore(%arg11 : memref<!tpu.dma_semaphore, #tpu.memory_space<semaphore_mem>>) src(%dma_wait3A_56 : memref<10240x128xf32, #tpu.memory_space<hbm>>) dst(%arg9 : memref<128x128xf32, #tpu.memory_space<vmem>>)
      "tpu.region"() ({
        %run_scoped3A = tpu.sem_alloc : memref<!tpu.dma_semaphore, #tpu.memory_space<semaphore_mem>>
        %dma_start3A_57 = tpu.memref_slice %arg4[%add3A_52] : memref<323584xi32, #tpu.memory_space<hbm>> -> memref<128xi32, #tpu.memory_space<hbm>>
        %dma_start3A_58 = tpu.memref_slice %arg4[%add3A_52] : memref<323584xi32, #tpu.memory_space<hbm>> -> memref<128xi32, #tpu.memory_space<hbm>>
        tpu.enqueue_dma source(%dma_start3A_58 : memref<128xi32, #tpu.memory_space<hbm>>) target(%arg8 : memref<128xi32, #tpu.memory_space<vmem>>) target_semaphore(%run_scoped3A : memref<!tpu.dma_semaphore, #tpu.memory_space<semaphore_mem>>)
        %dma_wait3A_59 = tpu.memref_slice %arg4[%add3A_52] : memref<323584xi32, #tpu.memory_space<hbm>> -> memref<128xi32, #tpu.memory_space<hbm>>
        %dma_wait3A_60 = tpu.memref_slice %arg4[%add3A_52] : memref<323584xi32, #tpu.memory_space<hbm>> -> memref<128xi32, #tpu.memory_space<hbm>>
        tpu.wait_dma2 semaphore(%run_scoped3A : memref<!tpu.dma_semaphore, #tpu.memory_space<semaphore_mem>>) src(%dma_wait3A_60 : memref<128xi32, #tpu.memory_space<hbm>>) dst(%arg8 : memref<128xi32, #tpu.memory_space<vmem>>)
        tpu.yield
      }) : () -> ()
      "tpu.region"() ({
        %run_scoped3A = tpu.sem_alloc : memref<!tpu.dma_semaphore, #tpu.memory_space<semaphore_mem>>
        %dma_start3A_57 = arith.constant 0 : i32
        %dma_start3A_58 = arith.constant 0 : i32
        %dma_start3A_59 = tpu.memref_slice %arg10[%dma_start3A_57, %dma_start3A_58] : memref<10240x128xf32, #tpu.memory_space<vmem_shared>> -> memref<10240x128xf32, #tpu.memory_space<vmem_shared>>
        tpu.enqueue_indirect_dma source(%arg9 : memref<128x128xf32, #tpu.memory_space<vmem>>) target(%dma_start3A_59 : memref<10240x128xf32, #tpu.memory_space<vmem_shared>>) offsets(%arg8 : memref<128xi32, #tpu.memory_space<vmem>>) semaphore(%run_scoped3A : memref<!tpu.dma_semaphore, #tpu.memory_space<semaphore_mem>>) {add = true}
        %dma_wait3A_60 = arith.constant 0 : i32
        %dma_wait3A_61 = arith.constant 0 : i32
        %dma_wait3A_62 = tpu.memref_slice %arg10[%dma_wait3A_60, %dma_wait3A_61] : memref<10240x128xf32, #tpu.memory_space<vmem_shared>> -> memref<10240x128xf32, #tpu.memory_space<vmem_shared>>
        tpu.wait_indirect_dma semaphore(%run_scoped3A : memref<!tpu.dma_semaphore, #tpu.memory_space<semaphore_mem>>) src(%arg9 : memref<128x128xf32, #tpu.memory_space<vmem>>) dst(%dma_wait3A_62 : memref<10240x128xf32, #tpu.memory_space<vmem_shared>>)
        tpu.yield
      }) : () -> ()
    }
    %scan3A_25 = arith.constant 79 : i32
    %barrier3A_26 = arith.constant 0 : index
    tpu.barrier barrier_id(%barrier3A_26)
    %mul3A_27 = arith.constant 640 : i32
    %mul3A_28 = arith.muli %arg1, %mul3A_27 : i32
    %add3A_29 = arith.constant 0 : i32
    %add3A_30 = arith.addi %mul3A_28, %add3A_29 : i32
    "tpu.region"() ({
      %run_scoped3A = tpu.sem_alloc : memref<!tpu.dma_semaphore, #tpu.memory_space<semaphore_mem>>
      %dma_start3A = arith.constant 0 : i32
      %dma_start3A_47 = tpu.memref_slice %arg10[%add3A_30, %dma_start3A] : memref<10240x128xf32, #tpu.memory_space<vmem_shared>> -> memref<128x128xf32, #tpu.memory_space<vmem_shared>>
      %dma_start3A_48 = arith.constant 0 : i32
      %dma_start3A_49 = tpu.memref_slice %arg10[%add3A_30, %dma_start3A_48] : memref<10240x128xf32, #tpu.memory_space<vmem_shared>> -> memref<128x128xf32, #tpu.memory_space<vmem_shared>>
      tpu.enqueue_dma source(%dma_start3A_49 : memref<128x128xf32, #tpu.memory_space<vmem_shared>>) target(%arg9 : memref<128x128xf32, #tpu.memory_space<vmem>>) target_semaphore(%run_scoped3A : memref<!tpu.dma_semaphore, #tpu.memory_space<semaphore_mem>>)
      %dma_wait3A = arith.constant 0 : i32
      %dma_wait3A_50 = tpu.memref_slice %arg10[%add3A_30, %dma_wait3A] : memref<10240x128xf32, #tpu.memory_space<vmem_shared>> -> memref<128x128xf32, #tpu.memory_space<vmem_shared>>
      %dma_wait3A_51 = arith.constant 0 : i32
      %dma_wait3A_52 = tpu.memref_slice %arg10[%add3A_30, %dma_wait3A_51] : memref<10240x128xf32, #tpu.memory_space<vmem_shared>> -> memref<128x128xf32, #tpu.memory_space<vmem_shared>>
      tpu.wait_dma2 semaphore(%run_scoped3A : memref<!tpu.dma_semaphore, #tpu.memory_space<semaphore_mem>>) src(%dma_wait3A_52 : memref<128x128xf32, #tpu.memory_space<vmem_shared>>) dst(%arg9 : memref<128x128xf32, #tpu.memory_space<vmem>>)
      tpu.yield
    }) : () -> ()
    "tpu.region"() ({
      %run_scoped3A = tpu.sem_alloc : memref<!tpu.dma_semaphore, #tpu.memory_space<semaphore_mem>>
      %dma_start3A = arith.constant 0 : i32
      %dma_start3A_47 = tpu.memref_slice %arg6[%arg0, %add3A_30, %dma_start3A] : memref<2x10240x128xf32, #tpu.memory_space<hbm>> -> memref<1x128x128xf32, #tpu.memory_space<hbm>>
      %dma_start3A_48 = tpu.memref_squeeze %dma_start3A_47 : memref<1x128x128xf32, #tpu.memory_space<hbm>> -> memref<128x128xf32, #tpu.memory_space<hbm>>
      %dma_start3A_49 = arith.constant 0 : i32
      %dma_start3A_50 = tpu.memref_slice %arg6[%arg0, %add3A_30, %dma_start3A_49] : memref<2x10240x128xf32, #tpu.memory_space<hbm>> -> memref<1x128x128xf32, #tpu.memory_space<hbm>>
      %dma_start3A_51 = tpu.memref_squeeze %dma_start3A_50 : memref<1x128x128xf32, #tpu.memory_space<hbm>> -> memref<128x128xf32, #tpu.memory_space<hbm>>
      tpu.enqueue_dma source(%arg9 : memref<128x128xf32, #tpu.memory_space<vmem>>) target(%dma_start3A_51 : memref<128x128xf32, #tpu.memory_space<hbm>>) target_semaphore(%run_scoped3A : memref<!tpu.dma_semaphore, #tpu.memory_space<semaphore_mem>>)
      %dma_wait3A = arith.constant 0 : i32
      %dma_wait3A_52 = tpu.memref_slice %arg6[%arg0, %add3A_30, %dma_wait3A] : memref<2x10240x128xf32, #tpu.memory_space<hbm>> -> memref<1x128x128xf32, #tpu.memory_space<hbm>>
      %dma_wait3A_53 = tpu.memref_squeeze %dma_wait3A_52 : memref<1x128x128xf32, #tpu.memory_space<hbm>> -> memref<128x128xf32, #tpu.memory_space<hbm>>
      %dma_wait3A_54 = arith.constant 0 : i32
      %dma_wait3A_55 = tpu.memref_slice %arg6[%arg0, %add3A_30, %dma_wait3A_54] : memref<2x10240x128xf32, #tpu.memory_space<hbm>> -> memref<1x128x128xf32, #tpu.memory_space<hbm>>
      %dma_wait3A_56 = tpu.memref_squeeze %dma_wait3A_55 : memref<1x128x128xf32, #tpu.memory_space<hbm>> -> memref<128x128xf32, #tpu.memory_space<hbm>>
      tpu.wait_dma2 semaphore(%run_scoped3A : memref<!tpu.dma_semaphore, #tpu.memory_space<semaphore_mem>>) src(%arg9 : memref<128x128xf32, #tpu.memory_space<vmem>>) dst(%dma_wait3A_56 : memref<128x128xf32, #tpu.memory_space<hbm>>)
      tpu.yield
    }) : () -> ()
    %mul3A_31 = arith.constant 640 : i32
    %mul3A_32 = arith.muli %arg1, %mul3A_31 : i32
    %add3A_33 = arith.constant 128 : i32
    %add3A_34 = arith.addi %mul3A_32, %add3A_33 : i32
    "tpu.region"() ({
      %run_scoped3A = tpu.sem_alloc : memref<!tpu.dma_semaphore, #tpu.memory_space<semaphore_mem>>
      %dma_start3A = arith.constant 0 : i32
      %dma_start3A_47 = tpu.memref_slice %arg10[%add3A_34, %dma_start3A] : memref<10240x128xf32, #tpu.memory_space<vmem_shared>> -> memref<128x128xf32, #tpu.memory_space<vmem_shared>>
      %dma_start3A_48 = arith.constant 0 : i32
      %dma_start3A_49 = tpu.memref_slice %arg10[%add3A_34, %dma_start3A_48] : memref<10240x128xf32, #tpu.memory_space<vmem_shared>> -> memref<128x128xf32, #tpu.memory_space<vmem_shared>>
      tpu.enqueue_dma source(%dma_start3A_49 : memref<128x128xf32, #tpu.memory_space<vmem_shared>>) target(%arg9 : memref<128x128xf32, #tpu.memory_space<vmem>>) target_semaphore(%run_scoped3A : memref<!tpu.dma_semaphore, #tpu.memory_space<semaphore_mem>>)
      %dma_wait3A = arith.constant 0 : i32
      %dma_wait3A_50 = tpu.memref_slice %arg10[%add3A_34, %dma_wait3A] : memref<10240x128xf32, #tpu.memory_space<vmem_shared>> -> memref<128x128xf32, #tpu.memory_space<vmem_shared>>
      %dma_wait3A_51 = arith.constant 0 : i32
      %dma_wait3A_52 = tpu.memref_slice %arg10[%add3A_34, %dma_wait3A_51] : memref<10240x128xf32, #tpu.memory_space<vmem_shared>> -> memref<128x128xf32, #tpu.memory_space<vmem_shared>>
      tpu.wait_dma2 semaphore(%run_scoped3A : memref<!tpu.dma_semaphore, #tpu.memory_space<semaphore_mem>>) src(%dma_wait3A_52 : memref<128x128xf32, #tpu.memory_space<vmem_shared>>) dst(%arg9 : memref<128x128xf32, #tpu.memory_space<vmem>>)
      tpu.yield
    }) : () -> ()
    "tpu.region"() ({
      %run_scoped3A = tpu.sem_alloc : memref<!tpu.dma_semaphore, #tpu.memory_space<semaphore_mem>>
      %dma_start3A = arith.constant 0 : i32
      %dma_start3A_47 = tpu.memref_slice %arg6[%arg0, %add3A_34, %dma_start3A] : memref<2x10240x128xf32, #tpu.memory_space<hbm>> -> memref<1x128x128xf32, #tpu.memory_space<hbm>>
      %dma_start3A_48 = tpu.memref_squeeze %dma_start3A_47 : memref<1x128x128xf32, #tpu.memory_space<hbm>> -> memref<128x128xf32, #tpu.memory_space<hbm>>
      %dma_start3A_49 = arith.constant 0 : i32
      %dma_start3A_50 = tpu.memref_slice %arg6[%arg0, %add3A_34, %dma_start3A_49] : memref<2x10240x128xf32, #tpu.memory_space<hbm>> -> memref<1x128x128xf32, #tpu.memory_space<hbm>>
      %dma_start3A_51 = tpu.memref_squeeze %dma_start3A_50 : memref<1x128x128xf32, #tpu.memory_space<hbm>> -> memref<128x128xf32, #tpu.memory_space<hbm>>
      tpu.enqueue_dma source(%arg9 : memref<128x128xf32, #tpu.memory_space<vmem>>) target(%dma_start3A_51 : memref<128x128xf32, #tpu.memory_space<hbm>>) target_semaphore(%run_scoped3A : memref<!tpu.dma_semaphore, #tpu.memory_space<semaphore_mem>>)
      %dma_wait3A = arith.constant 0 : i32
      %dma_wait3A_52 = tpu.memref_slice %arg6[%arg0, %add3A_34, %dma_wait3A] : memref<2x10240x128xf32, #tpu.memory_space<hbm>> -> memref<1x128x128xf32, #tpu.memory_space<hbm>>
      %dma_wait3A_53 = tpu.memref_squeeze %dma_wait3A_52 : memref<1x128x128xf32, #tpu.memory_space<hbm>> -> memref<128x128xf32, #tpu.memory_space<hbm>>
      %dma_wait3A_54 = arith.constant 0 : i32
      %dma_wait3A_55 = tpu.memref_slice %arg6[%arg0, %add3A_34, %dma_wait3A_54] : memref<2x10240x128xf32, #tpu.memory_space<hbm>> -> memref<1x128x128xf32, #tpu.memory_space<hbm>>
      %dma_wait3A_56 = tpu.memref_squeeze %dma_wait3A_55 : memref<1x128x128xf32, #tpu.memory_space<hbm>> -> memref<128x128xf32, #tpu.memory_space<hbm>>
      tpu.wait_dma2 semaphore(%run_scoped3A : memref<!tpu.dma_semaphore, #tpu.memory_space<semaphore_mem>>) src(%arg9 : memref<128x128xf32, #tpu.memory_space<vmem>>) dst(%dma_wait3A_56 : memref<128x128xf32, #tpu.memory_space<hbm>>)
      tpu.yield
    }) : () -> ()
    %mul3A_35 = arith.constant 640 : i32
    %mul3A_36 = arith.muli %arg1, %mul3A_35 : i32
    %add3A_37 = arith.constant 256 : i32
    %add3A_38 = arith.addi %mul3A_36, %add3A_37 : i32
    "tpu.region"() ({
      %run_scoped3A = tpu.sem_alloc : memref<!tpu.dma_semaphore, #tpu.memory_space<semaphore_mem>>
      %dma_start3A = arith.constant 0 : i32
      %dma_start3A_47 = tpu.memref_slice %arg10[%add3A_38, %dma_start3A] : memref<10240x128xf32, #tpu.memory_space<vmem_shared>> -> memref<128x128xf32, #tpu.memory_space<vmem_shared>>
      %dma_start3A_48 = arith.constant 0 : i32
      %dma_start3A_49 = tpu.memref_slice %arg10[%add3A_38, %dma_start3A_48] : memref<10240x128xf32, #tpu.memory_space<vmem_shared>> -> memref<128x128xf32, #tpu.memory_space<vmem_shared>>
      tpu.enqueue_dma source(%dma_start3A_49 : memref<128x128xf32, #tpu.memory_space<vmem_shared>>) target(%arg9 : memref<128x128xf32, #tpu.memory_space<vmem>>) target_semaphore(%run_scoped3A : memref<!tpu.dma_semaphore, #tpu.memory_space<semaphore_mem>>)
      %dma_wait3A = arith.constant 0 : i32
      %dma_wait3A_50 = tpu.memref_slice %arg10[%add3A_38, %dma_wait3A] : memref<10240x128xf32, #tpu.memory_space<vmem_shared>> -> memref<128x128xf32, #tpu.memory_space<vmem_shared>>
      %dma_wait3A_51 = arith.constant 0 : i32
      %dma_wait3A_52 = tpu.memref_slice %arg10[%add3A_38, %dma_wait3A_51] : memref<10240x128xf32, #tpu.memory_space<vmem_shared>> -> memref<128x128xf32, #tpu.memory_space<vmem_shared>>
      tpu.wait_dma2 semaphore(%run_scoped3A : memref<!tpu.dma_semaphore, #tpu.memory_space<semaphore_mem>>) src(%dma_wait3A_52 : memref<128x128xf32, #tpu.memory_space<vmem_shared>>) dst(%arg9 : memref<128x128xf32, #tpu.memory_space<vmem>>)
      tpu.yield
    }) : () -> ()
    "tpu.region"() ({
      %run_scoped3A = tpu.sem_alloc : memref<!tpu.dma_semaphore, #tpu.memory_space<semaphore_mem>>
      %dma_start3A = arith.constant 0 : i32
      %dma_start3A_47 = tpu.memref_slice %arg6[%arg0, %add3A_38, %dma_start3A] : memref<2x10240x128xf32, #tpu.memory_space<hbm>> -> memref<1x128x128xf32, #tpu.memory_space<hbm>>
      %dma_start3A_48 = tpu.memref_squeeze %dma_start3A_47 : memref<1x128x128xf32, #tpu.memory_space<hbm>> -> memref<128x128xf32, #tpu.memory_space<hbm>>
      %dma_start3A_49 = arith.constant 0 : i32
      %dma_start3A_50 = tpu.memref_slice %arg6[%arg0, %add3A_38, %dma_start3A_49] : memref<2x10240x128xf32, #tpu.memory_space<hbm>> -> memref<1x128x128xf32, #tpu.memory_space<hbm>>
      %dma_start3A_51 = tpu.memref_squeeze %dma_start3A_50 : memref<1x128x128xf32, #tpu.memory_space<hbm>> -> memref<128x128xf32, #tpu.memory_space<hbm>>
      tpu.enqueue_dma source(%arg9 : memref<128x128xf32, #tpu.memory_space<vmem>>) target(%dma_start3A_51 : memref<128x128xf32, #tpu.memory_space<hbm>>) target_semaphore(%run_scoped3A : memref<!tpu.dma_semaphore, #tpu.memory_space<semaphore_mem>>)
      %dma_wait3A = arith.constant 0 : i32
      %dma_wait3A_52 = tpu.memref_slice %arg6[%arg0, %add3A_38, %dma_wait3A] : memref<2x10240x128xf32, #tpu.memory_space<hbm>> -> memref<1x128x128xf32, #tpu.memory_space<hbm>>
      %dma_wait3A_53 = tpu.memref_squeeze %dma_wait3A_52 : memref<1x128x128xf32, #tpu.memory_space<hbm>> -> memref<128x128xf32, #tpu.memory_space<hbm>>
      %dma_wait3A_54 = arith.constant 0 : i32
      %dma_wait3A_55 = tpu.memref_slice %arg6[%arg0, %add3A_38, %dma_wait3A_54] : memref<2x10240x128xf32, #tpu.memory_space<hbm>> -> memref<1x128x128xf32, #tpu.memory_space<hbm>>
      %dma_wait3A_56 = tpu.memref_squeeze %dma_wait3A_55 : memref<1x128x128xf32, #tpu.memory_space<hbm>> -> memref<128x128xf32, #tpu.memory_space<hbm>>
      tpu.wait_dma2 semaphore(%run_scoped3A : memref<!tpu.dma_semaphore, #tpu.memory_space<semaphore_mem>>) src(%arg9 : memref<128x128xf32, #tpu.memory_space<vmem>>) dst(%dma_wait3A_56 : memref<128x128xf32, #tpu.memory_space<hbm>>)
      tpu.yield
    }) : () -> ()
    %mul3A_39 = arith.constant 640 : i32
    %mul3A_40 = arith.muli %arg1, %mul3A_39 : i32
    %add3A_41 = arith.constant 384 : i32
    %add3A_42 = arith.addi %mul3A_40, %add3A_41 : i32
    "tpu.region"() ({
      %run_scoped3A = tpu.sem_alloc : memref<!tpu.dma_semaphore, #tpu.memory_space<semaphore_mem>>
      %dma_start3A = arith.constant 0 : i32
      %dma_start3A_47 = tpu.memref_slice %arg10[%add3A_42, %dma_start3A] : memref<10240x128xf32, #tpu.memory_space<vmem_shared>> -> memref<128x128xf32, #tpu.memory_space<vmem_shared>>
      %dma_start3A_48 = arith.constant 0 : i32
      %dma_start3A_49 = tpu.memref_slice %arg10[%add3A_42, %dma_start3A_48] : memref<10240x128xf32, #tpu.memory_space<vmem_shared>> -> memref<128x128xf32, #tpu.memory_space<vmem_shared>>
      tpu.enqueue_dma source(%dma_start3A_49 : memref<128x128xf32, #tpu.memory_space<vmem_shared>>) target(%arg9 : memref<128x128xf32, #tpu.memory_space<vmem>>) target_semaphore(%run_scoped3A : memref<!tpu.dma_semaphore, #tpu.memory_space<semaphore_mem>>)
      %dma_wait3A = arith.constant 0 : i32
      %dma_wait3A_50 = tpu.memref_slice %arg10[%add3A_42, %dma_wait3A] : memref<10240x128xf32, #tpu.memory_space<vmem_shared>> -> memref<128x128xf32, #tpu.memory_space<vmem_shared>>
      %dma_wait3A_51 = arith.constant 0 : i32
      %dma_wait3A_52 = tpu.memref_slice %arg10[%add3A_42, %dma_wait3A_51] : memref<10240x128xf32, #tpu.memory_space<vmem_shared>> -> memref<128x128xf32, #tpu.memory_space<vmem_shared>>
      tpu.wait_dma2 semaphore(%run_scoped3A : memref<!tpu.dma_semaphore, #tpu.memory_space<semaphore_mem>>) src(%dma_wait3A_52 : memref<128x128xf32, #tpu.memory_space<vmem_shared>>) dst(%arg9 : memref<128x128xf32, #tpu.memory_space<vmem>>)
      tpu.yield
    }) : () -> ()
    "tpu.region"() ({
      %run_scoped3A = tpu.sem_alloc : memref<!tpu.dma_semaphore, #tpu.memory_space<semaphore_mem>>
      %dma_start3A = arith.constant 0 : i32
      %dma_start3A_47 = tpu.memref_slice %arg6[%arg0, %add3A_42, %dma_start3A] : memref<2x10240x128xf32, #tpu.memory_space<hbm>> -> memref<1x128x128xf32, #tpu.memory_space<hbm>>
      %dma_start3A_48 = tpu.memref_squeeze %dma_start3A_47 : memref<1x128x128xf32, #tpu.memory_space<hbm>> -> memref<128x128xf32, #tpu.memory_space<hbm>>
      %dma_start3A_49 = arith.constant 0 : i32
      %dma_start3A_50 = tpu.memref_slice %arg6[%arg0, %add3A_42, %dma_start3A_49] : memref<2x10240x128xf32, #tpu.memory_space<hbm>> -> memref<1x128x128xf32, #tpu.memory_space<hbm>>
      %dma_start3A_51 = tpu.memref_squeeze %dma_start3A_50 : memref<1x128x128xf32, #tpu.memory_space<hbm>> -> memref<128x128xf32, #tpu.memory_space<hbm>>
      tpu.enqueue_dma source(%arg9 : memref<128x128xf32, #tpu.memory_space<vmem>>) target(%dma_start3A_51 : memref<128x128xf32, #tpu.memory_space<hbm>>) target_semaphore(%run_scoped3A : memref<!tpu.dma_semaphore, #tpu.memory_space<semaphore_mem>>)
      %dma_wait3A = arith.constant 0 : i32
      %dma_wait3A_52 = tpu.memref_slice %arg6[%arg0, %add3A_42, %dma_wait3A] : memref<2x10240x128xf32, #tpu.memory_space<hbm>> -> memref<1x128x128xf32, #tpu.memory_space<hbm>>
      %dma_wait3A_53 = tpu.memref_squeeze %dma_wait3A_52 : memref<1x128x128xf32, #tpu.memory_space<hbm>> -> memref<128x128xf32, #tpu.memory_space<hbm>>
      %dma_wait3A_54 = arith.constant 0 : i32
      %dma_wait3A_55 = tpu.memref_slice %arg6[%arg0, %add3A_42, %dma_wait3A_54] : memref<2x10240x128xf32, #tpu.memory_space<hbm>> -> memref<1x128x128xf32, #tpu.memory_space<hbm>>
      %dma_wait3A_56 = tpu.memref_squeeze %dma_wait3A_55 : memref<1x128x128xf32, #tpu.memory_space<hbm>> -> memref<128x128xf32, #tpu.memory_space<hbm>>
      tpu.wait_dma2 semaphore(%run_scoped3A : memref<!tpu.dma_semaphore, #tpu.memory_space<semaphore_mem>>) src(%arg9 : memref<128x128xf32, #tpu.memory_space<vmem>>) dst(%dma_wait3A_56 : memref<128x128xf32, #tpu.memory_space<hbm>>)
      tpu.yield
    }) : () -> ()
    %mul3A_43 = arith.constant 640 : i32
    %mul3A_44 = arith.muli %arg1, %mul3A_43 : i32
    %add3A_45 = arith.constant 512 : i32
    %add3A_46 = arith.addi %mul3A_44, %add3A_45 : i32
    "tpu.region"() ({
      %run_scoped3A = tpu.sem_alloc : memref<!tpu.dma_semaphore, #tpu.memory_space<semaphore_mem>>
      %dma_start3A = arith.constant 0 : i32
      %dma_start3A_47 = tpu.memref_slice %arg10[%add3A_46, %dma_start3A] : memref<10240x128xf32, #tpu.memory_space<vmem_shared>> -> memref<128x128xf32, #tpu.memory_space<vmem_shared>>
      %dma_start3A_48 = arith.constant 0 : i32
      %dma_start3A_49 = tpu.memref_slice %arg10[%add3A_46, %dma_start3A_48] : memref<10240x128xf32, #tpu.memory_space<vmem_shared>> -> memref<128x128xf32, #tpu.memory_space<vmem_shared>>
      tpu.enqueue_dma source(%dma_start3A_49 : memref<128x128xf32, #tpu.memory_space<vmem_shared>>) target(%arg9 : memref<128x128xf32, #tpu.memory_space<vmem>>) target_semaphore(%run_scoped3A : memref<!tpu.dma_semaphore, #tpu.memory_space<semaphore_mem>>)
      %dma_wait3A = arith.constant 0 : i32
      %dma_wait3A_50 = tpu.memref_slice %arg10[%add3A_46, %dma_wait3A] : memref<10240x128xf32, #tpu.memory_space<vmem_shared>> -> memref<128x128xf32, #tpu.memory_space<vmem_shared>>
      %dma_wait3A_51 = arith.constant 0 : i32
      %dma_wait3A_52 = tpu.memref_slice %arg10[%add3A_46, %dma_wait3A_51] : memref<10240x128xf32, #tpu.memory_space<vmem_shared>> -> memref<128x128xf32, #tpu.memory_space<vmem_shared>>
      tpu.wait_dma2 semaphore(%run_scoped3A : memref<!tpu.dma_semaphore, #tpu.memory_space<semaphore_mem>>) src(%dma_wait3A_52 : memref<128x128xf32, #tpu.memory_space<vmem_shared>>) dst(%arg9 : memref<128x128xf32, #tpu.memory_space<vmem>>)
      tpu.yield
    }) : () -> ()
    "tpu.region"() ({
      %run_scoped3A = tpu.sem_alloc : memref<!tpu.dma_semaphore, #tpu.memory_space<semaphore_mem>>
      %dma_start3A = arith.constant 0 : i32
      %dma_start3A_47 = tpu.memref_slice %arg6[%arg0, %add3A_46, %dma_start3A] : memref<2x10240x128xf32, #tpu.memory_space<hbm>> -> memref<1x128x128xf32, #tpu.memory_space<hbm>>
      %dma_start3A_48 = tpu.memref_squeeze %dma_start3A_47 : memref<1x128x128xf32, #tpu.memory_space<hbm>> -> memref<128x128xf32, #tpu.memory_space<hbm>>
      %dma_start3A_49 = arith.constant 0 : i32
      %dma_start3A_50 = tpu.memref_slice %arg6[%arg0, %add3A_46, %dma_start3A_49] : memref<2x10240x128xf32, #tpu.memory_space<hbm>> -> memref<1x128x128xf32, #tpu.memory_space<hbm>>
      %dma_start3A_51 = tpu.memref_squeeze %dma_start3A_50 : memref<1x128x128xf32, #tpu.memory_space<hbm>> -> memref<128x128xf32, #tpu.memory_space<hbm>>
      tpu.enqueue_dma source(%arg9 : memref<128x128xf32, #tpu.memory_space<vmem>>) target(%dma_start3A_51 : memref<128x128xf32, #tpu.memory_space<hbm>>) target_semaphore(%run_scoped3A : memref<!tpu.dma_semaphore, #tpu.memory_space<semaphore_mem>>)
      %dma_wait3A = arith.constant 0 : i32
      %dma_wait3A_52 = tpu.memref_slice %arg6[%arg0, %add3A_46, %dma_wait3A] : memref<2x10240x128xf32, #tpu.memory_space<hbm>> -> memref<1x128x128xf32, #tpu.memory_space<hbm>>
      %dma_wait3A_53 = tpu.memref_squeeze %dma_wait3A_52 : memref<1x128x128xf32, #tpu.memory_space<hbm>> -> memref<128x128xf32, #tpu.memory_space<hbm>>
      %dma_wait3A_54 = arith.constant 0 : i32
      %dma_wait3A_55 = tpu.memref_slice %arg6[%arg0, %add3A_46, %dma_wait3A_54] : memref<2x10240x128xf32, #tpu.memory_space<hbm>> -> memref<1x128x128xf32, #tpu.memory_space<hbm>>
      %dma_wait3A_56 = tpu.memref_squeeze %dma_wait3A_55 : memref<1x128x128xf32, #tpu.memory_space<hbm>> -> memref<128x128xf32, #tpu.memory_space<hbm>>
      tpu.wait_dma2 semaphore(%run_scoped3A : memref<!tpu.dma_semaphore, #tpu.memory_space<semaphore_mem>>) src(%arg9 : memref<128x128xf32, #tpu.memory_space<vmem>>) dst(%dma_wait3A_56 : memref<128x128xf32, #tpu.memory_space<hbm>>)
      tpu.yield
    }) : () -> ()
    return
  }
}

#map = affine_map<(d0, d1) -> (0, 0)>
#map1 = affine_map<(d0, d1) -> (0)>
#map2 = affine_map<(d0, d1) -> (0, 0, 0)>
module attributes {stable_mosaic.version = 14 : i64} {
  func.func @_msg_body(%arg0: i32, %arg1: i32, %arg2: memref<10240x128xf32, #tpu.memory_space<hbm>>, %arg3: memref<323584xi32, #tpu.memory_space<hbm>>, %arg4: memref<323584xi32, #tpu.memory_space<hbm>>, %arg5: memref<128x128xf32, #tpu.memory_space<hbm>>, %arg6: memref<2x10240x128xf32, #tpu.memory_space<hbm>>, %arg7: memref<128xi32, #tpu.memory_space<vmem>>, %arg8: memref<128xi32, #tpu.memory_space<vmem>>, %arg9: memref<128x128xf32, #tpu.memory_space<vmem>>, %arg10: memref<10240x128xf32, #tpu.memory_space<vmem_shared>>, %arg11: memref<!tpu.dma_semaphore, #tpu.memory_space<semaphore_mem>>) attributes {dimension_semantics = [#tpu.dimension_semantics<core_parallel>, #tpu.dimension_semantics<subcore_parallel>], iteration_bounds = array<i64: 2, 16>, scalar_prefetch = 0 : i64, scratch_operands = 5 : i64, tpu.core_type = #tpu.core_type<sc_vector_subcore>, window_params = [{transform_indices = #map}, {transform_indices = #map1}, {transform_indices = #map1}, {transform_indices = #map}, {transform_indices = #map2}]} {
    %mul3A = arith.constant 16 : i32
    %mul3A_0 = arith.muli %arg0, %mul3A : i32
    %add3A = arith.addi %mul3A_0, %arg1 : i32
    "tpu.region"() ({
      %run_scoped3A = tpu.sem_alloc : memref<!tpu.dma_semaphore, #tpu.memory_space<semaphore_mem>>
      tpu.enqueue_dma source(%arg5 : memref<128x128xf32, #tpu.memory_space<hbm>>) target(%arg9 : memref<128x128xf32, #tpu.memory_space<vmem>>) target_semaphore(%run_scoped3A : memref<!tpu.dma_semaphore, #tpu.memory_space<semaphore_mem>>)
      tpu.wait_dma2 semaphore(%run_scoped3A : memref<!tpu.dma_semaphore, #tpu.memory_space<semaphore_mem>>) src(%arg5 : memref<128x128xf32, #tpu.memory_space<hbm>>) dst(%arg9 : memref<128x128xf32, #tpu.memory_space<vmem>>)
      tpu.yield
    }) : () -> ()
    %mul3A_1 = arith.constant 640 : i32
    %mul3A_2 = arith.muli %arg1, %mul3A_1 : i32
    %add3A_3 = arith.constant 0 : i32
    %add3A_4 = arith.addi %mul3A_2, %add3A_3 : i32
    "tpu.region"() ({
      %run_scoped3A = tpu.sem_alloc : memref<!tpu.dma_semaphore, #tpu.memory_space<semaphore_mem>>
      %dma_start3A = arith.constant 0 : i32
      %dma_start3A_47 = tpu.memref_slice %arg10[%add3A_4, %dma_start3A] : memref<10240x128xf32, #tpu.memory_space<vmem_shared>> -> memref<128x128xf32, #tpu.memory_space<vmem_shared>>
      %dma_start3A_48 = arith.constant 0 : i32
      %dma_start3A_49 = tpu.memref_slice %arg10[%add3A_4, %dma_start3A_48] : memref<10240x128xf32, #tpu.memory_space<vmem_shared>> -> memref<128x128xf32, #tpu.memory_space<vmem_shared>>
      tpu.enqueue_dma source(%arg9 : memref<128x128xf32, #tpu.memory_space<vmem>>) target(%dma_start3A_49 : memref<128x128xf32, #tpu.memory_space<vmem_shared>>) target_semaphore(%run_scoped3A : memref<!tpu.dma_semaphore, #tpu.memory_space<semaphore_mem>>)
      %dma_wait3A = arith.constant 0 : i32
      %dma_wait3A_50 = tpu.memref_slice %arg10[%add3A_4, %dma_wait3A] : memref<10240x128xf32, #tpu.memory_space<vmem_shared>> -> memref<128x128xf32, #tpu.memory_space<vmem_shared>>
      %dma_wait3A_51 = arith.constant 0 : i32
      %dma_wait3A_52 = tpu.memref_slice %arg10[%add3A_4, %dma_wait3A_51] : memref<10240x128xf32, #tpu.memory_space<vmem_shared>> -> memref<128x128xf32, #tpu.memory_space<vmem_shared>>
      tpu.wait_dma2 semaphore(%run_scoped3A : memref<!tpu.dma_semaphore, #tpu.memory_space<semaphore_mem>>) src(%arg9 : memref<128x128xf32, #tpu.memory_space<vmem>>) dst(%dma_wait3A_52 : memref<128x128xf32, #tpu.memory_space<vmem_shared>>)
      tpu.yield
    }) : () -> ()
    %mul3A_5 = arith.constant 640 : i32
    %mul3A_6 = arith.muli %arg1, %mul3A_5 : i32
    %add3A_7 = arith.constant 128 : i32
    %add3A_8 = arith.addi %mul3A_6, %add3A_7 : i32
    "tpu.region"() ({
      %run_scoped3A = tpu.sem_alloc : memref<!tpu.dma_semaphore, #tpu.memory_space<semaphore_mem>>
      %dma_start3A = arith.constant 0 : i32
      %dma_start3A_47 = tpu.memref_slice %arg10[%add3A_8, %dma_start3A] : memref<10240x128xf32, #tpu.memory_space<vmem_shared>> -> memref<128x128xf32, #tpu.memory_space<vmem_shared>>
      %dma_start3A_48 = arith.constant 0 : i32
      %dma_start3A_49 = tpu.memref_slice %arg10[%add3A_8, %dma_start3A_48] : memref<10240x128xf32, #tpu.memory_space<vmem_shared>> -> memref<128x128xf32, #tpu.memory_space<vmem_shared>>
      tpu.enqueue_dma source(%arg9 : memref<128x128xf32, #tpu.memory_space<vmem>>) target(%dma_start3A_49 : memref<128x128xf32, #tpu.memory_space<vmem_shared>>) target_semaphore(%run_scoped3A : memref<!tpu.dma_semaphore, #tpu.memory_space<semaphore_mem>>)
      %dma_wait3A = arith.constant 0 : i32
      %dma_wait3A_50 = tpu.memref_slice %arg10[%add3A_8, %dma_wait3A] : memref<10240x128xf32, #tpu.memory_space<vmem_shared>> -> memref<128x128xf32, #tpu.memory_space<vmem_shared>>
      %dma_wait3A_51 = arith.constant 0 : i32
      %dma_wait3A_52 = tpu.memref_slice %arg10[%add3A_8, %dma_wait3A_51] : memref<10240x128xf32, #tpu.memory_space<vmem_shared>> -> memref<128x128xf32, #tpu.memory_space<vmem_shared>>
      tpu.wait_dma2 semaphore(%run_scoped3A : memref<!tpu.dma_semaphore, #tpu.memory_space<semaphore_mem>>) src(%arg9 : memref<128x128xf32, #tpu.memory_space<vmem>>) dst(%dma_wait3A_52 : memref<128x128xf32, #tpu.memory_space<vmem_shared>>)
      tpu.yield
    }) : () -> ()
    %mul3A_9 = arith.constant 640 : i32
    %mul3A_10 = arith.muli %arg1, %mul3A_9 : i32
    %add3A_11 = arith.constant 256 : i32
    %add3A_12 = arith.addi %mul3A_10, %add3A_11 : i32
    "tpu.region"() ({
      %run_scoped3A = tpu.sem_alloc : memref<!tpu.dma_semaphore, #tpu.memory_space<semaphore_mem>>
      %dma_start3A = arith.constant 0 : i32
      %dma_start3A_47 = tpu.memref_slice %arg10[%add3A_12, %dma_start3A] : memref<10240x128xf32, #tpu.memory_space<vmem_shared>> -> memref<128x128xf32, #tpu.memory_space<vmem_shared>>
      %dma_start3A_48 = arith.constant 0 : i32
      %dma_start3A_49 = tpu.memref_slice %arg10[%add3A_12, %dma_start3A_48] : memref<10240x128xf32, #tpu.memory_space<vmem_shared>> -> memref<128x128xf32, #tpu.memory_space<vmem_shared>>
      tpu.enqueue_dma source(%arg9 : memref<128x128xf32, #tpu.memory_space<vmem>>) target(%dma_start3A_49 : memref<128x128xf32, #tpu.memory_space<vmem_shared>>) target_semaphore(%run_scoped3A : memref<!tpu.dma_semaphore, #tpu.memory_space<semaphore_mem>>)
      %dma_wait3A = arith.constant 0 : i32
      %dma_wait3A_50 = tpu.memref_slice %arg10[%add3A_12, %dma_wait3A] : memref<10240x128xf32, #tpu.memory_space<vmem_shared>> -> memref<128x128xf32, #tpu.memory_space<vmem_shared>>
      %dma_wait3A_51 = arith.constant 0 : i32
      %dma_wait3A_52 = tpu.memref_slice %arg10[%add3A_12, %dma_wait3A_51] : memref<10240x128xf32, #tpu.memory_space<vmem_shared>> -> memref<128x128xf32, #tpu.memory_space<vmem_shared>>
      tpu.wait_dma2 semaphore(%run_scoped3A : memref<!tpu.dma_semaphore, #tpu.memory_space<semaphore_mem>>) src(%arg9 : memref<128x128xf32, #tpu.memory_space<vmem>>) dst(%dma_wait3A_52 : memref<128x128xf32, #tpu.memory_space<vmem_shared>>)
      tpu.yield
    }) : () -> ()
    %mul3A_13 = arith.constant 640 : i32
    %mul3A_14 = arith.muli %arg1, %mul3A_13 : i32
    %add3A_15 = arith.constant 384 : i32
    %add3A_16 = arith.addi %mul3A_14, %add3A_15 : i32
    "tpu.region"() ({
      %run_scoped3A = tpu.sem_alloc : memref<!tpu.dma_semaphore, #tpu.memory_space<semaphore_mem>>
      %dma_start3A = arith.constant 0 : i32
      %dma_start3A_47 = tpu.memref_slice %arg10[%add3A_16, %dma_start3A] : memref<10240x128xf32, #tpu.memory_space<vmem_shared>> -> memref<128x128xf32, #tpu.memory_space<vmem_shared>>
      %dma_start3A_48 = arith.constant 0 : i32
      %dma_start3A_49 = tpu.memref_slice %arg10[%add3A_16, %dma_start3A_48] : memref<10240x128xf32, #tpu.memory_space<vmem_shared>> -> memref<128x128xf32, #tpu.memory_space<vmem_shared>>
      tpu.enqueue_dma source(%arg9 : memref<128x128xf32, #tpu.memory_space<vmem>>) target(%dma_start3A_49 : memref<128x128xf32, #tpu.memory_space<vmem_shared>>) target_semaphore(%run_scoped3A : memref<!tpu.dma_semaphore, #tpu.memory_space<semaphore_mem>>)
      %dma_wait3A = arith.constant 0 : i32
      %dma_wait3A_50 = tpu.memref_slice %arg10[%add3A_16, %dma_wait3A] : memref<10240x128xf32, #tpu.memory_space<vmem_shared>> -> memref<128x128xf32, #tpu.memory_space<vmem_shared>>
      %dma_wait3A_51 = arith.constant 0 : i32
      %dma_wait3A_52 = tpu.memref_slice %arg10[%add3A_16, %dma_wait3A_51] : memref<10240x128xf32, #tpu.memory_space<vmem_shared>> -> memref<128x128xf32, #tpu.memory_space<vmem_shared>>
      tpu.wait_dma2 semaphore(%run_scoped3A : memref<!tpu.dma_semaphore, #tpu.memory_space<semaphore_mem>>) src(%arg9 : memref<128x128xf32, #tpu.memory_space<vmem>>) dst(%dma_wait3A_52 : memref<128x128xf32, #tpu.memory_space<vmem_shared>>)
      tpu.yield
    }) : () -> ()
    %mul3A_17 = arith.constant 640 : i32
    %mul3A_18 = arith.muli %arg1, %mul3A_17 : i32
    %add3A_19 = arith.constant 512 : i32
    %add3A_20 = arith.addi %mul3A_18, %add3A_19 : i32
    "tpu.region"() ({
      %run_scoped3A = tpu.sem_alloc : memref<!tpu.dma_semaphore, #tpu.memory_space<semaphore_mem>>
      %dma_start3A = arith.constant 0 : i32
      %dma_start3A_47 = tpu.memref_slice %arg10[%add3A_20, %dma_start3A] : memref<10240x128xf32, #tpu.memory_space<vmem_shared>> -> memref<128x128xf32, #tpu.memory_space<vmem_shared>>
      %dma_start3A_48 = arith.constant 0 : i32
      %dma_start3A_49 = tpu.memref_slice %arg10[%add3A_20, %dma_start3A_48] : memref<10240x128xf32, #tpu.memory_space<vmem_shared>> -> memref<128x128xf32, #tpu.memory_space<vmem_shared>>
      tpu.enqueue_dma source(%arg9 : memref<128x128xf32, #tpu.memory_space<vmem>>) target(%dma_start3A_49 : memref<128x128xf32, #tpu.memory_space<vmem_shared>>) target_semaphore(%run_scoped3A : memref<!tpu.dma_semaphore, #tpu.memory_space<semaphore_mem>>)
      %dma_wait3A = arith.constant 0 : i32
      %dma_wait3A_50 = tpu.memref_slice %arg10[%add3A_20, %dma_wait3A] : memref<10240x128xf32, #tpu.memory_space<vmem_shared>> -> memref<128x128xf32, #tpu.memory_space<vmem_shared>>
      %dma_wait3A_51 = arith.constant 0 : i32
      %dma_wait3A_52 = tpu.memref_slice %arg10[%add3A_20, %dma_wait3A_51] : memref<10240x128xf32, #tpu.memory_space<vmem_shared>> -> memref<128x128xf32, #tpu.memory_space<vmem_shared>>
      tpu.wait_dma2 semaphore(%run_scoped3A : memref<!tpu.dma_semaphore, #tpu.memory_space<semaphore_mem>>) src(%arg9 : memref<128x128xf32, #tpu.memory_space<vmem>>) dst(%dma_wait3A_52 : memref<128x128xf32, #tpu.memory_space<vmem_shared>>)
      tpu.yield
    }) : () -> ()
    %barrier3A = arith.constant 0 : index
    tpu.barrier barrier_id(%barrier3A)
    %scan3A = arith.constant 0 : i32
    %scan3A_21 = arith.constant 0 : i32
    %scan3A_22 = arith.constant 79 : i32
    %scan3A_23 = arith.addi %scan3A_21, %scan3A_22 : i32
    %scan3A_24 = arith.constant 1 : i32
    scf.for %scan3A_47 = %scan3A_21 to %scan3A_23 step %scan3A_24  : i32 {
      %mul3A_48 = arith.constant 10112 : i32
      %mul3A_49 = arith.muli %add3A, %mul3A_48 : i32
      %mul3A_50 = arith.constant 128 : i32
      %mul3A_51 = arith.muli %scan3A_47, %mul3A_50 : i32
      %add3A_52 = arith.addi %mul3A_49, %mul3A_51 : i32
      "tpu.region"() ({
        %run_scoped3A = tpu.sem_alloc : memref<!tpu.dma_semaphore, #tpu.memory_space<semaphore_mem>>
        %dma_start3A_57 = tpu.memref_slice %arg3[%add3A_52] : memref<323584xi32, #tpu.memory_space<hbm>> -> memref<128xi32, #tpu.memory_space<hbm>>
        %dma_start3A_58 = tpu.memref_slice %arg3[%add3A_52] : memref<323584xi32, #tpu.memory_space<hbm>> -> memref<128xi32, #tpu.memory_space<hbm>>
        tpu.enqueue_dma source(%dma_start3A_58 : memref<128xi32, #tpu.memory_space<hbm>>) target(%arg7 : memref<128xi32, #tpu.memory_space<vmem>>) target_semaphore(%run_scoped3A : memref<!tpu.dma_semaphore, #tpu.memory_space<semaphore_mem>>)
        %dma_wait3A_59 = tpu.memref_slice %arg3[%add3A_52] : memref<323584xi32, #tpu.memory_space<hbm>> -> memref<128xi32, #tpu.memory_space<hbm>>
        %dma_wait3A_60 = tpu.memref_slice %arg3[%add3A_52] : memref<323584xi32, #tpu.memory_space<hbm>> -> memref<128xi32, #tpu.memory_space<hbm>>
        tpu.wait_dma2 semaphore(%run_scoped3A : memref<!tpu.dma_semaphore, #tpu.memory_space<semaphore_mem>>) src(%dma_wait3A_60 : memref<128xi32, #tpu.memory_space<hbm>>) dst(%arg7 : memref<128xi32, #tpu.memory_space<vmem>>)
        tpu.yield
      }) : () -> ()
      %dma_start3A = arith.constant 0 : i32
      %dma_start3A_53 = arith.constant 0 : i32
      %dma_start3A_54 = tpu.memref_slice %arg2[%dma_start3A, %dma_start3A_53] : memref<10240x128xf32, #tpu.memory_space<hbm>> -> memref<10240x128xf32, #tpu.memory_space<hbm>>
      tpu.enqueue_indirect_dma source(%dma_start3A_54 : memref<10240x128xf32, #tpu.memory_space<hbm>>) target(%arg9 : memref<128x128xf32, #tpu.memory_space<vmem>>) offsets(%arg7 : memref<128xi32, #tpu.memory_space<vmem>>) semaphore(%arg11 : memref<!tpu.dma_semaphore, #tpu.memory_space<semaphore_mem>>)
      %dma_wait3A = arith.constant 0 : i32
      %dma_wait3A_55 = arith.constant 0 : i32
      %dma_wait3A_56 = tpu.memref_slice %arg2[%dma_wait3A, %dma_wait3A_55] : memref<10240x128xf32, #tpu.memory_space<hbm>> -> memref<10240x128xf32, #tpu.memory_space<hbm>>
      tpu.wait_indirect_dma semaphore(%arg11 : memref<!tpu.dma_semaphore, #tpu.memory_space<semaphore_mem>>) src(%dma_wait3A_56 : memref<10240x128xf32, #tpu.memory_space<hbm>>) dst(%arg9 : memref<128x128xf32, #tpu.memory_space<vmem>>)
      "tpu.region"() ({
        %run_scoped3A = tpu.sem_alloc : memref<!tpu.dma_semaphore, #tpu.memory_space<semaphore_mem>>
        %dma_start3A_57 = tpu.memref_slice %arg4[%add3A_52] : memref<323584xi32, #tpu.memory_space<hbm>> -> memref<128xi32, #tpu.memory_space<hbm>>
        %dma_start3A_58 = tpu.memref_slice %arg4[%add3A_52] : memref<323584xi32, #tpu.memory_space<hbm>> -> memref<128xi32, #tpu.memory_space<hbm>>
        tpu.enqueue_dma source(%dma_start3A_58 : memref<128xi32, #tpu.memory_space<hbm>>) target(%arg8 : memref<128xi32, #tpu.memory_space<vmem>>) target_semaphore(%run_scoped3A : memref<!tpu.dma_semaphore, #tpu.memory_space<semaphore_mem>>)
        %dma_wait3A_59 = tpu.memref_slice %arg4[%add3A_52] : memref<323584xi32, #tpu.memory_space<hbm>> -> memref<128xi32, #tpu.memory_space<hbm>>
        %dma_wait3A_60 = tpu.memref_slice %arg4[%add3A_52] : memref<323584xi32, #tpu.memory_space<hbm>> -> memref<128xi32, #tpu.memory_space<hbm>>
        tpu.wait_dma2 semaphore(%run_scoped3A : memref<!tpu.dma_semaphore, #tpu.memory_space<semaphore_mem>>) src(%dma_wait3A_60 : memref<128xi32, #tpu.memory_space<hbm>>) dst(%arg8 : memref<128xi32, #tpu.memory_space<vmem>>)
        tpu.yield
      }) : () -> ()
      "tpu.region"() ({
        %run_scoped3A = tpu.sem_alloc : memref<!tpu.dma_semaphore, #tpu.memory_space<semaphore_mem>>
        %dma_start3A_57 = arith.constant 0 : i32
        %dma_start3A_58 = arith.constant 0 : i32
        %dma_start3A_59 = tpu.memref_slice %arg10[%dma_start3A_57, %dma_start3A_58] : memref<10240x128xf32, #tpu.memory_space<vmem_shared>> -> memref<10240x128xf32, #tpu.memory_space<vmem_shared>>
        tpu.enqueue_indirect_dma source(%arg9 : memref<128x128xf32, #tpu.memory_space<vmem>>) target(%dma_start3A_59 : memref<10240x128xf32, #tpu.memory_space<vmem_shared>>) offsets(%arg8 : memref<128xi32, #tpu.memory_space<vmem>>) semaphore(%run_scoped3A : memref<!tpu.dma_semaphore, #tpu.memory_space<semaphore_mem>>) {add = true}
        %dma_wait3A_60 = arith.constant 0 : i32
        %dma_wait3A_61 = arith.constant 0 : i32
        %dma_wait3A_62 = tpu.memref_slice %arg10[%dma_wait3A_60, %dma_wait3A_61] : memref<10240x128xf32, #tpu.memory_space<vmem_shared>> -> memref<10240x128xf32, #tpu.memory_space<vmem_shared>>
        tpu.wait_indirect_dma semaphore(%run_scoped3A : memref<!tpu.dma_semaphore, #tpu.memory_space<semaphore_mem>>) src(%arg9 : memref<128x128xf32, #tpu.memory_space<vmem>>) dst(%dma_wait3A_62 : memref<10240x128xf32, #tpu.memory_space<vmem_shared>>)
        tpu.yield
      }) : () -> ()
    }
    %scan3A_25 = arith.constant 79 : i32
    %barrier3A_26 = arith.constant 0 : index
    tpu.barrier barrier_id(%barrier3A_26)
    %mul3A_27 = arith.constant 640 : i32
    %mul3A_28 = arith.muli %arg1, %mul3A_27 : i32
    %add3A_29 = arith.constant 0 : i32
    %add3A_30 = arith.addi %mul3A_28, %add3A_29 : i32
    "tpu.region"() ({
      %run_scoped3A = tpu.sem_alloc : memref<!tpu.dma_semaphore, #tpu.memory_space<semaphore_mem>>
      %dma_start3A = arith.constant 0 : i32
      %dma_start3A_47 = tpu.memref_slice %arg10[%add3A_30, %dma_start3A] : memref<10240x128xf32, #tpu.memory_space<vmem_shared>> -> memref<128x128xf32, #tpu.memory_space<vmem_shared>>
      %dma_start3A_48 = arith.constant 0 : i32
      %dma_start3A_49 = tpu.memref_slice %arg10[%add3A_30, %dma_start3A_48] : memref<10240x128xf32, #tpu.memory_space<vmem_shared>> -> memref<128x128xf32, #tpu.memory_space<vmem_shared>>
      tpu.enqueue_dma source(%dma_start3A_49 : memref<128x128xf32, #tpu.memory_space<vmem_shared>>) target(%arg9 : memref<128x128xf32, #tpu.memory_space<vmem>>) target_semaphore(%run_scoped3A : memref<!tpu.dma_semaphore, #tpu.memory_space<semaphore_mem>>)
      %dma_wait3A = arith.constant 0 : i32
      %dma_wait3A_50 = tpu.memref_slice %arg10[%add3A_30, %dma_wait3A] : memref<10240x128xf32, #tpu.memory_space<vmem_shared>> -> memref<128x128xf32, #tpu.memory_space<vmem_shared>>
      %dma_wait3A_51 = arith.constant 0 : i32
      %dma_wait3A_52 = tpu.memref_slice %arg10[%add3A_30, %dma_wait3A_51] : memref<10240x128xf32, #tpu.memory_space<vmem_shared>> -> memref<128x128xf32, #tpu.memory_space<vmem_shared>>
      tpu.wait_dma2 semaphore(%run_scoped3A : memref<!tpu.dma_semaphore, #tpu.memory_space<semaphore_mem>>) src(%dma_wait3A_52 : memref<128x128xf32, #tpu.memory_space<vmem_shared>>) dst(%arg9 : memref<128x128xf32, #tpu.memory_space<vmem>>)
      tpu.yield
    }) : () -> ()
    "tpu.region"() ({
      %run_scoped3A = tpu.sem_alloc : memref<!tpu.dma_semaphore, #tpu.memory_space<semaphore_mem>>
      %dma_start3A = arith.constant 0 : i32
      %dma_start3A_47 = tpu.memref_slice %arg6[%arg0, %add3A_30, %dma_start3A] : memref<2x10240x128xf32, #tpu.memory_space<hbm>> -> memref<1x128x128xf32, #tpu.memory_space<hbm>>
      %dma_start3A_48 = tpu.memref_squeeze %dma_start3A_47 : memref<1x128x128xf32, #tpu.memory_space<hbm>> -> memref<128x128xf32, #tpu.memory_space<hbm>>
      %dma_start3A_49 = arith.constant 0 : i32
      %dma_start3A_50 = tpu.memref_slice %arg6[%arg0, %add3A_30, %dma_start3A_49] : memref<2x10240x128xf32, #tpu.memory_space<hbm>> -> memref<1x128x128xf32, #tpu.memory_space<hbm>>
      %dma_start3A_51 = tpu.memref_squeeze %dma_start3A_50 : memref<1x128x128xf32, #tpu.memory_space<hbm>> -> memref<128x128xf32, #tpu.memory_space<hbm>>
      tpu.enqueue_dma source(%arg9 : memref<128x128xf32, #tpu.memory_space<vmem>>) target(%dma_start3A_51 : memref<128x128xf32, #tpu.memory_space<hbm>>) target_semaphore(%run_scoped3A : memref<!tpu.dma_semaphore, #tpu.memory_space<semaphore_mem>>)
      %dma_wait3A = arith.constant 0 : i32
      %dma_wait3A_52 = tpu.memref_slice %arg6[%arg0, %add3A_30, %dma_wait3A] : memref<2x10240x128xf32, #tpu.memory_space<hbm>> -> memref<1x128x128xf32, #tpu.memory_space<hbm>>
      %dma_wait3A_53 = tpu.memref_squeeze %dma_wait3A_52 : memref<1x128x128xf32, #tpu.memory_space<hbm>> -> memref<128x128xf32, #tpu.memory_space<hbm>>
      %dma_wait3A_54 = arith.constant 0 : i32
      %dma_wait3A_55 = tpu.memref_slice %arg6[%arg0, %add3A_30, %dma_wait3A_54] : memref<2x10240x128xf32, #tpu.memory_space<hbm>> -> memref<1x128x128xf32, #tpu.memory_space<hbm>>
      %dma_wait3A_56 = tpu.memref_squeeze %dma_wait3A_55 : memref<1x128x128xf32, #tpu.memory_space<hbm>> -> memref<128x128xf32, #tpu.memory_space<hbm>>
      tpu.wait_dma2 semaphore(%run_scoped3A : memref<!tpu.dma_semaphore, #tpu.memory_space<semaphore_mem>>) src(%arg9 : memref<128x128xf32, #tpu.memory_space<vmem>>) dst(%dma_wait3A_56 : memref<128x128xf32, #tpu.memory_space<hbm>>)
      tpu.yield
    }) : () -> ()
    %mul3A_31 = arith.constant 640 : i32
    %mul3A_32 = arith.muli %arg1, %mul3A_31 : i32
    %add3A_33 = arith.constant 128 : i32
    %add3A_34 = arith.addi %mul3A_32, %add3A_33 : i32
    "tpu.region"() ({
      %run_scoped3A = tpu.sem_alloc : memref<!tpu.dma_semaphore, #tpu.memory_space<semaphore_mem>>
      %dma_start3A = arith.constant 0 : i32
      %dma_start3A_47 = tpu.memref_slice %arg10[%add3A_34, %dma_start3A] : memref<10240x128xf32, #tpu.memory_space<vmem_shared>> -> memref<128x128xf32, #tpu.memory_space<vmem_shared>>
      %dma_start3A_48 = arith.constant 0 : i32
      %dma_start3A_49 = tpu.memref_slice %arg10[%add3A_34, %dma_start3A_48] : memref<10240x128xf32, #tpu.memory_space<vmem_shared>> -> memref<128x128xf32, #tpu.memory_space<vmem_shared>>
      tpu.enqueue_dma source(%dma_start3A_49 : memref<128x128xf32, #tpu.memory_space<vmem_shared>>) target(%arg9 : memref<128x128xf32, #tpu.memory_space<vmem>>) target_semaphore(%run_scoped3A : memref<!tpu.dma_semaphore, #tpu.memory_space<semaphore_mem>>)
      %dma_wait3A = arith.constant 0 : i32
      %dma_wait3A_50 = tpu.memref_slice %arg10[%add3A_34, %dma_wait3A] : memref<10240x128xf32, #tpu.memory_space<vmem_shared>> -> memref<128x128xf32, #tpu.memory_space<vmem_shared>>
      %dma_wait3A_51 = arith.constant 0 : i32
      %dma_wait3A_52 = tpu.memref_slice %arg10[%add3A_34, %dma_wait3A_51] : memref<10240x128xf32, #tpu.memory_space<vmem_shared>> -> memref<128x128xf32, #tpu.memory_space<vmem_shared>>
      tpu.wait_dma2 semaphore(%run_scoped3A : memref<!tpu.dma_semaphore, #tpu.memory_space<semaphore_mem>>) src(%dma_wait3A_52 : memref<128x128xf32, #tpu.memory_space<vmem_shared>>) dst(%arg9 : memref<128x128xf32, #tpu.memory_space<vmem>>)
      tpu.yield
    }) : () -> ()
    "tpu.region"() ({
      %run_scoped3A = tpu.sem_alloc : memref<!tpu.dma_semaphore, #tpu.memory_space<semaphore_mem>>
      %dma_start3A = arith.constant 0 : i32
      %dma_start3A_47 = tpu.memref_slice %arg6[%arg0, %add3A_34, %dma_start3A] : memref<2x10240x128xf32, #tpu.memory_space<hbm>> -> memref<1x128x128xf32, #tpu.memory_space<hbm>>
      %dma_start3A_48 = tpu.memref_squeeze %dma_start3A_47 : memref<1x128x128xf32, #tpu.memory_space<hbm>> -> memref<128x128xf32, #tpu.memory_space<hbm>>
      %dma_start3A_49 = arith.constant 0 : i32
      %dma_start3A_50 = tpu.memref_slice %arg6[%arg0, %add3A_34, %dma_start3A_49] : memref<2x10240x128xf32, #tpu.memory_space<hbm>> -> memref<1x128x128xf32, #tpu.memory_space<hbm>>
      %dma_start3A_51 = tpu.memref_squeeze %dma_start3A_50 : memref<1x128x128xf32, #tpu.memory_space<hbm>> -> memref<128x128xf32, #tpu.memory_space<hbm>>
      tpu.enqueue_dma source(%arg9 : memref<128x128xf32, #tpu.memory_space<vmem>>) target(%dma_start3A_51 : memref<128x128xf32, #tpu.memory_space<hbm>>) target_semaphore(%run_scoped3A : memref<!tpu.dma_semaphore, #tpu.memory_space<semaphore_mem>>)
      %dma_wait3A = arith.constant 0 : i32
      %dma_wait3A_52 = tpu.memref_slice %arg6[%arg0, %add3A_34, %dma_wait3A] : memref<2x10240x128xf32, #tpu.memory_space<hbm>> -> memref<1x128x128xf32, #tpu.memory_space<hbm>>
      %dma_wait3A_53 = tpu.memref_squeeze %dma_wait3A_52 : memref<1x128x128xf32, #tpu.memory_space<hbm>> -> memref<128x128xf32, #tpu.memory_space<hbm>>
      %dma_wait3A_54 = arith.constant 0 : i32
      %dma_wait3A_55 = tpu.memref_slice %arg6[%arg0, %add3A_34, %dma_wait3A_54] : memref<2x10240x128xf32, #tpu.memory_space<hbm>> -> memref<1x128x128xf32, #tpu.memory_space<hbm>>
      %dma_wait3A_56 = tpu.memref_squeeze %dma_wait3A_55 : memref<1x128x128xf32, #tpu.memory_space<hbm>> -> memref<128x128xf32, #tpu.memory_space<hbm>>
      tpu.wait_dma2 semaphore(%run_scoped3A : memref<!tpu.dma_semaphore, #tpu.memory_space<semaphore_mem>>) src(%arg9 : memref<128x128xf32, #tpu.memory_space<vmem>>) dst(%dma_wait3A_56 : memref<128x128xf32, #tpu.memory_space<hbm>>)
      tpu.yield
    }) : () -> ()
    %mul3A_35 = arith.constant 640 : i32
    %mul3A_36 = arith.muli %arg1, %mul3A_35 : i32
    %add3A_37 = arith.constant 256 : i32
    %add3A_38 = arith.addi %mul3A_36, %add3A_37 : i32
    "tpu.region"() ({
      %run_scoped3A = tpu.sem_alloc : memref<!tpu.dma_semaphore, #tpu.memory_space<semaphore_mem>>
      %dma_start3A = arith.constant 0 : i32
      %dma_start3A_47 = tpu.memref_slice %arg10[%add3A_38, %dma_start3A] : memref<10240x128xf32, #tpu.memory_space<vmem_shared>> -> memref<128x128xf32, #tpu.memory_space<vmem_shared>>
      %dma_start3A_48 = arith.constant 0 : i32
      %dma_start3A_49 = tpu.memref_slice %arg10[%add3A_38, %dma_start3A_48] : memref<10240x128xf32, #tpu.memory_space<vmem_shared>> -> memref<128x128xf32, #tpu.memory_space<vmem_shared>>
      tpu.enqueue_dma source(%dma_start3A_49 : memref<128x128xf32, #tpu.memory_space<vmem_shared>>) target(%arg9 : memref<128x128xf32, #tpu.memory_space<vmem>>) target_semaphore(%run_scoped3A : memref<!tpu.dma_semaphore, #tpu.memory_space<semaphore_mem>>)
      %dma_wait3A = arith.constant 0 : i32
      %dma_wait3A_50 = tpu.memref_slice %arg10[%add3A_38, %dma_wait3A] : memref<10240x128xf32, #tpu.memory_space<vmem_shared>> -> memref<128x128xf32, #tpu.memory_space<vmem_shared>>
      %dma_wait3A_51 = arith.constant 0 : i32
      %dma_wait3A_52 = tpu.memref_slice %arg10[%add3A_38, %dma_wait3A_51] : memref<10240x128xf32, #tpu.memory_space<vmem_shared>> -> memref<128x128xf32, #tpu.memory_space<vmem_shared>>
      tpu.wait_dma2 semaphore(%run_scoped3A : memref<!tpu.dma_semaphore, #tpu.memory_space<semaphore_mem>>) src(%dma_wait3A_52 : memref<128x128xf32, #tpu.memory_space<vmem_shared>>) dst(%arg9 : memref<128x128xf32, #tpu.memory_space<vmem>>)
      tpu.yield
    }) : () -> ()
    "tpu.region"() ({
      %run_scoped3A = tpu.sem_alloc : memref<!tpu.dma_semaphore, #tpu.memory_space<semaphore_mem>>
      %dma_start3A = arith.constant 0 : i32
      %dma_start3A_47 = tpu.memref_slice %arg6[%arg0, %add3A_38, %dma_start3A] : memref<2x10240x128xf32, #tpu.memory_space<hbm>> -> memref<1x128x128xf32, #tpu.memory_space<hbm>>
      %dma_start3A_48 = tpu.memref_squeeze %dma_start3A_47 : memref<1x128x128xf32, #tpu.memory_space<hbm>> -> memref<128x128xf32, #tpu.memory_space<hbm>>
      %dma_start3A_49 = arith.constant 0 : i32
      %dma_start3A_50 = tpu.memref_slice %arg6[%arg0, %add3A_38, %dma_start3A_49] : memref<2x10240x128xf32, #tpu.memory_space<hbm>> -> memref<1x128x128xf32, #tpu.memory_space<hbm>>
      %dma_start3A_51 = tpu.memref_squeeze %dma_start3A_50 : memref<1x128x128xf32, #tpu.memory_space<hbm>> -> memref<128x128xf32, #tpu.memory_space<hbm>>
      tpu.enqueue_dma source(%arg9 : memref<128x128xf32, #tpu.memory_space<vmem>>) target(%dma_start3A_51 : memref<128x128xf32, #tpu.memory_space<hbm>>) target_semaphore(%run_scoped3A : memref<!tpu.dma_semaphore, #tpu.memory_space<semaphore_mem>>)
      %dma_wait3A = arith.constant 0 : i32
      %dma_wait3A_52 = tpu.memref_slice %arg6[%arg0, %add3A_38, %dma_wait3A] : memref<2x10240x128xf32, #tpu.memory_space<hbm>> -> memref<1x128x128xf32, #tpu.memory_space<hbm>>
      %dma_wait3A_53 = tpu.memref_squeeze %dma_wait3A_52 : memref<1x128x128xf32, #tpu.memory_space<hbm>> -> memref<128x128xf32, #tpu.memory_space<hbm>>
      %dma_wait3A_54 = arith.constant 0 : i32
      %dma_wait3A_55 = tpu.memref_slice %arg6[%arg0, %add3A_38, %dma_wait3A_54] : memref<2x10240x128xf32, #tpu.memory_space<hbm>> -> memref<1x128x128xf32, #tpu.memory_space<hbm>>
      %dma_wait3A_56 = tpu.memref_squeeze %dma_wait3A_55 : memref<1x128x128xf32, #tpu.memory_space<hbm>> -> memref<128x128xf32, #tpu.memory_space<hbm>>
      tpu.wait_dma2 semaphore(%run_scoped3A : memref<!tpu.dma_semaphore, #tpu.memory_space<semaphore_mem>>) src(%arg9 : memref<128x128xf32, #tpu.memory_space<vmem>>) dst(%dma_wait3A_56 : memref<128x128xf32, #tpu.memory_space<hbm>>)
      tpu.yield
    }) : () -> ()
    %mul3A_39 = arith.constant 640 : i32
    %mul3A_40 = arith.muli %arg1, %mul3A_39 : i32
    %add3A_41 = arith.constant 384 : i32
    %add3A_42 = arith.addi %mul3A_40, %add3A_41 : i32
    "tpu.region"() ({
      %run_scoped3A = tpu.sem_alloc : memref<!tpu.dma_semaphore, #tpu.memory_space<semaphore_mem>>
      %dma_start3A = arith.constant 0 : i32
      %dma_start3A_47 = tpu.memref_slice %arg10[%add3A_42, %dma_start3A] : memref<10240x128xf32, #tpu.memory_space<vmem_shared>> -> memref<128x128xf32, #tpu.memory_space<vmem_shared>>
      %dma_start3A_48 = arith.constant 0 : i32
      %dma_start3A_49 = tpu.memref_slice %arg10[%add3A_42, %dma_start3A_48] : memref<10240x128xf32, #tpu.memory_space<vmem_shared>> -> memref<128x128xf32, #tpu.memory_space<vmem_shared>>
      tpu.enqueue_dma source(%dma_start3A_49 : memref<128x128xf32, #tpu.memory_space<vmem_shared>>) target(%arg9 : memref<128x128xf32, #tpu.memory_space<vmem>>) target_semaphore(%run_scoped3A : memref<!tpu.dma_semaphore, #tpu.memory_space<semaphore_mem>>)
      %dma_wait3A = arith.constant 0 : i32
      %dma_wait3A_50 = tpu.memref_slice %arg10[%add3A_42, %dma_wait3A] : memref<10240x128xf32, #tpu.memory_space<vmem_shared>> -> memref<128x128xf32, #tpu.memory_space<vmem_shared>>
      %dma_wait3A_51 = arith.constant 0 : i32
      %dma_wait3A_52 = tpu.memref_slice %arg10[%add3A_42, %dma_wait3A_51] : memref<10240x128xf32, #tpu.memory_space<vmem_shared>> -> memref<128x128xf32, #tpu.memory_space<vmem_shared>>
      tpu.wait_dma2 semaphore(%run_scoped3A : memref<!tpu.dma_semaphore, #tpu.memory_space<semaphore_mem>>) src(%dma_wait3A_52 : memref<128x128xf32, #tpu.memory_space<vmem_shared>>) dst(%arg9 : memref<128x128xf32, #tpu.memory_space<vmem>>)
      tpu.yield
    }) : () -> ()
    "tpu.region"() ({
      %run_scoped3A = tpu.sem_alloc : memref<!tpu.dma_semaphore, #tpu.memory_space<semaphore_mem>>
      %dma_start3A = arith.constant 0 : i32
      %dma_start3A_47 = tpu.memref_slice %arg6[%arg0, %add3A_42, %dma_start3A] : memref<2x10240x128xf32, #tpu.memory_space<hbm>> -> memref<1x128x128xf32, #tpu.memory_space<hbm>>
      %dma_start3A_48 = tpu.memref_squeeze %dma_start3A_47 : memref<1x128x128xf32, #tpu.memory_space<hbm>> -> memref<128x128xf32, #tpu.memory_space<hbm>>
      %dma_start3A_49 = arith.constant 0 : i32
      %dma_start3A_50 = tpu.memref_slice %arg6[%arg0, %add3A_42, %dma_start3A_49] : memref<2x10240x128xf32, #tpu.memory_space<hbm>> -> memref<1x128x128xf32, #tpu.memory_space<hbm>>
      %dma_start3A_51 = tpu.memref_squeeze %dma_start3A_50 : memref<1x128x128xf32, #tpu.memory_space<hbm>> -> memref<128x128xf32, #tpu.memory_space<hbm>>
      tpu.enqueue_dma source(%arg9 : memref<128x128xf32, #tpu.memory_space<vmem>>) target(%dma_start3A_51 : memref<128x128xf32, #tpu.memory_space<hbm>>) target_semaphore(%run_scoped3A : memref<!tpu.dma_semaphore, #tpu.memory_space<semaphore_mem>>)
      %dma_wait3A = arith.constant 0 : i32
      %dma_wait3A_52 = tpu.memref_slice %arg6[%arg0, %add3A_42, %dma_wait3A] : memref<2x10240x128xf32, #tpu.memory_space<hbm>> -> memref<1x128x128xf32, #tpu.memory_space<hbm>>
      %dma_wait3A_53 = tpu.memref_squeeze %dma_wait3A_52 : memref<1x128x128xf32, #tpu.memory_space<hbm>> -> memref<128x128xf32, #tpu.memory_space<hbm>>
      %dma_wait3A_54 = arith.constant 0 : i32
      %dma_wait3A_55 = tpu.memref_slice %arg6[%arg0, %add3A_42, %dma_wait3A_54] : memref<2x10240x128xf32, #tpu.memory_space<hbm>> -> memref<1x128x128xf32, #tpu.memory_space<hbm>>
      %dma_wait3A_56 = tpu.memref_squeeze %dma_wait3A_55 : memref<1x128x128xf32, #tpu.memory_space<hbm>> -> memref<128x128xf32, #tpu.memory_space<hbm>>
      tpu.wait_dma2 semaphore(%run_scoped3A : memref<!tpu.dma_semaphore, #tpu.memory_space<semaphore_mem>>) src(%arg9 : memref<128x128xf32, #tpu.memory_space<vmem>>) dst(%dma_wait3A_56 : memref<128x128xf32, #tpu.memory_space<hbm>>)
      tpu.yield
    }) : () -> ()
    %mul3A_43 = arith.constant 640 : i32
    %mul3A_44 = arith.muli %arg1, %mul3A_43 : i32
    %add3A_45 = arith.constant 512 : i32
    %add3A_46 = arith.addi %mul3A_44, %add3A_45 : i32
    "tpu.region"() ({
      %run_scoped3A = tpu.sem_alloc : memref<!tpu.dma_semaphore, #tpu.memory_space<semaphore_mem>>
      %dma_start3A = arith.constant 0 : i32
      %dma_start3A_47 = tpu.memref_slice %arg10[%add3A_46, %dma_start3A] : memref<10240x128xf32, #tpu.memory_space<vmem_shared>> -> memref<128x128xf32, #tpu.memory_space<vmem_shared>>
      %dma_start3A_48 = arith.constant 0 : i32
      %dma_start3A_49 = tpu.memref_slice %arg10[%add3A_46, %dma_start3A_48] : memref<10240x128xf32, #tpu.memory_space<vmem_shared>> -> memref<128x128xf32, #tpu.memory_space<vmem_shared>>
      tpu.enqueue_dma source(%dma_start3A_49 : memref<128x128xf32, #tpu.memory_space<vmem_shared>>) target(%arg9 : memref<128x128xf32, #tpu.memory_space<vmem>>) target_semaphore(%run_scoped3A : memref<!tpu.dma_semaphore, #tpu.memory_space<semaphore_mem>>)
      %dma_wait3A = arith.constant 0 : i32
      %dma_wait3A_50 = tpu.memref_slice %arg10[%add3A_46, %dma_wait3A] : memref<10240x128xf32, #tpu.memory_space<vmem_shared>> -> memref<128x128xf32, #tpu.memory_space<vmem_shared>>
      %dma_wait3A_51 = arith.constant 0 : i32
      %dma_wait3A_52 = tpu.memref_slice %arg10[%add3A_46, %dma_wait3A_51] : memref<10240x128xf32, #tpu.memory_space<vmem_shared>> -> memref<128x128xf32, #tpu.memory_space<vmem_shared>>
      tpu.wait_dma2 semaphore(%run_scoped3A : memref<!tpu.dma_semaphore, #tpu.memory_space<semaphore_mem>>) src(%dma_wait3A_52 : memref<128x128xf32, #tpu.memory_space<vmem_shared>>) dst(%arg9 : memref<128x128xf32, #tpu.memory_space<vmem>>)
      tpu.yield
    }) : () -> ()
    "tpu.region"() ({
      %run_scoped3A = tpu.sem_alloc : memref<!tpu.dma_semaphore, #tpu.memory_space<semaphore_mem>>
      %dma_start3A = arith.constant 0 : i32
      %dma_start3A_47 = tpu.memref_slice %arg6[%arg0, %add3A_46, %dma_start3A] : memref<2x10240x128xf32, #tpu.memory_space<hbm>> -> memref<1x128x128xf32, #tpu.memory_space<hbm>>
      %dma_start3A_48 = tpu.memref_squeeze %dma_start3A_47 : memref<1x128x128xf32, #tpu.memory_space<hbm>> -> memref<128x128xf32, #tpu.memory_space<hbm>>
      %dma_start3A_49 = arith.constant 0 : i32
      %dma_start3A_50 = tpu.memref_slice %arg6[%arg0, %add3A_46, %dma_start3A_49] : memref<2x10240x128xf32, #tpu.memory_space<hbm>> -> memref<1x128x128xf32, #tpu.memory_space<hbm>>
      %dma_start3A_51 = tpu.memref_squeeze %dma_start3A_50 : memref<1x128x128xf32, #tpu.memory_space<hbm>> -> memref<128x128xf32, #tpu.memory_space<hbm>>
      tpu.enqueue_dma source(%arg9 : memref<128x128xf32, #tpu.memory_space<vmem>>) target(%dma_start3A_51 : memref<128x128xf32, #tpu.memory_space<hbm>>) target_semaphore(%run_scoped3A : memref<!tpu.dma_semaphore, #tpu.memory_space<semaphore_mem>>)
      %dma_wait3A = arith.constant 0 : i32
      %dma_wait3A_52 = tpu.memref_slice %arg6[%arg0, %add3A_46, %dma_wait3A] : memref<2x10240x128xf32, #tpu.memory_space<hbm>> -> memref<1x128x128xf32, #tpu.memory_space<hbm>>
      %dma_wait3A_53 = tpu.memref_squeeze %dma_wait3A_52 : memref<1x128x128xf32, #tpu.memory_space<hbm>> -> memref<128x128xf32, #tpu.memory_space<hbm>>
      %dma_wait3A_54 = arith.constant 0 : i32
      %dma_wait3A_55 = tpu.memref_slice %arg6[%arg0, %add3A_46, %dma_wait3A_54] : memref<2x10240x128xf32, #tpu.memory_space<hbm>> -> memref<1x128x128xf32, #tpu.memory_space<hbm>>
      %dma_wait3A_56 = tpu.memref_squeeze %dma_wait3A_55 : memref<1x128x128xf32, #tpu.memory_space<hbm>> -> memref<128x128xf32, #tpu.memory_space<hbm>>
      tpu.wait_dma2 semaphore(%run_scoped3A : memref<!tpu.dma_semaphore, #tpu.memory_space<semaphore_mem>>) src(%arg9 : memref<128x128xf32, #tpu.memory_space<vmem>>) dst(%dma_wait3A_56 : memref<128x128xf32, #tpu.memory_space<hbm>>)
      tpu.yield
    }) : () -> ()
    return
  }
}

#map = affine_map<(d0, d1) -> (0, 0)>
#map1 = affine_map<(d0, d1) -> (0)>
#map2 = affine_map<(d0, d1) -> (0, 0, 0)>
module attributes {stable_mosaic.version = 14 : i64} {
  func.func @_msg_body(%arg0: i32, %arg1: i32, %arg2: memref<10240x128xf32, #tpu.memory_space<hbm>>, %arg3: memref<323584xi32, #tpu.memory_space<hbm>>, %arg4: memref<323584xi32, #tpu.memory_space<hbm>>, %arg5: memref<128x128xf32, #tpu.memory_space<hbm>>, %arg6: memref<2x10240x128xf32, #tpu.memory_space<hbm>>, %arg7: memref<128xi32, #tpu.memory_space<vmem>>, %arg8: memref<128xi32, #tpu.memory_space<vmem>>, %arg9: memref<128x128xf32, #tpu.memory_space<vmem>>, %arg10: memref<10240x128xf32, #tpu.memory_space<vmem_shared>>, %arg11: memref<!tpu.dma_semaphore, #tpu.memory_space<semaphore_mem>>) attributes {dimension_semantics = [#tpu.dimension_semantics<core_parallel>, #tpu.dimension_semantics<subcore_parallel>], iteration_bounds = array<i64: 2, 16>, scalar_prefetch = 0 : i64, scratch_operands = 5 : i64, tpu.core_type = #tpu.core_type<sc_vector_subcore>, window_params = [{transform_indices = #map}, {transform_indices = #map1}, {transform_indices = #map1}, {transform_indices = #map}, {transform_indices = #map2}]} {
    %mul3A = arith.constant 16 : i32
    %mul3A_0 = arith.muli %arg0, %mul3A : i32
    %add3A = arith.addi %mul3A_0, %arg1 : i32
    "tpu.region"() ({
      %run_scoped3A = tpu.sem_alloc : memref<!tpu.dma_semaphore, #tpu.memory_space<semaphore_mem>>
      tpu.enqueue_dma source(%arg5 : memref<128x128xf32, #tpu.memory_space<hbm>>) target(%arg9 : memref<128x128xf32, #tpu.memory_space<vmem>>) target_semaphore(%run_scoped3A : memref<!tpu.dma_semaphore, #tpu.memory_space<semaphore_mem>>)
      tpu.wait_dma2 semaphore(%run_scoped3A : memref<!tpu.dma_semaphore, #tpu.memory_space<semaphore_mem>>) src(%arg5 : memref<128x128xf32, #tpu.memory_space<hbm>>) dst(%arg9 : memref<128x128xf32, #tpu.memory_space<vmem>>)
      tpu.yield
    }) : () -> ()
    %mul3A_1 = arith.constant 640 : i32
    %mul3A_2 = arith.muli %arg1, %mul3A_1 : i32
    %add3A_3 = arith.constant 0 : i32
    %add3A_4 = arith.addi %mul3A_2, %add3A_3 : i32
    "tpu.region"() ({
      %run_scoped3A = tpu.sem_alloc : memref<!tpu.dma_semaphore, #tpu.memory_space<semaphore_mem>>
      %dma_start3A = arith.constant 0 : i32
      %dma_start3A_47 = tpu.memref_slice %arg10[%add3A_4, %dma_start3A] : memref<10240x128xf32, #tpu.memory_space<vmem_shared>> -> memref<128x128xf32, #tpu.memory_space<vmem_shared>>
      %dma_start3A_48 = arith.constant 0 : i32
      %dma_start3A_49 = tpu.memref_slice %arg10[%add3A_4, %dma_start3A_48] : memref<10240x128xf32, #tpu.memory_space<vmem_shared>> -> memref<128x128xf32, #tpu.memory_space<vmem_shared>>
      tpu.enqueue_dma source(%arg9 : memref<128x128xf32, #tpu.memory_space<vmem>>) target(%dma_start3A_49 : memref<128x128xf32, #tpu.memory_space<vmem_shared>>) target_semaphore(%run_scoped3A : memref<!tpu.dma_semaphore, #tpu.memory_space<semaphore_mem>>)
      %dma_wait3A = arith.constant 0 : i32
      %dma_wait3A_50 = tpu.memref_slice %arg10[%add3A_4, %dma_wait3A] : memref<10240x128xf32, #tpu.memory_space<vmem_shared>> -> memref<128x128xf32, #tpu.memory_space<vmem_shared>>
      %dma_wait3A_51 = arith.constant 0 : i32
      %dma_wait3A_52 = tpu.memref_slice %arg10[%add3A_4, %dma_wait3A_51] : memref<10240x128xf32, #tpu.memory_space<vmem_shared>> -> memref<128x128xf32, #tpu.memory_space<vmem_shared>>
      tpu.wait_dma2 semaphore(%run_scoped3A : memref<!tpu.dma_semaphore, #tpu.memory_space<semaphore_mem>>) src(%arg9 : memref<128x128xf32, #tpu.memory_space<vmem>>) dst(%dma_wait3A_52 : memref<128x128xf32, #tpu.memory_space<vmem_shared>>)
      tpu.yield
    }) : () -> ()
    %mul3A_5 = arith.constant 640 : i32
    %mul3A_6 = arith.muli %arg1, %mul3A_5 : i32
    %add3A_7 = arith.constant 128 : i32
    %add3A_8 = arith.addi %mul3A_6, %add3A_7 : i32
    "tpu.region"() ({
      %run_scoped3A = tpu.sem_alloc : memref<!tpu.dma_semaphore, #tpu.memory_space<semaphore_mem>>
      %dma_start3A = arith.constant 0 : i32
      %dma_start3A_47 = tpu.memref_slice %arg10[%add3A_8, %dma_start3A] : memref<10240x128xf32, #tpu.memory_space<vmem_shared>> -> memref<128x128xf32, #tpu.memory_space<vmem_shared>>
      %dma_start3A_48 = arith.constant 0 : i32
      %dma_start3A_49 = tpu.memref_slice %arg10[%add3A_8, %dma_start3A_48] : memref<10240x128xf32, #tpu.memory_space<vmem_shared>> -> memref<128x128xf32, #tpu.memory_space<vmem_shared>>
      tpu.enqueue_dma source(%arg9 : memref<128x128xf32, #tpu.memory_space<vmem>>) target(%dma_start3A_49 : memref<128x128xf32, #tpu.memory_space<vmem_shared>>) target_semaphore(%run_scoped3A : memref<!tpu.dma_semaphore, #tpu.memory_space<semaphore_mem>>)
      %dma_wait3A = arith.constant 0 : i32
      %dma_wait3A_50 = tpu.memref_slice %arg10[%add3A_8, %dma_wait3A] : memref<10240x128xf32, #tpu.memory_space<vmem_shared>> -> memref<128x128xf32, #tpu.memory_space<vmem_shared>>
      %dma_wait3A_51 = arith.constant 0 : i32
      %dma_wait3A_52 = tpu.memref_slice %arg10[%add3A_8, %dma_wait3A_51] : memref<10240x128xf32, #tpu.memory_space<vmem_shared>> -> memref<128x128xf32, #tpu.memory_space<vmem_shared>>
      tpu.wait_dma2 semaphore(%run_scoped3A : memref<!tpu.dma_semaphore, #tpu.memory_space<semaphore_mem>>) src(%arg9 : memref<128x128xf32, #tpu.memory_space<vmem>>) dst(%dma_wait3A_52 : memref<128x128xf32, #tpu.memory_space<vmem_shared>>)
      tpu.yield
    }) : () -> ()
    %mul3A_9 = arith.constant 640 : i32
    %mul3A_10 = arith.muli %arg1, %mul3A_9 : i32
    %add3A_11 = arith.constant 256 : i32
    %add3A_12 = arith.addi %mul3A_10, %add3A_11 : i32
    "tpu.region"() ({
      %run_scoped3A = tpu.sem_alloc : memref<!tpu.dma_semaphore, #tpu.memory_space<semaphore_mem>>
      %dma_start3A = arith.constant 0 : i32
      %dma_start3A_47 = tpu.memref_slice %arg10[%add3A_12, %dma_start3A] : memref<10240x128xf32, #tpu.memory_space<vmem_shared>> -> memref<128x128xf32, #tpu.memory_space<vmem_shared>>
      %dma_start3A_48 = arith.constant 0 : i32
      %dma_start3A_49 = tpu.memref_slice %arg10[%add3A_12, %dma_start3A_48] : memref<10240x128xf32, #tpu.memory_space<vmem_shared>> -> memref<128x128xf32, #tpu.memory_space<vmem_shared>>
      tpu.enqueue_dma source(%arg9 : memref<128x128xf32, #tpu.memory_space<vmem>>) target(%dma_start3A_49 : memref<128x128xf32, #tpu.memory_space<vmem_shared>>) target_semaphore(%run_scoped3A : memref<!tpu.dma_semaphore, #tpu.memory_space<semaphore_mem>>)
      %dma_wait3A = arith.constant 0 : i32
      %dma_wait3A_50 = tpu.memref_slice %arg10[%add3A_12, %dma_wait3A] : memref<10240x128xf32, #tpu.memory_space<vmem_shared>> -> memref<128x128xf32, #tpu.memory_space<vmem_shared>>
      %dma_wait3A_51 = arith.constant 0 : i32
      %dma_wait3A_52 = tpu.memref_slice %arg10[%add3A_12, %dma_wait3A_51] : memref<10240x128xf32, #tpu.memory_space<vmem_shared>> -> memref<128x128xf32, #tpu.memory_space<vmem_shared>>
      tpu.wait_dma2 semaphore(%run_scoped3A : memref<!tpu.dma_semaphore, #tpu.memory_space<semaphore_mem>>) src(%arg9 : memref<128x128xf32, #tpu.memory_space<vmem>>) dst(%dma_wait3A_52 : memref<128x128xf32, #tpu.memory_space<vmem_shared>>)
      tpu.yield
    }) : () -> ()
    %mul3A_13 = arith.constant 640 : i32
    %mul3A_14 = arith.muli %arg1, %mul3A_13 : i32
    %add3A_15 = arith.constant 384 : i32
    %add3A_16 = arith.addi %mul3A_14, %add3A_15 : i32
    "tpu.region"() ({
      %run_scoped3A = tpu.sem_alloc : memref<!tpu.dma_semaphore, #tpu.memory_space<semaphore_mem>>
      %dma_start3A = arith.constant 0 : i32
      %dma_start3A_47 = tpu.memref_slice %arg10[%add3A_16, %dma_start3A] : memref<10240x128xf32, #tpu.memory_space<vmem_shared>> -> memref<128x128xf32, #tpu.memory_space<vmem_shared>>
      %dma_start3A_48 = arith.constant 0 : i32
      %dma_start3A_49 = tpu.memref_slice %arg10[%add3A_16, %dma_start3A_48] : memref<10240x128xf32, #tpu.memory_space<vmem_shared>> -> memref<128x128xf32, #tpu.memory_space<vmem_shared>>
      tpu.enqueue_dma source(%arg9 : memref<128x128xf32, #tpu.memory_space<vmem>>) target(%dma_start3A_49 : memref<128x128xf32, #tpu.memory_space<vmem_shared>>) target_semaphore(%run_scoped3A : memref<!tpu.dma_semaphore, #tpu.memory_space<semaphore_mem>>)
      %dma_wait3A = arith.constant 0 : i32
      %dma_wait3A_50 = tpu.memref_slice %arg10[%add3A_16, %dma_wait3A] : memref<10240x128xf32, #tpu.memory_space<vmem_shared>> -> memref<128x128xf32, #tpu.memory_space<vmem_shared>>
      %dma_wait3A_51 = arith.constant 0 : i32
      %dma_wait3A_52 = tpu.memref_slice %arg10[%add3A_16, %dma_wait3A_51] : memref<10240x128xf32, #tpu.memory_space<vmem_shared>> -> memref<128x128xf32, #tpu.memory_space<vmem_shared>>
      tpu.wait_dma2 semaphore(%run_scoped3A : memref<!tpu.dma_semaphore, #tpu.memory_space<semaphore_mem>>) src(%arg9 : memref<128x128xf32, #tpu.memory_space<vmem>>) dst(%dma_wait3A_52 : memref<128x128xf32, #tpu.memory_space<vmem_shared>>)
      tpu.yield
    }) : () -> ()
    %mul3A_17 = arith.constant 640 : i32
    %mul3A_18 = arith.muli %arg1, %mul3A_17 : i32
    %add3A_19 = arith.constant 512 : i32
    %add3A_20 = arith.addi %mul3A_18, %add3A_19 : i32
    "tpu.region"() ({
      %run_scoped3A = tpu.sem_alloc : memref<!tpu.dma_semaphore, #tpu.memory_space<semaphore_mem>>
      %dma_start3A = arith.constant 0 : i32
      %dma_start3A_47 = tpu.memref_slice %arg10[%add3A_20, %dma_start3A] : memref<10240x128xf32, #tpu.memory_space<vmem_shared>> -> memref<128x128xf32, #tpu.memory_space<vmem_shared>>
      %dma_start3A_48 = arith.constant 0 : i32
      %dma_start3A_49 = tpu.memref_slice %arg10[%add3A_20, %dma_start3A_48] : memref<10240x128xf32, #tpu.memory_space<vmem_shared>> -> memref<128x128xf32, #tpu.memory_space<vmem_shared>>
      tpu.enqueue_dma source(%arg9 : memref<128x128xf32, #tpu.memory_space<vmem>>) target(%dma_start3A_49 : memref<128x128xf32, #tpu.memory_space<vmem_shared>>) target_semaphore(%run_scoped3A : memref<!tpu.dma_semaphore, #tpu.memory_space<semaphore_mem>>)
      %dma_wait3A = arith.constant 0 : i32
      %dma_wait3A_50 = tpu.memref_slice %arg10[%add3A_20, %dma_wait3A] : memref<10240x128xf32, #tpu.memory_space<vmem_shared>> -> memref<128x128xf32, #tpu.memory_space<vmem_shared>>
      %dma_wait3A_51 = arith.constant 0 : i32
      %dma_wait3A_52 = tpu.memref_slice %arg10[%add3A_20, %dma_wait3A_51] : memref<10240x128xf32, #tpu.memory_space<vmem_shared>> -> memref<128x128xf32, #tpu.memory_space<vmem_shared>>
      tpu.wait_dma2 semaphore(%run_scoped3A : memref<!tpu.dma_semaphore, #tpu.memory_space<semaphore_mem>>) src(%arg9 : memref<128x128xf32, #tpu.memory_space<vmem>>) dst(%dma_wait3A_52 : memref<128x128xf32, #tpu.memory_space<vmem_shared>>)
      tpu.yield
    }) : () -> ()
    %barrier3A = arith.constant 0 : index
    tpu.barrier barrier_id(%barrier3A)
    %scan3A = arith.constant 0 : i32
    %scan3A_21 = arith.constant 0 : i32
    %scan3A_22 = arith.constant 79 : i32
    %scan3A_23 = arith.addi %scan3A_21, %scan3A_22 : i32
    %scan3A_24 = arith.constant 1 : i32
    scf.for %scan3A_47 = %scan3A_21 to %scan3A_23 step %scan3A_24  : i32 {
      %mul3A_48 = arith.constant 10112 : i32
      %mul3A_49 = arith.muli %add3A, %mul3A_48 : i32
      %mul3A_50 = arith.constant 128 : i32
      %mul3A_51 = arith.muli %scan3A_47, %mul3A_50 : i32
      %add3A_52 = arith.addi %mul3A_49, %mul3A_51 : i32
      "tpu.region"() ({
        %run_scoped3A = tpu.sem_alloc : memref<!tpu.dma_semaphore, #tpu.memory_space<semaphore_mem>>
        %dma_start3A_57 = tpu.memref_slice %arg3[%add3A_52] : memref<323584xi32, #tpu.memory_space<hbm>> -> memref<128xi32, #tpu.memory_space<hbm>>
        %dma_start3A_58 = tpu.memref_slice %arg3[%add3A_52] : memref<323584xi32, #tpu.memory_space<hbm>> -> memref<128xi32, #tpu.memory_space<hbm>>
        tpu.enqueue_dma source(%dma_start3A_58 : memref<128xi32, #tpu.memory_space<hbm>>) target(%arg7 : memref<128xi32, #tpu.memory_space<vmem>>) target_semaphore(%run_scoped3A : memref<!tpu.dma_semaphore, #tpu.memory_space<semaphore_mem>>)
        %dma_wait3A_59 = tpu.memref_slice %arg3[%add3A_52] : memref<323584xi32, #tpu.memory_space<hbm>> -> memref<128xi32, #tpu.memory_space<hbm>>
        %dma_wait3A_60 = tpu.memref_slice %arg3[%add3A_52] : memref<323584xi32, #tpu.memory_space<hbm>> -> memref<128xi32, #tpu.memory_space<hbm>>
        tpu.wait_dma2 semaphore(%run_scoped3A : memref<!tpu.dma_semaphore, #tpu.memory_space<semaphore_mem>>) src(%dma_wait3A_60 : memref<128xi32, #tpu.memory_space<hbm>>) dst(%arg7 : memref<128xi32, #tpu.memory_space<vmem>>)
        tpu.yield
      }) : () -> ()
      %dma_start3A = arith.constant 0 : i32
      %dma_start3A_53 = arith.constant 0 : i32
      %dma_start3A_54 = tpu.memref_slice %arg2[%dma_start3A, %dma_start3A_53] : memref<10240x128xf32, #tpu.memory_space<hbm>> -> memref<10240x128xf32, #tpu.memory_space<hbm>>
      tpu.enqueue_indirect_dma source(%dma_start3A_54 : memref<10240x128xf32, #tpu.memory_space<hbm>>) target(%arg9 : memref<128x128xf32, #tpu.memory_space<vmem>>) offsets(%arg7 : memref<128xi32, #tpu.memory_space<vmem>>) semaphore(%arg11 : memref<!tpu.dma_semaphore, #tpu.memory_space<semaphore_mem>>)
      %dma_wait3A = arith.constant 0 : i32
      %dma_wait3A_55 = arith.constant 0 : i32
      %dma_wait3A_56 = tpu.memref_slice %arg2[%dma_wait3A, %dma_wait3A_55] : memref<10240x128xf32, #tpu.memory_space<hbm>> -> memref<10240x128xf32, #tpu.memory_space<hbm>>
      tpu.wait_indirect_dma semaphore(%arg11 : memref<!tpu.dma_semaphore, #tpu.memory_space<semaphore_mem>>) src(%dma_wait3A_56 : memref<10240x128xf32, #tpu.memory_space<hbm>>) dst(%arg9 : memref<128x128xf32, #tpu.memory_space<vmem>>)
      "tpu.region"() ({
        %run_scoped3A = tpu.sem_alloc : memref<!tpu.dma_semaphore, #tpu.memory_space<semaphore_mem>>
        %dma_start3A_57 = tpu.memref_slice %arg4[%add3A_52] : memref<323584xi32, #tpu.memory_space<hbm>> -> memref<128xi32, #tpu.memory_space<hbm>>
        %dma_start3A_58 = tpu.memref_slice %arg4[%add3A_52] : memref<323584xi32, #tpu.memory_space<hbm>> -> memref<128xi32, #tpu.memory_space<hbm>>
        tpu.enqueue_dma source(%dma_start3A_58 : memref<128xi32, #tpu.memory_space<hbm>>) target(%arg8 : memref<128xi32, #tpu.memory_space<vmem>>) target_semaphore(%run_scoped3A : memref<!tpu.dma_semaphore, #tpu.memory_space<semaphore_mem>>)
        %dma_wait3A_59 = tpu.memref_slice %arg4[%add3A_52] : memref<323584xi32, #tpu.memory_space<hbm>> -> memref<128xi32, #tpu.memory_space<hbm>>
        %dma_wait3A_60 = tpu.memref_slice %arg4[%add3A_52] : memref<323584xi32, #tpu.memory_space<hbm>> -> memref<128xi32, #tpu.memory_space<hbm>>
        tpu.wait_dma2 semaphore(%run_scoped3A : memref<!tpu.dma_semaphore, #tpu.memory_space<semaphore_mem>>) src(%dma_wait3A_60 : memref<128xi32, #tpu.memory_space<hbm>>) dst(%arg8 : memref<128xi32, #tpu.memory_space<vmem>>)
        tpu.yield
      }) : () -> ()
      "tpu.region"() ({
        %run_scoped3A = tpu.sem_alloc : memref<!tpu.dma_semaphore, #tpu.memory_space<semaphore_mem>>
        %dma_start3A_57 = arith.constant 0 : i32
        %dma_start3A_58 = arith.constant 0 : i32
        %dma_start3A_59 = tpu.memref_slice %arg10[%dma_start3A_57, %dma_start3A_58] : memref<10240x128xf32, #tpu.memory_space<vmem_shared>> -> memref<10240x128xf32, #tpu.memory_space<vmem_shared>>
        tpu.enqueue_indirect_dma source(%arg9 : memref<128x128xf32, #tpu.memory_space<vmem>>) target(%dma_start3A_59 : memref<10240x128xf32, #tpu.memory_space<vmem_shared>>) offsets(%arg8 : memref<128xi32, #tpu.memory_space<vmem>>) semaphore(%run_scoped3A : memref<!tpu.dma_semaphore, #tpu.memory_space<semaphore_mem>>) {add = true}
        %dma_wait3A_60 = arith.constant 0 : i32
        %dma_wait3A_61 = arith.constant 0 : i32
        %dma_wait3A_62 = tpu.memref_slice %arg10[%dma_wait3A_60, %dma_wait3A_61] : memref<10240x128xf32, #tpu.memory_space<vmem_shared>> -> memref<10240x128xf32, #tpu.memory_space<vmem_shared>>
        tpu.wait_indirect_dma semaphore(%run_scoped3A : memref<!tpu.dma_semaphore, #tpu.memory_space<semaphore_mem>>) src(%arg9 : memref<128x128xf32, #tpu.memory_space<vmem>>) dst(%dma_wait3A_62 : memref<10240x128xf32, #tpu.memory_space<vmem_shared>>)
        tpu.yield
      }) : () -> ()
    }
    %scan3A_25 = arith.constant 79 : i32
    %barrier3A_26 = arith.constant 0 : index
    tpu.barrier barrier_id(%barrier3A_26)
    %mul3A_27 = arith.constant 640 : i32
    %mul3A_28 = arith.muli %arg1, %mul3A_27 : i32
    %add3A_29 = arith.constant 0 : i32
    %add3A_30 = arith.addi %mul3A_28, %add3A_29 : i32
    "tpu.region"() ({
      %run_scoped3A = tpu.sem_alloc : memref<!tpu.dma_semaphore, #tpu.memory_space<semaphore_mem>>
      %dma_start3A = arith.constant 0 : i32
      %dma_start3A_47 = tpu.memref_slice %arg10[%add3A_30, %dma_start3A] : memref<10240x128xf32, #tpu.memory_space<vmem_shared>> -> memref<128x128xf32, #tpu.memory_space<vmem_shared>>
      %dma_start3A_48 = arith.constant 0 : i32
      %dma_start3A_49 = tpu.memref_slice %arg10[%add3A_30, %dma_start3A_48] : memref<10240x128xf32, #tpu.memory_space<vmem_shared>> -> memref<128x128xf32, #tpu.memory_space<vmem_shared>>
      tpu.enqueue_dma source(%dma_start3A_49 : memref<128x128xf32, #tpu.memory_space<vmem_shared>>) target(%arg9 : memref<128x128xf32, #tpu.memory_space<vmem>>) target_semaphore(%run_scoped3A : memref<!tpu.dma_semaphore, #tpu.memory_space<semaphore_mem>>)
      %dma_wait3A = arith.constant 0 : i32
      %dma_wait3A_50 = tpu.memref_slice %arg10[%add3A_30, %dma_wait3A] : memref<10240x128xf32, #tpu.memory_space<vmem_shared>> -> memref<128x128xf32, #tpu.memory_space<vmem_shared>>
      %dma_wait3A_51 = arith.constant 0 : i32
      %dma_wait3A_52 = tpu.memref_slice %arg10[%add3A_30, %dma_wait3A_51] : memref<10240x128xf32, #tpu.memory_space<vmem_shared>> -> memref<128x128xf32, #tpu.memory_space<vmem_shared>>
      tpu.wait_dma2 semaphore(%run_scoped3A : memref<!tpu.dma_semaphore, #tpu.memory_space<semaphore_mem>>) src(%dma_wait3A_52 : memref<128x128xf32, #tpu.memory_space<vmem_shared>>) dst(%arg9 : memref<128x128xf32, #tpu.memory_space<vmem>>)
      tpu.yield
    }) : () -> ()
    "tpu.region"() ({
      %run_scoped3A = tpu.sem_alloc : memref<!tpu.dma_semaphore, #tpu.memory_space<semaphore_mem>>
      %dma_start3A = arith.constant 0 : i32
      %dma_start3A_47 = tpu.memref_slice %arg6[%arg0, %add3A_30, %dma_start3A] : memref<2x10240x128xf32, #tpu.memory_space<hbm>> -> memref<1x128x128xf32, #tpu.memory_space<hbm>>
      %dma_start3A_48 = tpu.memref_squeeze %dma_start3A_47 : memref<1x128x128xf32, #tpu.memory_space<hbm>> -> memref<128x128xf32, #tpu.memory_space<hbm>>
      %dma_start3A_49 = arith.constant 0 : i32
      %dma_start3A_50 = tpu.memref_slice %arg6[%arg0, %add3A_30, %dma_start3A_49] : memref<2x10240x128xf32, #tpu.memory_space<hbm>> -> memref<1x128x128xf32, #tpu.memory_space<hbm>>
      %dma_start3A_51 = tpu.memref_squeeze %dma_start3A_50 : memref<1x128x128xf32, #tpu.memory_space<hbm>> -> memref<128x128xf32, #tpu.memory_space<hbm>>
      tpu.enqueue_dma source(%arg9 : memref<128x128xf32, #tpu.memory_space<vmem>>) target(%dma_start3A_51 : memref<128x128xf32, #tpu.memory_space<hbm>>) target_semaphore(%run_scoped3A : memref<!tpu.dma_semaphore, #tpu.memory_space<semaphore_mem>>)
      %dma_wait3A = arith.constant 0 : i32
      %dma_wait3A_52 = tpu.memref_slice %arg6[%arg0, %add3A_30, %dma_wait3A] : memref<2x10240x128xf32, #tpu.memory_space<hbm>> -> memref<1x128x128xf32, #tpu.memory_space<hbm>>
      %dma_wait3A_53 = tpu.memref_squeeze %dma_wait3A_52 : memref<1x128x128xf32, #tpu.memory_space<hbm>> -> memref<128x128xf32, #tpu.memory_space<hbm>>
      %dma_wait3A_54 = arith.constant 0 : i32
      %dma_wait3A_55 = tpu.memref_slice %arg6[%arg0, %add3A_30, %dma_wait3A_54] : memref<2x10240x128xf32, #tpu.memory_space<hbm>> -> memref<1x128x128xf32, #tpu.memory_space<hbm>>
      %dma_wait3A_56 = tpu.memref_squeeze %dma_wait3A_55 : memref<1x128x128xf32, #tpu.memory_space<hbm>> -> memref<128x128xf32, #tpu.memory_space<hbm>>
      tpu.wait_dma2 semaphore(%run_scoped3A : memref<!tpu.dma_semaphore, #tpu.memory_space<semaphore_mem>>) src(%arg9 : memref<128x128xf32, #tpu.memory_space<vmem>>) dst(%dma_wait3A_56 : memref<128x128xf32, #tpu.memory_space<hbm>>)
      tpu.yield
    }) : () -> ()
    %mul3A_31 = arith.constant 640 : i32
    %mul3A_32 = arith.muli %arg1, %mul3A_31 : i32
    %add3A_33 = arith.constant 128 : i32
    %add3A_34 = arith.addi %mul3A_32, %add3A_33 : i32
    "tpu.region"() ({
      %run_scoped3A = tpu.sem_alloc : memref<!tpu.dma_semaphore, #tpu.memory_space<semaphore_mem>>
      %dma_start3A = arith.constant 0 : i32
      %dma_start3A_47 = tpu.memref_slice %arg10[%add3A_34, %dma_start3A] : memref<10240x128xf32, #tpu.memory_space<vmem_shared>> -> memref<128x128xf32, #tpu.memory_space<vmem_shared>>
      %dma_start3A_48 = arith.constant 0 : i32
      %dma_start3A_49 = tpu.memref_slice %arg10[%add3A_34, %dma_start3A_48] : memref<10240x128xf32, #tpu.memory_space<vmem_shared>> -> memref<128x128xf32, #tpu.memory_space<vmem_shared>>
      tpu.enqueue_dma source(%dma_start3A_49 : memref<128x128xf32, #tpu.memory_space<vmem_shared>>) target(%arg9 : memref<128x128xf32, #tpu.memory_space<vmem>>) target_semaphore(%run_scoped3A : memref<!tpu.dma_semaphore, #tpu.memory_space<semaphore_mem>>)
      %dma_wait3A = arith.constant 0 : i32
      %dma_wait3A_50 = tpu.memref_slice %arg10[%add3A_34, %dma_wait3A] : memref<10240x128xf32, #tpu.memory_space<vmem_shared>> -> memref<128x128xf32, #tpu.memory_space<vmem_shared>>
      %dma_wait3A_51 = arith.constant 0 : i32
      %dma_wait3A_52 = tpu.memref_slice %arg10[%add3A_34, %dma_wait3A_51] : memref<10240x128xf32, #tpu.memory_space<vmem_shared>> -> memref<128x128xf32, #tpu.memory_space<vmem_shared>>
      tpu.wait_dma2 semaphore(%run_scoped3A : memref<!tpu.dma_semaphore, #tpu.memory_space<semaphore_mem>>) src(%dma_wait3A_52 : memref<128x128xf32, #tpu.memory_space<vmem_shared>>) dst(%arg9 : memref<128x128xf32, #tpu.memory_space<vmem>>)
      tpu.yield
    }) : () -> ()
    "tpu.region"() ({
      %run_scoped3A = tpu.sem_alloc : memref<!tpu.dma_semaphore, #tpu.memory_space<semaphore_mem>>
      %dma_start3A = arith.constant 0 : i32
      %dma_start3A_47 = tpu.memref_slice %arg6[%arg0, %add3A_34, %dma_start3A] : memref<2x10240x128xf32, #tpu.memory_space<hbm>> -> memref<1x128x128xf32, #tpu.memory_space<hbm>>
      %dma_start3A_48 = tpu.memref_squeeze %dma_start3A_47 : memref<1x128x128xf32, #tpu.memory_space<hbm>> -> memref<128x128xf32, #tpu.memory_space<hbm>>
      %dma_start3A_49 = arith.constant 0 : i32
      %dma_start3A_50 = tpu.memref_slice %arg6[%arg0, %add3A_34, %dma_start3A_49] : memref<2x10240x128xf32, #tpu.memory_space<hbm>> -> memref<1x128x128xf32, #tpu.memory_space<hbm>>
      %dma_start3A_51 = tpu.memref_squeeze %dma_start3A_50 : memref<1x128x128xf32, #tpu.memory_space<hbm>> -> memref<128x128xf32, #tpu.memory_space<hbm>>
      tpu.enqueue_dma source(%arg9 : memref<128x128xf32, #tpu.memory_space<vmem>>) target(%dma_start3A_51 : memref<128x128xf32, #tpu.memory_space<hbm>>) target_semaphore(%run_scoped3A : memref<!tpu.dma_semaphore, #tpu.memory_space<semaphore_mem>>)
      %dma_wait3A = arith.constant 0 : i32
      %dma_wait3A_52 = tpu.memref_slice %arg6[%arg0, %add3A_34, %dma_wait3A] : memref<2x10240x128xf32, #tpu.memory_space<hbm>> -> memref<1x128x128xf32, #tpu.memory_space<hbm>>
      %dma_wait3A_53 = tpu.memref_squeeze %dma_wait3A_52 : memref<1x128x128xf32, #tpu.memory_space<hbm>> -> memref<128x128xf32, #tpu.memory_space<hbm>>
      %dma_wait3A_54 = arith.constant 0 : i32
      %dma_wait3A_55 = tpu.memref_slice %arg6[%arg0, %add3A_34, %dma_wait3A_54] : memref<2x10240x128xf32, #tpu.memory_space<hbm>> -> memref<1x128x128xf32, #tpu.memory_space<hbm>>
      %dma_wait3A_56 = tpu.memref_squeeze %dma_wait3A_55 : memref<1x128x128xf32, #tpu.memory_space<hbm>> -> memref<128x128xf32, #tpu.memory_space<hbm>>
      tpu.wait_dma2 semaphore(%run_scoped3A : memref<!tpu.dma_semaphore, #tpu.memory_space<semaphore_mem>>) src(%arg9 : memref<128x128xf32, #tpu.memory_space<vmem>>) dst(%dma_wait3A_56 : memref<128x128xf32, #tpu.memory_space<hbm>>)
      tpu.yield
    }) : () -> ()
    %mul3A_35 = arith.constant 640 : i32
    %mul3A_36 = arith.muli %arg1, %mul3A_35 : i32
    %add3A_37 = arith.constant 256 : i32
    %add3A_38 = arith.addi %mul3A_36, %add3A_37 : i32
    "tpu.region"() ({
      %run_scoped3A = tpu.sem_alloc : memref<!tpu.dma_semaphore, #tpu.memory_space<semaphore_mem>>
      %dma_start3A = arith.constant 0 : i32
      %dma_start3A_47 = tpu.memref_slice %arg10[%add3A_38, %dma_start3A] : memref<10240x128xf32, #tpu.memory_space<vmem_shared>> -> memref<128x128xf32, #tpu.memory_space<vmem_shared>>
      %dma_start3A_48 = arith.constant 0 : i32
      %dma_start3A_49 = tpu.memref_slice %arg10[%add3A_38, %dma_start3A_48] : memref<10240x128xf32, #tpu.memory_space<vmem_shared>> -> memref<128x128xf32, #tpu.memory_space<vmem_shared>>
      tpu.enqueue_dma source(%dma_start3A_49 : memref<128x128xf32, #tpu.memory_space<vmem_shared>>) target(%arg9 : memref<128x128xf32, #tpu.memory_space<vmem>>) target_semaphore(%run_scoped3A : memref<!tpu.dma_semaphore, #tpu.memory_space<semaphore_mem>>)
      %dma_wait3A = arith.constant 0 : i32
      %dma_wait3A_50 = tpu.memref_slice %arg10[%add3A_38, %dma_wait3A] : memref<10240x128xf32, #tpu.memory_space<vmem_shared>> -> memref<128x128xf32, #tpu.memory_space<vmem_shared>>
      %dma_wait3A_51 = arith.constant 0 : i32
      %dma_wait3A_52 = tpu.memref_slice %arg10[%add3A_38, %dma_wait3A_51] : memref<10240x128xf32, #tpu.memory_space<vmem_shared>> -> memref<128x128xf32, #tpu.memory_space<vmem_shared>>
      tpu.wait_dma2 semaphore(%run_scoped3A : memref<!tpu.dma_semaphore, #tpu.memory_space<semaphore_mem>>) src(%dma_wait3A_52 : memref<128x128xf32, #tpu.memory_space<vmem_shared>>) dst(%arg9 : memref<128x128xf32, #tpu.memory_space<vmem>>)
      tpu.yield
    }) : () -> ()
    "tpu.region"() ({
      %run_scoped3A = tpu.sem_alloc : memref<!tpu.dma_semaphore, #tpu.memory_space<semaphore_mem>>
      %dma_start3A = arith.constant 0 : i32
      %dma_start3A_47 = tpu.memref_slice %arg6[%arg0, %add3A_38, %dma_start3A] : memref<2x10240x128xf32, #tpu.memory_space<hbm>> -> memref<1x128x128xf32, #tpu.memory_space<hbm>>
      %dma_start3A_48 = tpu.memref_squeeze %dma_start3A_47 : memref<1x128x128xf32, #tpu.memory_space<hbm>> -> memref<128x128xf32, #tpu.memory_space<hbm>>
      %dma_start3A_49 = arith.constant 0 : i32
      %dma_start3A_50 = tpu.memref_slice %arg6[%arg0, %add3A_38, %dma_start3A_49] : memref<2x10240x128xf32, #tpu.memory_space<hbm>> -> memref<1x128x128xf32, #tpu.memory_space<hbm>>
      %dma_start3A_51 = tpu.memref_squeeze %dma_start3A_50 : memref<1x128x128xf32, #tpu.memory_space<hbm>> -> memref<128x128xf32, #tpu.memory_space<hbm>>
      tpu.enqueue_dma source(%arg9 : memref<128x128xf32, #tpu.memory_space<vmem>>) target(%dma_start3A_51 : memref<128x128xf32, #tpu.memory_space<hbm>>) target_semaphore(%run_scoped3A : memref<!tpu.dma_semaphore, #tpu.memory_space<semaphore_mem>>)
      %dma_wait3A = arith.constant 0 : i32
      %dma_wait3A_52 = tpu.memref_slice %arg6[%arg0, %add3A_38, %dma_wait3A] : memref<2x10240x128xf32, #tpu.memory_space<hbm>> -> memref<1x128x128xf32, #tpu.memory_space<hbm>>
      %dma_wait3A_53 = tpu.memref_squeeze %dma_wait3A_52 : memref<1x128x128xf32, #tpu.memory_space<hbm>> -> memref<128x128xf32, #tpu.memory_space<hbm>>
      %dma_wait3A_54 = arith.constant 0 : i32
      %dma_wait3A_55 = tpu.memref_slice %arg6[%arg0, %add3A_38, %dma_wait3A_54] : memref<2x10240x128xf32, #tpu.memory_space<hbm>> -> memref<1x128x128xf32, #tpu.memory_space<hbm>>
      %dma_wait3A_56 = tpu.memref_squeeze %dma_wait3A_55 : memref<1x128x128xf32, #tpu.memory_space<hbm>> -> memref<128x128xf32, #tpu.memory_space<hbm>>
      tpu.wait_dma2 semaphore(%run_scoped3A : memref<!tpu.dma_semaphore, #tpu.memory_space<semaphore_mem>>) src(%arg9 : memref<128x128xf32, #tpu.memory_space<vmem>>) dst(%dma_wait3A_56 : memref<128x128xf32, #tpu.memory_space<hbm>>)
      tpu.yield
    }) : () -> ()
    %mul3A_39 = arith.constant 640 : i32
    %mul3A_40 = arith.muli %arg1, %mul3A_39 : i32
    %add3A_41 = arith.constant 384 : i32
    %add3A_42 = arith.addi %mul3A_40, %add3A_41 : i32
    "tpu.region"() ({
      %run_scoped3A = tpu.sem_alloc : memref<!tpu.dma_semaphore, #tpu.memory_space<semaphore_mem>>
      %dma_start3A = arith.constant 0 : i32
      %dma_start3A_47 = tpu.memref_slice %arg10[%add3A_42, %dma_start3A] : memref<10240x128xf32, #tpu.memory_space<vmem_shared>> -> memref<128x128xf32, #tpu.memory_space<vmem_shared>>
      %dma_start3A_48 = arith.constant 0 : i32
      %dma_start3A_49 = tpu.memref_slice %arg10[%add3A_42, %dma_start3A_48] : memref<10240x128xf32, #tpu.memory_space<vmem_shared>> -> memref<128x128xf32, #tpu.memory_space<vmem_shared>>
      tpu.enqueue_dma source(%dma_start3A_49 : memref<128x128xf32, #tpu.memory_space<vmem_shared>>) target(%arg9 : memref<128x128xf32, #tpu.memory_space<vmem>>) target_semaphore(%run_scoped3A : memref<!tpu.dma_semaphore, #tpu.memory_space<semaphore_mem>>)
      %dma_wait3A = arith.constant 0 : i32
      %dma_wait3A_50 = tpu.memref_slice %arg10[%add3A_42, %dma_wait3A] : memref<10240x128xf32, #tpu.memory_space<vmem_shared>> -> memref<128x128xf32, #tpu.memory_space<vmem_shared>>
      %dma_wait3A_51 = arith.constant 0 : i32
      %dma_wait3A_52 = tpu.memref_slice %arg10[%add3A_42, %dma_wait3A_51] : memref<10240x128xf32, #tpu.memory_space<vmem_shared>> -> memref<128x128xf32, #tpu.memory_space<vmem_shared>>
      tpu.wait_dma2 semaphore(%run_scoped3A : memref<!tpu.dma_semaphore, #tpu.memory_space<semaphore_mem>>) src(%dma_wait3A_52 : memref<128x128xf32, #tpu.memory_space<vmem_shared>>) dst(%arg9 : memref<128x128xf32, #tpu.memory_space<vmem>>)
      tpu.yield
    }) : () -> ()
    "tpu.region"() ({
      %run_scoped3A = tpu.sem_alloc : memref<!tpu.dma_semaphore, #tpu.memory_space<semaphore_mem>>
      %dma_start3A = arith.constant 0 : i32
      %dma_start3A_47 = tpu.memref_slice %arg6[%arg0, %add3A_42, %dma_start3A] : memref<2x10240x128xf32, #tpu.memory_space<hbm>> -> memref<1x128x128xf32, #tpu.memory_space<hbm>>
      %dma_start3A_48 = tpu.memref_squeeze %dma_start3A_47 : memref<1x128x128xf32, #tpu.memory_space<hbm>> -> memref<128x128xf32, #tpu.memory_space<hbm>>
      %dma_start3A_49 = arith.constant 0 : i32
      %dma_start3A_50 = tpu.memref_slice %arg6[%arg0, %add3A_42, %dma_start3A_49] : memref<2x10240x128xf32, #tpu.memory_space<hbm>> -> memref<1x128x128xf32, #tpu.memory_space<hbm>>
      %dma_start3A_51 = tpu.memref_squeeze %dma_start3A_50 : memref<1x128x128xf32, #tpu.memory_space<hbm>> -> memref<128x128xf32, #tpu.memory_space<hbm>>
      tpu.enqueue_dma source(%arg9 : memref<128x128xf32, #tpu.memory_space<vmem>>) target(%dma_start3A_51 : memref<128x128xf32, #tpu.memory_space<hbm>>) target_semaphore(%run_scoped3A : memref<!tpu.dma_semaphore, #tpu.memory_space<semaphore_mem>>)
      %dma_wait3A = arith.constant 0 : i32
      %dma_wait3A_52 = tpu.memref_slice %arg6[%arg0, %add3A_42, %dma_wait3A] : memref<2x10240x128xf32, #tpu.memory_space<hbm>> -> memref<1x128x128xf32, #tpu.memory_space<hbm>>
      %dma_wait3A_53 = tpu.memref_squeeze %dma_wait3A_52 : memref<1x128x128xf32, #tpu.memory_space<hbm>> -> memref<128x128xf32, #tpu.memory_space<hbm>>
      %dma_wait3A_54 = arith.constant 0 : i32
      %dma_wait3A_55 = tpu.memref_slice %arg6[%arg0, %add3A_42, %dma_wait3A_54] : memref<2x10240x128xf32, #tpu.memory_space<hbm>> -> memref<1x128x128xf32, #tpu.memory_space<hbm>>
      %dma_wait3A_56 = tpu.memref_squeeze %dma_wait3A_55 : memref<1x128x128xf32, #tpu.memory_space<hbm>> -> memref<128x128xf32, #tpu.memory_space<hbm>>
      tpu.wait_dma2 semaphore(%run_scoped3A : memref<!tpu.dma_semaphore, #tpu.memory_space<semaphore_mem>>) src(%arg9 : memref<128x128xf32, #tpu.memory_space<vmem>>) dst(%dma_wait3A_56 : memref<128x128xf32, #tpu.memory_space<hbm>>)
      tpu.yield
    }) : () -> ()
    %mul3A_43 = arith.constant 640 : i32
    %mul3A_44 = arith.muli %arg1, %mul3A_43 : i32
    %add3A_45 = arith.constant 512 : i32
    %add3A_46 = arith.addi %mul3A_44, %add3A_45 : i32
    "tpu.region"() ({
      %run_scoped3A = tpu.sem_alloc : memref<!tpu.dma_semaphore, #tpu.memory_space<semaphore_mem>>
      %dma_start3A = arith.constant 0 : i32
      %dma_start3A_47 = tpu.memref_slice %arg10[%add3A_46, %dma_start3A] : memref<10240x128xf32, #tpu.memory_space<vmem_shared>> -> memref<128x128xf32, #tpu.memory_space<vmem_shared>>
      %dma_start3A_48 = arith.constant 0 : i32
      %dma_start3A_49 = tpu.memref_slice %arg10[%add3A_46, %dma_start3A_48] : memref<10240x128xf32, #tpu.memory_space<vmem_shared>> -> memref<128x128xf32, #tpu.memory_space<vmem_shared>>
      tpu.enqueue_dma source(%dma_start3A_49 : memref<128x128xf32, #tpu.memory_space<vmem_shared>>) target(%arg9 : memref<128x128xf32, #tpu.memory_space<vmem>>) target_semaphore(%run_scoped3A : memref<!tpu.dma_semaphore, #tpu.memory_space<semaphore_mem>>)
      %dma_wait3A = arith.constant 0 : i32
      %dma_wait3A_50 = tpu.memref_slice %arg10[%add3A_46, %dma_wait3A] : memref<10240x128xf32, #tpu.memory_space<vmem_shared>> -> memref<128x128xf32, #tpu.memory_space<vmem_shared>>
      %dma_wait3A_51 = arith.constant 0 : i32
      %dma_wait3A_52 = tpu.memref_slice %arg10[%add3A_46, %dma_wait3A_51] : memref<10240x128xf32, #tpu.memory_space<vmem_shared>> -> memref<128x128xf32, #tpu.memory_space<vmem_shared>>
      tpu.wait_dma2 semaphore(%run_scoped3A : memref<!tpu.dma_semaphore, #tpu.memory_space<semaphore_mem>>) src(%dma_wait3A_52 : memref<128x128xf32, #tpu.memory_space<vmem_shared>>) dst(%arg9 : memref<128x128xf32, #tpu.memory_space<vmem>>)
      tpu.yield
    }) : () -> ()
    "tpu.region"() ({
      %run_scoped3A = tpu.sem_alloc : memref<!tpu.dma_semaphore, #tpu.memory_space<semaphore_mem>>
      %dma_start3A = arith.constant 0 : i32
      %dma_start3A_47 = tpu.memref_slice %arg6[%arg0, %add3A_46, %dma_start3A] : memref<2x10240x128xf32, #tpu.memory_space<hbm>> -> memref<1x128x128xf32, #tpu.memory_space<hbm>>
      %dma_start3A_48 = tpu.memref_squeeze %dma_start3A_47 : memref<1x128x128xf32, #tpu.memory_space<hbm>> -> memref<128x128xf32, #tpu.memory_space<hbm>>
      %dma_start3A_49 = arith.constant 0 : i32
      %dma_start3A_50 = tpu.memref_slice %arg6[%arg0, %add3A_46, %dma_start3A_49] : memref<2x10240x128xf32, #tpu.memory_space<hbm>> -> memref<1x128x128xf32, #tpu.memory_space<hbm>>
      %dma_start3A_51 = tpu.memref_squeeze %dma_start3A_50 : memref<1x128x128xf32, #tpu.memory_space<hbm>> -> memref<128x128xf32, #tpu.memory_space<hbm>>
      tpu.enqueue_dma source(%arg9 : memref<128x128xf32, #tpu.memory_space<vmem>>) target(%dma_start3A_51 : memref<128x128xf32, #tpu.memory_space<hbm>>) target_semaphore(%run_scoped3A : memref<!tpu.dma_semaphore, #tpu.memory_space<semaphore_mem>>)
      %dma_wait3A = arith.constant 0 : i32
      %dma_wait3A_52 = tpu.memref_slice %arg6[%arg0, %add3A_46, %dma_wait3A] : memref<2x10240x128xf32, #tpu.memory_space<hbm>> -> memref<1x128x128xf32, #tpu.memory_space<hbm>>
      %dma_wait3A_53 = tpu.memref_squeeze %dma_wait3A_52 : memref<1x128x128xf32, #tpu.memory_space<hbm>> -> memref<128x128xf32, #tpu.memory_space<hbm>>
      %dma_wait3A_54 = arith.constant 0 : i32
      %dma_wait3A_55 = tpu.memref_slice %arg6[%arg0, %add3A_46, %dma_wait3A_54] : memref<2x10240x128xf32, #tpu.memory_space<hbm>> -> memref<1x128x128xf32, #tpu.memory_space<hbm>>
      %dma_wait3A_56 = tpu.memref_squeeze %dma_wait3A_55 : memref<1x128x128xf32, #tpu.memory_space<hbm>> -> memref<128x128xf32, #tpu.memory_space<hbm>>
      tpu.wait_dma2 semaphore(%run_scoped3A : memref<!tpu.dma_semaphore, #tpu.memory_space<semaphore_mem>>) src(%arg9 : memref<128x128xf32, #tpu.memory_space<vmem>>) dst(%dma_wait3A_56 : memref<128x128xf32, #tpu.memory_space<hbm>>)
      tpu.yield
    }) : () -> ()
    return
  }
}

module attributes {stable_mosaic.version = 14 : i64} {
  func.func @_tc0_body(%arg0: memref<10000x128xf32, #tpu.memory_space<vmem>>, %arg1: memref<1x10000xi32, #tpu.memory_space<vmem>>, %arg2: memref<10000x1xf32, #tpu.memory_space<vmem>>, %arg3: memref<10000x1xf32, #tpu.memory_space<vmem>>, %arg4: memref<128x64xf32, #tpu.memory_space<vmem>>, %arg5: memref<10000x1xf32, #tpu.memory_space<vmem>>, %arg6: memref<10240x128xf32, #tpu.memory_space<vmem>>, %arg7: memref<16x128xf32, #tpu.memory_space<vmem>>) attributes {dimension_semantics = [], scalar_prefetch = 0 : i64, scratch_operands = 0 : i64, tpu.core_type = #tpu.core_type<tc>} {
    %get3A = arith.constant 0 : index
    %get3A_0 = arith.constant 0 : index
    %get3A_1 = vector.load %arg2[%get3A, %get3A_0] : memref<10000x1xf32, #tpu.memory_space<vmem>>, vector<10000x1xf32>
    %get3A_2 = arith.constant 0 : index
    %get3A_3 = arith.constant 0 : index
    %get3A_4 = vector.load %arg3[%get3A_2, %get3A_3] : memref<10000x1xf32, #tpu.memory_space<vmem>>, vector<10000x1xf32>
    %add3A = arith.addf %get3A_1, %get3A_4 : vector<10000x1xf32>
    %add3A_5 = arith.constant 1.000000e+00 : f32
    %add3A_6 = vector.broadcast %add3A_5 : f32 to vector<10000x1xf32>
    %add3A_7 = arith.addf %add3A, %add3A_6 : vector<10000x1xf32>
    %rsqrt3A = math.rsqrt %add3A_7 : vector<10000x1xf32>
    %swap3A = arith.constant 0 : index
    %swap3A_8 = arith.constant 0 : index
    %swap3A_9 = vector.load %arg5[%swap3A, %swap3A_8] : memref<10000x1xf32, #tpu.memory_space<vmem>>, vector<10000x1xf32>
    tpu.vector_store %arg5[%swap3A, %swap3A_8], %rsqrt3A {strides = array<i32>} : memref<10000x1xf32, #tpu.memory_space<vmem>>, vector<10000x1xf32>,
    %get3A_10 = arith.constant 0 : index
    %get3A_11 = arith.constant 0 : index
    %get3A_12 = vector.load %arg0[%get3A_10, %get3A_11] : memref<10000x128xf32, #tpu.memory_space<vmem>>, vector<10000x128xf32>
    %get3A_13 = arith.constant 0 : index
    %get3A_14 = arith.constant 0 : index
    %get3A_15 = vector.load %arg4[%get3A_13, %get3A_14] : memref<128x64xf32, #tpu.memory_space<vmem>>, vector<128x64xf32>
    %dot_general3A = arith.constant dense<0.000000e+00> : vector<10000x64xf32>
    %dot_general3A_16 = tpu.matmul %get3A_12, %get3A_15, %dot_general3A {dimension_numbers = #tpu.dot_dimension_numbers<[1], [0], [0], [1], [0, 0, 1, 1], [], []>, precision = #tpu.contract_precision<fp32>, transpose_lhs_hint = false} : vector<10000x128xf32>, vector<128x64xf32>, vector<10000x64xf32> -> vector<10000x64xf32>
    %mul3A = vector.broadcast %rsqrt3A : vector<10000x1xf32> to vector<10000x64xf32>
    %mul3A_17 = arith.mulf %dot_general3A_16, %mul3A : vector<10000x64xf32>
    %jit3A = arith.constant 0 : i32
    %convert_element_type3A = arith.sitofp %jit3A : i32 to f32
    %pad3A = vector.broadcast %convert_element_type3A : f32 to vector<240x64xf32>
    %pad3A_18 = tpu.concatenate %mul3A_17, %pad3A in 0 : vector<10000x64xf32>, vector<240x64xf32> -> vector<10240x64xf32>
    %pad3A_19 = vector.broadcast %convert_element_type3A : f32 to vector<10240x64xf32>
    %pad3A_20 = tpu.concatenate %pad3A_18, %pad3A_19 in 1 : vector<10240x64xf32>, vector<10240x64xf32> -> vector<10240x128xf32>
    %swap3A_21 = arith.constant 0 : index
    %swap3A_22 = arith.constant 0 : index
    %swap3A_23 = vector.load %arg6[%swap3A_21, %swap3A_22] : memref<10240x128xf32, #tpu.memory_space<vmem>>, vector<10240x128xf32>
    tpu.vector_store %arg6[%swap3A_21, %swap3A_22], %pad3A_20 {strides = array<i32>} : memref<10240x128xf32, #tpu.memory_space<vmem>>, vector<10240x128xf32>,
    %get3A_24 = arith.constant 0 : index
    %get3A_25 = arith.constant 0 : index
    %get3A_26 = vector.load %arg1[%get3A_24, %get3A_25] : memref<1x10000xi32, #tpu.memory_space<vmem>>, vector<1x10000xi32>
    %iota3A = tpu.iota {dimensions = array<i32: 0>} : vector<16x10000xi32>
    %eq3A = vector.broadcast %get3A_26 : vector<1x10000xi32> to vector<16x10000xi32>
    %eq3A_27 = arith.cmpi eq, %eq3A, %iota3A : vector<16x10000xi32>
    %convert_element_type3A_28 = arith.extui %eq3A_27 : vector<16x10000xi1> to vector<16x10000xi32>
    %convert_element_type3A_29 = arith.sitofp %convert_element_type3A_28 : vector<16x10000xi32> to vector<16x10000xf32>
    %reduce_sum3A = arith.constant dense<0.000000e+00> : vector<16xf32>
    %reduce_sum3A_30 = vector.multi_reduction <add>, %convert_element_type3A_29, %reduce_sum3A [1] : vector<16x10000xf32> to vector<16xf32>
    %broadcast_in_dim3A = vector.shape_cast %reduce_sum3A_30 : vector<16xf32> to vector<16x1xf32>
    %max3A = arith.constant 1.000000e+00 : f32
    %max3A_31 = vector.broadcast %max3A : f32 to vector<16x1xf32>
    %max3A_32 = arith.maximumf %broadcast_in_dim3A, %max3A_31 : vector<16x1xf32>
    %get3A_33 = arith.constant 0 : index
    %get3A_34 = arith.constant 0 : index
    %get3A_35 = vector.load %arg0[%get3A_33, %get3A_34] : memref<10000x128xf32, #tpu.memory_space<vmem>>, vector<10000x128xf32>
    %dot_general3A_36 = arith.constant dense<0.000000e+00> : vector<16x128xf32>
    %dot_general3A_37 = tpu.matmul %convert_element_type3A_29, %get3A_35, %dot_general3A_36 {dimension_numbers = #tpu.dot_dimension_numbers<[1], [0], [0], [1], [0, 0, 1, 1], [], []>, precision = #tpu.contract_precision<fp32>, transpose_lhs_hint = false} : vector<16x10000xf32>, vector<10000x128xf32>, vector<16x128xf32> -> vector<16x128xf32>
    %div3A = vector.broadcast %max3A_32 : vector<16x1xf32> to vector<16x128xf32>
    %div3A_38 = arith.divf %dot_general3A_37, %div3A : vector<16x128xf32>
    %swap3A_39 = arith.constant 0 : index
    %swap3A_40 = arith.constant 0 : index
    %swap3A_41 = vector.load %arg7[%swap3A_39, %swap3A_40] : memref<16x128xf32, #tpu.memory_space<vmem>>, vector<16x128xf32>
    tpu.vector_store %arg7[%swap3A_39, %swap3A_40], %div3A_38 {strides = array<i32>} : memref<16x128xf32, #tpu.memory_space<vmem>>, vector<16x128xf32>,
    return
  }
}

module attributes {stable_mosaic.version = 14 : i64} {
  func.func @_tc_layer_body(%arg0: memref<10000x64xf32, #tpu.memory_space<vmem>>, %arg1: memref<10000x64xf32, #tpu.memory_space<vmem>>, %arg2: memref<10000x64xf32, #tpu.memory_space<vmem>>, %arg3: memref<10000x1xf32, #tpu.memory_space<vmem>>, %arg4: memref<1x64xf32, #tpu.memory_space<vmem>>, %arg5: memref<64x64xf32, #tpu.memory_space<vmem>>, %arg6: memref<1x10000xi32, #tpu.memory_space<vmem>>, %arg7: memref<10240x128xf32, #tpu.memory_space<vmem>>, %arg8: memref<16x64xf32, #tpu.memory_space<vmem>>) attributes {dimension_semantics = [], scalar_prefetch = 0 : i64, scratch_operands = 0 : i64, tpu.core_type = #tpu.core_type<tc>} {
    %get3A = arith.constant 0 : index
    %get3A_0 = arith.constant 0 : index
    %get3A_1 = vector.load %arg3[%get3A, %get3A_0] : memref<10000x1xf32, #tpu.memory_space<vmem>>, vector<10000x1xf32>
    %get3A_2 = arith.constant 0 : index
    %get3A_3 = arith.constant 0 : index
    %get3A_4 = vector.load %arg0[%get3A_2, %get3A_3] : memref<10000x64xf32, #tpu.memory_space<vmem>>, vector<10000x64xf32>
    %get3A_5 = arith.constant 0 : index
    %get3A_6 = arith.constant 0 : index
    %get3A_7 = vector.load %arg1[%get3A_5, %get3A_6] : memref<10000x64xf32, #tpu.memory_space<vmem>>, vector<10000x64xf32>
    %add3A = arith.addf %get3A_4, %get3A_7 : vector<10000x64xf32>
    %get3A_8 = arith.constant 0 : index
    %get3A_9 = arith.constant 0 : index
    %get3A_10 = vector.load %arg2[%get3A_8, %get3A_9] : memref<10000x64xf32, #tpu.memory_space<vmem>>, vector<10000x64xf32>
    %add3A_11 = arith.addf %add3A, %get3A_10 : vector<10000x64xf32>
    %mul3A = vector.broadcast %get3A_1 : vector<10000x1xf32> to vector<10000x64xf32>
    %mul3A_12 = arith.mulf %mul3A, %add3A_11 : vector<10000x64xf32>
    %get3A_13 = arith.constant 0 : index
    %get3A_14 = arith.constant 0 : index
    %get3A_15 = vector.load %arg4[%get3A_13, %get3A_14] : memref<1x64xf32, #tpu.memory_space<vmem>>, vector<1x64xf32>
    %add3A_16 = vector.broadcast %get3A_15 : vector<1x64xf32> to vector<10000x64xf32>
    %add3A_17 = arith.addf %mul3A_12, %add3A_16 : vector<10000x64xf32>
    %tanh3A = math.tanh %add3A_17 : vector<10000x64xf32>
    %get3A_18 = arith.constant 0 : index
    %get3A_19 = arith.constant 0 : index
    %get3A_20 = vector.load %arg6[%get3A_18, %get3A_19] : memref<1x10000xi32, #tpu.memory_space<vmem>>, vector<1x10000xi32>
    %iota3A = tpu.iota {dimensions = array<i32: 0>} : vector<16x10000xi32>
    %eq3A = vector.broadcast %get3A_20 : vector<1x10000xi32> to vector<16x10000xi32>
    %eq3A_21 = arith.cmpi eq, %eq3A, %iota3A : vector<16x10000xi32>
    %convert_element_type3A = arith.extui %eq3A_21 : vector<16x10000xi1> to vector<16x10000xi32>
    %convert_element_type3A_22 = arith.sitofp %convert_element_type3A : vector<16x10000xi32> to vector<16x10000xf32>
    %reduce_sum3A = arith.constant dense<0.000000e+00> : vector<16xf32>
    %reduce_sum3A_23 = vector.multi_reduction <add>, %convert_element_type3A_22, %reduce_sum3A [1] : vector<16x10000xf32> to vector<16xf32>
    %broadcast_in_dim3A = vector.shape_cast %reduce_sum3A_23 : vector<16xf32> to vector<16x1xf32>
    %max3A = arith.constant 1.000000e+00 : f32
    %max3A_24 = vector.broadcast %max3A : f32 to vector<16x1xf32>
    %max3A_25 = arith.maximumf %broadcast_in_dim3A, %max3A_24 : vector<16x1xf32>
    %dot_general3A = arith.constant dense<0.000000e+00> : vector<16x64xf32>
    %dot_general3A_26 = tpu.matmul %convert_element_type3A_22, %tanh3A, %dot_general3A {dimension_numbers = #tpu.dot_dimension_numbers<[1], [0], [0], [1], [0, 0, 1, 1], [], []>, precision = #tpu.contract_precision<fp32>, transpose_lhs_hint = false} : vector<16x10000xf32>, vector<10000x64xf32>, vector<16x64xf32> -> vector<16x64xf32>
    %div3A = vector.broadcast %max3A_25 : vector<16x1xf32> to vector<16x64xf32>
    %div3A_27 = arith.divf %dot_general3A_26, %div3A : vector<16x64xf32>
    %swap3A = arith.constant 0 : index
    %swap3A_28 = arith.constant 0 : index
    %swap3A_29 = vector.load %arg8[%swap3A, %swap3A_28] : memref<16x64xf32, #tpu.memory_space<vmem>>, vector<16x64xf32>
    tpu.vector_store %arg8[%swap3A, %swap3A_28], %div3A_27 {strides = array<i32>} : memref<16x64xf32, #tpu.memory_space<vmem>>, vector<16x64xf32>,
    %get3A_30 = arith.constant 0 : index
    %get3A_31 = arith.constant 0 : index
    %get3A_32 = vector.load %arg5[%get3A_30, %get3A_31] : memref<64x64xf32, #tpu.memory_space<vmem>>, vector<64x64xf32>
    %dot_general3A_33 = arith.constant dense<0.000000e+00> : vector<10000x64xf32>
    %dot_general3A_34 = tpu.matmul %tanh3A, %get3A_32, %dot_general3A_33 {dimension_numbers = #tpu.dot_dimension_numbers<[1], [0], [0], [1], [0, 0, 1, 1], [], []>, precision = #tpu.contract_precision<fp32>, transpose_lhs_hint = false} : vector<10000x64xf32>, vector<64x64xf32>, vector<10000x64xf32> -> vector<10000x64xf32>
    %get3A_35 = arith.constant 0 : index
    %get3A_36 = arith.constant 0 : index
    %get3A_37 = vector.load %arg3[%get3A_35, %get3A_36] : memref<10000x1xf32, #tpu.memory_space<vmem>>, vector<10000x1xf32>
    %mul3A_38 = vector.broadcast %get3A_37 : vector<10000x1xf32> to vector<10000x64xf32>
    %mul3A_39 = arith.mulf %dot_general3A_34, %mul3A_38 : vector<10000x64xf32>
    %jit3A = arith.constant 0 : i32
    %convert_element_type3A_40 = arith.sitofp %jit3A : i32 to f32
    %pad3A = vector.broadcast %convert_element_type3A_40 : f32 to vector<240x64xf32>
    %pad3A_41 = tpu.concatenate %mul3A_39, %pad3A in 0 : vector<10000x64xf32>, vector<240x64xf32> -> vector<10240x64xf32>
    %pad3A_42 = vector.broadcast %convert_element_type3A_40 : f32 to vector<10240x64xf32>
    %pad3A_43 = tpu.concatenate %pad3A_41, %pad3A_42 in 1 : vector<10240x64xf32>, vector<10240x64xf32> -> vector<10240x128xf32>
    %swap3A_44 = arith.constant 0 : index
    %swap3A_45 = arith.constant 0 : index
    %swap3A_46 = vector.load %arg7[%swap3A_44, %swap3A_45] : memref<10240x128xf32, #tpu.memory_space<vmem>>, vector<10240x128xf32>
    tpu.vector_store %arg7[%swap3A_44, %swap3A_45], %pad3A_43 {strides = array<i32>} : memref<10240x128xf32, #tpu.memory_space<vmem>>, vector<10240x128xf32>,
    return
  }
}

module attributes {stable_mosaic.version = 14 : i64} {
  func.func @_tc_final_body(%arg0: memref<10000x64xf32, #tpu.memory_space<vmem>>, %arg1: memref<10000x64xf32, #tpu.memory_space<vmem>>, %arg2: memref<10000x64xf32, #tpu.memory_space<vmem>>, %arg3: memref<10000x1xf32, #tpu.memory_space<vmem>>, %arg4: memref<1x64xf32, #tpu.memory_space<vmem>>, %arg5: memref<1x10000xi32, #tpu.memory_space<vmem>>, %arg6: memref<16x128xf32, #tpu.memory_space<vmem>>, %arg7: memref<16x64xf32, #tpu.memory_space<vmem>>, %arg8: memref<16x64xf32, #tpu.memory_space<vmem>>, %arg9: memref<320x128xf32, #tpu.memory_space<vmem>>, %arg10: memref<1x128xf32, #tpu.memory_space<vmem>>, %arg11: memref<128x64xf32, #tpu.memory_space<vmem>>, %arg12: memref<1x64xf32, #tpu.memory_space<vmem>>, %arg13: memref<64x64xf32, #tpu.memory_space<vmem>>, %arg14: memref<1x64xf32, #tpu.memory_space<vmem>>, %arg15: memref<64x2xf32, #tpu.memory_space<vmem>>, %arg16: memref<1x2xf32, #tpu.memory_space<vmem>>, %arg17: memref<1x128xf32, #tpu.memory_space<vmem>>, %arg18: memref<1x128xf32, #tpu.memory_space<vmem>>, %arg19: memref<1x64xf32, #tpu.memory_space<vmem>>, %arg20: memref<1x64xf32, #tpu.memory_space<vmem>>, %arg21: memref<1x64xf32, #tpu.memory_space<vmem>>, %arg22: memref<1x64xf32, #tpu.memory_space<vmem>>, %arg23: memref<16x2xf32, #tpu.memory_space<vmem>>) attributes {dimension_semantics = [], scalar_prefetch = 0 : i64, scratch_operands = 0 : i64, tpu.core_type = #tpu.core_type<tc>} {
    %get3A = arith.constant 0 : index
    %get3A_0 = arith.constant 0 : index
    %get3A_1 = vector.load %arg3[%get3A, %get3A_0] : memref<10000x1xf32, #tpu.memory_space<vmem>>, vector<10000x1xf32>
    %get3A_2 = arith.constant 0 : index
    %get3A_3 = arith.constant 0 : index
    %get3A_4 = vector.load %arg0[%get3A_2, %get3A_3] : memref<10000x64xf32, #tpu.memory_space<vmem>>, vector<10000x64xf32>
    %get3A_5 = arith.constant 0 : index
    %get3A_6 = arith.constant 0 : index
    %get3A_7 = vector.load %arg1[%get3A_5, %get3A_6] : memref<10000x64xf32, #tpu.memory_space<vmem>>, vector<10000x64xf32>
    %add3A = arith.addf %get3A_4, %get3A_7 : vector<10000x64xf32>
    %get3A_8 = arith.constant 0 : index
    %get3A_9 = arith.constant 0 : index
    %get3A_10 = vector.load %arg2[%get3A_8, %get3A_9] : memref<10000x64xf32, #tpu.memory_space<vmem>>, vector<10000x64xf32>
    %add3A_11 = arith.addf %add3A, %get3A_10 : vector<10000x64xf32>
    %mul3A = vector.broadcast %get3A_1 : vector<10000x1xf32> to vector<10000x64xf32>
    %mul3A_12 = arith.mulf %mul3A, %add3A_11 : vector<10000x64xf32>
    %get3A_13 = arith.constant 0 : index
    %get3A_14 = arith.constant 0 : index
    %get3A_15 = vector.load %arg4[%get3A_13, %get3A_14] : memref<1x64xf32, #tpu.memory_space<vmem>>, vector<1x64xf32>
    %add3A_16 = vector.broadcast %get3A_15 : vector<1x64xf32> to vector<10000x64xf32>
    %add3A_17 = arith.addf %mul3A_12, %add3A_16 : vector<10000x64xf32>
    %tanh3A = math.tanh %add3A_17 : vector<10000x64xf32>
    %get3A_18 = arith.constant 0 : index
    %get3A_19 = arith.constant 0 : index
    %get3A_20 = vector.load %arg5[%get3A_18, %get3A_19] : memref<1x10000xi32, #tpu.memory_space<vmem>>, vector<1x10000xi32>
    %iota3A = tpu.iota {dimensions = array<i32: 0>} : vector<16x10000xi32>
    %eq3A = vector.broadcast %get3A_20 : vector<1x10000xi32> to vector<16x10000xi32>
    %eq3A_21 = arith.cmpi eq, %eq3A, %iota3A : vector<16x10000xi32>
    %convert_element_type3A = arith.extui %eq3A_21 : vector<16x10000xi1> to vector<16x10000xi32>
    %convert_element_type3A_22 = arith.sitofp %convert_element_type3A : vector<16x10000xi32> to vector<16x10000xf32>
    %reduce_sum3A = arith.constant dense<0.000000e+00> : vector<16xf32>
    %reduce_sum3A_23 = vector.multi_reduction <add>, %convert_element_type3A_22, %reduce_sum3A [1] : vector<16x10000xf32> to vector<16xf32>
    %broadcast_in_dim3A = vector.shape_cast %reduce_sum3A_23 : vector<16xf32> to vector<16x1xf32>
    %max3A = arith.constant 1.000000e+00 : f32
    %max3A_24 = vector.broadcast %max3A : f32 to vector<16x1xf32>
    %max3A_25 = arith.maximumf %broadcast_in_dim3A, %max3A_24 : vector<16x1xf32>
    %dot_general3A = arith.constant dense<0.000000e+00> : vector<16x64xf32>
    %dot_general3A_26 = tpu.matmul %convert_element_type3A_22, %tanh3A, %dot_general3A {dimension_numbers = #tpu.dot_dimension_numbers<[1], [0], [0], [1], [0, 0, 1, 1], [], []>, precision = #tpu.contract_precision<fp32>, transpose_lhs_hint = false} : vector<16x10000xf32>, vector<10000x64xf32>, vector<16x64xf32> -> vector<16x64xf32>
    %div3A = vector.broadcast %max3A_25 : vector<16x1xf32> to vector<16x64xf32>
    %div3A_27 = arith.divf %dot_general3A_26, %div3A : vector<16x64xf32>
    %get3A_28 = arith.constant 0 : index
    %get3A_29 = arith.constant 0 : index
    %get3A_30 = vector.load %arg6[%get3A_28, %get3A_29] : memref<16x128xf32, #tpu.memory_space<vmem>>, vector<16x128xf32>
    %get3A_31 = arith.constant 0 : index
    %get3A_32 = arith.constant 0 : index
    %get3A_33 = vector.load %arg7[%get3A_31, %get3A_32] : memref<16x64xf32, #tpu.memory_space<vmem>>, vector<16x64xf32>
    %get3A_34 = arith.constant 0 : index
    %get3A_35 = arith.constant 0 : index
    %get3A_36 = vector.load %arg8[%get3A_34, %get3A_35] : memref<16x64xf32, #tpu.memory_space<vmem>>, vector<16x64xf32>
    %concatenate3A = tpu.concatenate %get3A_30, %get3A_33, %get3A_36, %div3A_27 in 1 : vector<16x128xf32>, vector<16x64xf32>, vector<16x64xf32>, vector<16x64xf32> -> vector<16x320xf32>
    %get3A_37 = arith.constant 0 : index
    %get3A_38 = arith.constant 0 : index
    %get3A_39 = vector.load %arg9[%get3A_37, %get3A_38] : memref<320x128xf32, #tpu.memory_space<vmem>>, vector<320x128xf32>
    %dot_general3A_40 = arith.constant dense<0.000000e+00> : vector<16x128xf32>
    %dot_general3A_41 = tpu.matmul %concatenate3A, %get3A_39, %dot_general3A_40 {dimension_numbers = #tpu.dot_dimension_numbers<[1], [0], [0], [1], [0, 0, 1, 1], [], []>, precision = #tpu.contract_precision<fp32>, transpose_lhs_hint = false} : vector<16x320xf32>, vector<320x128xf32>, vector<16x128xf32> -> vector<16x128xf32>
    %get3A_42 = arith.constant 0 : index
    %get3A_43 = arith.constant 0 : index
    %get3A_44 = vector.load %arg10[%get3A_42, %get3A_43] : memref<1x128xf32, #tpu.memory_space<vmem>>, vector<1x128xf32>
    %add3A_45 = vector.broadcast %get3A_44 : vector<1x128xf32> to vector<16x128xf32>
    %add3A_46 = arith.addf %dot_general3A_41, %add3A_45 : vector<16x128xf32>
    %get3A_47 = arith.constant 0 : index
    %get3A_48 = arith.constant 0 : index
    %get3A_49 = vector.load %arg17[%get3A_47, %get3A_48] : memref<1x128xf32, #tpu.memory_space<vmem>>, vector<1x128xf32>
    %get3A_50 = arith.constant 0 : index
    %get3A_51 = arith.constant 0 : index
    %get3A_52 = vector.load %arg18[%get3A_50, %get3A_51] : memref<1x128xf32, #tpu.memory_space<vmem>>, vector<1x128xf32>
    %reduce_sum3A_53 = arith.constant dense<0.000000e+00> : vector<128xf32>
    %reduce_sum3A_54 = vector.multi_reduction <add>, %add3A_46, %reduce_sum3A_53 [0] : vector<16x128xf32> to vector<128xf32>
    %broadcast_in_dim3A_55 = vector.shape_cast %reduce_sum3A_54 : vector<128xf32> to vector<1x128xf32>
    %div3A_56 = arith.constant 1.600000e+01 : f32
    %div3A_57 = vector.broadcast %div3A_56 : f32 to vector<1x128xf32>
    %div3A_58 = arith.divf %broadcast_in_dim3A_55, %div3A_57 : vector<1x128xf32>
    %sub3A = vector.broadcast %div3A_58 : vector<1x128xf32> to vector<16x128xf32>
    %sub3A_59 = arith.subf %add3A_46, %sub3A : vector<16x128xf32>
    %integer_pow3A = arith.mulf %sub3A_59, %sub3A_59 : vector<16x128xf32>
    %reduce_sum3A_60 = arith.constant dense<0.000000e+00> : vector<128xf32>
    %reduce_sum3A_61 = vector.multi_reduction <add>, %integer_pow3A, %reduce_sum3A_60 [0] : vector<16x128xf32> to vector<128xf32>
    %broadcast_in_dim3A_62 = vector.shape_cast %reduce_sum3A_61 : vector<128xf32> to vector<1x128xf32>
    %div3A_63 = arith.constant 1.600000e+01 : f32
    %div3A_64 = vector.broadcast %div3A_63 : f32 to vector<1x128xf32>
    %div3A_65 = arith.divf %broadcast_in_dim3A_62, %div3A_64 : vector<1x128xf32>
    %sub3A_66 = vector.broadcast %div3A_58 : vector<1x128xf32> to vector<16x128xf32>
    %sub3A_67 = arith.subf %add3A_46, %sub3A_66 : vector<16x128xf32>
    %add3A_68 = arith.constant 9.99999974E-6 : f32
    %add3A_69 = vector.broadcast %add3A_68 : f32 to vector<1x128xf32>
    %add3A_70 = arith.addf %div3A_65, %add3A_69 : vector<1x128xf32>
    %rsqrt3A = math.rsqrt %add3A_70 : vector<1x128xf32>
    %mul3A_71 = vector.broadcast %rsqrt3A : vector<1x128xf32> to vector<16x128xf32>
    %mul3A_72 = arith.mulf %sub3A_67, %mul3A_71 : vector<16x128xf32>
    %mul3A_73 = vector.broadcast %get3A_49 : vector<1x128xf32> to vector<16x128xf32>
    %mul3A_74 = arith.mulf %mul3A_72, %mul3A_73 : vector<16x128xf32>
    %add3A_75 = vector.broadcast %get3A_52 : vector<1x128xf32> to vector<16x128xf32>
    %add3A_76 = arith.addf %mul3A_74, %add3A_75 : vector<16x128xf32>
    %max3A_77 = arith.constant 0.000000e+00 : f32
    %max3A_78 = vector.broadcast %max3A_77 : f32 to vector<16x128xf32>
    %max3A_79 = arith.maximumf %add3A_76, %max3A_78 : vector<16x128xf32>
    %get3A_80 = arith.constant 0 : index
    %get3A_81 = arith.constant 0 : index
    %get3A_82 = vector.load %arg11[%get3A_80, %get3A_81] : memref<128x64xf32, #tpu.memory_space<vmem>>, vector<128x64xf32>
    %dot_general3A_83 = arith.constant dense<0.000000e+00> : vector<16x64xf32>
    %dot_general3A_84 = tpu.matmul %max3A_79, %get3A_82, %dot_general3A_83 {dimension_numbers = #tpu.dot_dimension_numbers<[1], [0], [0], [1], [0, 0, 1, 1], [], []>, precision = #tpu.contract_precision<fp32>, transpose_lhs_hint = false} : vector<16x128xf32>, vector<128x64xf32>, vector<16x64xf32> -> vector<16x64xf32>
    %get3A_85 = arith.constant 0 : index
    %get3A_86 = arith.constant 0 : index
    %get3A_87 = vector.load %arg12[%get3A_85, %get3A_86] : memref<1x64xf32, #tpu.memory_space<vmem>>, vector<1x64xf32>
    %add3A_88 = vector.broadcast %get3A_87 : vector<1x64xf32> to vector<16x64xf32>
    %add3A_89 = arith.addf %dot_general3A_84, %add3A_88 : vector<16x64xf32>
    %get3A_90 = arith.constant 0 : index
    %get3A_91 = arith.constant 0 : index
    %get3A_92 = vector.load %arg19[%get3A_90, %get3A_91] : memref<1x64xf32, #tpu.memory_space<vmem>>, vector<1x64xf32>
    %get3A_93 = arith.constant 0 : index
    %get3A_94 = arith.constant 0 : index
    %get3A_95 = vector.load %arg20[%get3A_93, %get3A_94] : memref<1x64xf32, #tpu.memory_space<vmem>>, vector<1x64xf32>
    %reduce_sum3A_96 = arith.constant dense<0.000000e+00> : vector<64xf32>
    %reduce_sum3A_97 = vector.multi_reduction <add>, %add3A_89, %reduce_sum3A_96 [0] : vector<16x64xf32> to vector<64xf32>
    %broadcast_in_dim3A_98 = vector.shape_cast %reduce_sum3A_97 : vector<64xf32> to vector<1x64xf32>
    %div3A_99 = arith.constant 1.600000e+01 : f32
    %div3A_100 = vector.broadcast %div3A_99 : f32 to vector<1x64xf32>
    %div3A_101 = arith.divf %broadcast_in_dim3A_98, %div3A_100 : vector<1x64xf32>
    %sub3A_102 = vector.broadcast %div3A_101 : vector<1x64xf32> to vector<16x64xf32>
    %sub3A_103 = arith.subf %add3A_89, %sub3A_102 : vector<16x64xf32>
    %integer_pow3A_104 = arith.mulf %sub3A_103, %sub3A_103 : vector<16x64xf32>
    %reduce_sum3A_105 = arith.constant dense<0.000000e+00> : vector<64xf32>
    %reduce_sum3A_106 = vector.multi_reduction <add>, %integer_pow3A_104, %reduce_sum3A_105 [0] : vector<16x64xf32> to vector<64xf32>
    %broadcast_in_dim3A_107 = vector.shape_cast %reduce_sum3A_106 : vector<64xf32> to vector<1x64xf32>
    %div3A_108 = arith.constant 1.600000e+01 : f32
    %div3A_109 = vector.broadcast %div3A_108 : f32 to vector<1x64xf32>
    %div3A_110 = arith.divf %broadcast_in_dim3A_107, %div3A_109 : vector<1x64xf32>
    %sub3A_111 = vector.broadcast %div3A_101 : vector<1x64xf32> to vector<16x64xf32>
    %sub3A_112 = arith.subf %add3A_89, %sub3A_111 : vector<16x64xf32>
    %add3A_113 = arith.constant 9.99999974E-6 : f32
    %add3A_114 = vector.broadcast %add3A_113 : f32 to vector<1x64xf32>
    %add3A_115 = arith.addf %div3A_110, %add3A_114 : vector<1x64xf32>
    %rsqrt3A_116 = math.rsqrt %add3A_115 : vector<1x64xf32>
    %mul3A_117 = vector.broadcast %rsqrt3A_116 : vector<1x64xf32> to vector<16x64xf32>
    %mul3A_118 = arith.mulf %sub3A_112, %mul3A_117 : vector<16x64xf32>
    %mul3A_119 = vector.broadcast %get3A_92 : vector<1x64xf32> to vector<16x64xf32>
    %mul3A_120 = arith.mulf %mul3A_118, %mul3A_119 : vector<16x64xf32>
    %add3A_121 = vector.broadcast %get3A_95 : vector<1x64xf32> to vector<16x64xf32>
    %add3A_122 = arith.addf %mul3A_120, %add3A_121 : vector<16x64xf32>
    %max3A_123 = arith.constant 0.000000e+00 : f32
    %max3A_124 = vector.broadcast %max3A_123 : f32 to vector<16x64xf32>
    %max3A_125 = arith.maximumf %add3A_122, %max3A_124 : vector<16x64xf32>
    %get3A_126 = arith.constant 0 : index
    %get3A_127 = arith.constant 0 : index
    %get3A_128 = vector.load %arg13[%get3A_126, %get3A_127] : memref<64x64xf32, #tpu.memory_space<vmem>>, vector<64x64xf32>
    %dot_general3A_129 = arith.constant dense<0.000000e+00> : vector<16x64xf32>
    %dot_general3A_130 = tpu.matmul %max3A_125, %get3A_128, %dot_general3A_129 {dimension_numbers = #tpu.dot_dimension_numbers<[1], [0], [0], [1], [0, 0, 1, 1], [], []>, precision = #tpu.contract_precision<fp32>, transpose_lhs_hint = false} : vector<16x64xf32>, vector<64x64xf32>, vector<16x64xf32> -> vector<16x64xf32>
    %get3A_131 = arith.constant 0 : index
    %get3A_132 = arith.constant 0 : index
    %get3A_133 = vector.load %arg14[%get3A_131, %get3A_132] : memref<1x64xf32, #tpu.memory_space<vmem>>, vector<1x64xf32>
    %add3A_134 = vector.broadcast %get3A_133 : vector<1x64xf32> to vector<16x64xf32>
    %add3A_135 = arith.addf %dot_general3A_130, %add3A_134 : vector<16x64xf32>
    %get3A_136 = arith.constant 0 : index
    %get3A_137 = arith.constant 0 : index
    %get3A_138 = vector.load %arg21[%get3A_136, %get3A_137] : memref<1x64xf32, #tpu.memory_space<vmem>>, vector<1x64xf32>
    %get3A_139 = arith.constant 0 : index
    %get3A_140 = arith.constant 0 : index
    %get3A_141 = vector.load %arg22[%get3A_139, %get3A_140] : memref<1x64xf32, #tpu.memory_space<vmem>>, vector<1x64xf32>
    %reduce_sum3A_142 = arith.constant dense<0.000000e+00> : vector<64xf32>
    %reduce_sum3A_143 = vector.multi_reduction <add>, %add3A_135, %reduce_sum3A_142 [0] : vector<16x64xf32> to vector<64xf32>
    %broadcast_in_dim3A_144 = vector.shape_cast %reduce_sum3A_143 : vector<64xf32> to vector<1x64xf32>
    %div3A_145 = arith.constant 1.600000e+01 : f32
    %div3A_146 = vector.broadcast %div3A_145 : f32 to vector<1x64xf32>
    %div3A_147 = arith.divf %broadcast_in_dim3A_144, %div3A_146 : vector<1x64xf32>
    %sub3A_148 = vector.broadcast %div3A_147 : vector<1x64xf32> to vector<16x64xf32>
    %sub3A_149 = arith.subf %add3A_135, %sub3A_148 : vector<16x64xf32>
    %integer_pow3A_150 = arith.mulf %sub3A_149, %sub3A_149 : vector<16x64xf32>
    %reduce_sum3A_151 = arith.constant dense<0.000000e+00> : vector<64xf32>
    %reduce_sum3A_152 = vector.multi_reduction <add>, %integer_pow3A_150, %reduce_sum3A_151 [0] : vector<16x64xf32> to vector<64xf32>
    %broadcast_in_dim3A_153 = vector.shape_cast %reduce_sum3A_152 : vector<64xf32> to vector<1x64xf32>
    %div3A_154 = arith.constant 1.600000e+01 : f32
    %div3A_155 = vector.broadcast %div3A_154 : f32 to vector<1x64xf32>
    %div3A_156 = arith.divf %broadcast_in_dim3A_153, %div3A_155 : vector<1x64xf32>
    %sub3A_157 = vector.broadcast %div3A_147 : vector<1x64xf32> to vector<16x64xf32>
    %sub3A_158 = arith.subf %add3A_135, %sub3A_157 : vector<16x64xf32>
    %add3A_159 = arith.constant 9.99999974E-6 : f32
    %add3A_160 = vector.broadcast %add3A_159 : f32 to vector<1x64xf32>
    %add3A_161 = arith.addf %div3A_156, %add3A_160 : vector<1x64xf32>
    %rsqrt3A_162 = math.rsqrt %add3A_161 : vector<1x64xf32>
    %mul3A_163 = vector.broadcast %rsqrt3A_162 : vector<1x64xf32> to vector<16x64xf32>
    %mul3A_164 = arith.mulf %sub3A_158, %mul3A_163 : vector<16x64xf32>
    %mul3A_165 = vector.broadcast %get3A_138 : vector<1x64xf32> to vector<16x64xf32>
    %mul3A_166 = arith.mulf %mul3A_164, %mul3A_165 : vector<16x64xf32>
    %add3A_167 = vector.broadcast %get3A_141 : vector<1x64xf32> to vector<16x64xf32>
    %add3A_168 = arith.addf %mul3A_166, %add3A_167 : vector<16x64xf32>
    %max3A_169 = arith.constant 0.000000e+00 : f32
    %max3A_170 = vector.broadcast %max3A_169 : f32 to vector<16x64xf32>
    %max3A_171 = arith.maximumf %add3A_168, %max3A_170 : vector<16x64xf32>
    %get3A_172 = arith.constant 0 : index
    %get3A_173 = arith.constant 0 : index
    %get3A_174 = vector.load %arg15[%get3A_172, %get3A_173] : memref<64x2xf32, #tpu.memory_space<vmem>>, vector<64x2xf32>
    %dot_general3A_175 = arith.constant dense<0.000000e+00> : vector<16x2xf32>
    %dot_general3A_176 = tpu.matmul %max3A_171, %get3A_174, %dot_general3A_175 {dimension_numbers = #tpu.dot_dimension_numbers<[1], [0], [0], [1], [0, 0, 1, 1], [], []>, precision = #tpu.contract_precision<fp32>, transpose_lhs_hint = false} : vector<16x64xf32>, vector<64x2xf32>, vector<16x2xf32> -> vector<16x2xf32>
    %get3A_177 = arith.constant 0 : index
    %get3A_178 = arith.constant 0 : index
    %get3A_179 = vector.load %arg16[%get3A_177, %get3A_178] : memref<1x2xf32, #tpu.memory_space<vmem>>, vector<1x2xf32>
    %add3A_180 = vector.broadcast %get3A_179 : vector<1x2xf32> to vector<16x2xf32>
    %add3A_181 = arith.addf %dot_general3A_176, %add3A_180 : vector<16x2xf32>
    %reduce_max3A = arith.constant dense<0xFF800000> : vector<16xf32>
    %reduce_max3A_182 = vector.multi_reduction <maximumf>, %add3A_181, %reduce_max3A [1] : vector<16x2xf32> to vector<16xf32>
    %broadcast_in_dim3A_183 = vector.shape_cast %reduce_max3A_182 : vector<16xf32> to vector<16x1xf32>
    %sub3A_184 = vector.broadcast %broadcast_in_dim3A_183 : vector<16x1xf32> to vector<16x2xf32>
    %sub3A_185 = arith.subf %add3A_181, %sub3A_184 : vector<16x2xf32>
    %exp3A = math.exp %sub3A_185 : vector<16x2xf32>
    %reduce_sum3A_186 = arith.constant dense<0.000000e+00> : vector<16xf32>
    %reduce_sum3A_187 = vector.multi_reduction <add>, %exp3A, %reduce_sum3A_186 [1] : vector<16x2xf32> to vector<16xf32>
    %broadcast_in_dim3A_188 = vector.shape_cast %reduce_sum3A_187 : vector<16xf32> to vector<16x1xf32>
    %log3A = math.log %broadcast_in_dim3A_188 : vector<16x1xf32>
    %add3A_189 = arith.addf %broadcast_in_dim3A_183, %log3A : vector<16x1xf32>
    %sub3A_190 = vector.broadcast %add3A_189 : vector<16x1xf32> to vector<16x2xf32>
    %sub3A_191 = arith.subf %add3A_181, %sub3A_190 : vector<16x2xf32>
    %swap3A = arith.constant 0 : index
    %swap3A_192 = arith.constant 0 : index
    %swap3A_193 = vector.load %arg23[%swap3A, %swap3A_192] : memref<16x2xf32, #tpu.memory_space<vmem>>, vector<16x2xf32>
    tpu.vector_store %arg23[%swap3A, %swap3A_192], %sub3A_191 {strides = array<i32>} : memref<16x2xf32, #tpu.memory_space<vmem>>, vector<16x2xf32>,
    return
  }
}

</mosaic_0001>

<sc_bundles>
// kernel: kernel.10.cloned.1.call-start
scs
__scs_entry_jumppad:
0x0: {  	(pc) =	sbr.rel $0x88, $3  }
0x1: {  	(tag) =	ssettag $0x0;
	lr =	simm.s32 $0x1  }
0x2: {  	[smem:$0x3F8A] =	sst lr;
	_ =	strace $0xD0000000  }
0x3: {  	_ = 	snop  }
0x4: {  	_ = 	snop  }
0x5: {  	_ = 	snop  }
0x6: {  	_ = 	snop  }
0x7: {  	_ = 	snop  }
__scs_overlays_trampoline_lowered:
0x8: {  	[smem:$0x3F99] =	sst s0  }
0x9: {  	[smem:$0x3F9A] =	sst s1  }
0xa: {  	[smem:$0x3F9B] =	sst s2  }
0xb: {  	[smem:$0x3F9C] =	sst s3  }
0xc: {  	[smem:$0x3F9D] =	sst s4  }
0xd: {  	[smem:$0x3F9E] =	sst s5  }
0xe: {  	[smem:$0x3F9F] =	sst s6  }
0xf: {  	[smem:$0x3FA0] =	sst s7  }
0x10: {  	[smem:$0x3FA1] =	sst s8  }
0x11: {  	[smem:$0x3FA2] =	sst s9;
	s0 =	simm.s32 @!p0 $0x0  }
0x12: {  	s1 =	sld [smem:$0x3F88];
	s0 =	simm.s32 @p0 $0x1  }
0x13: {  	[smem:$0x3FA3] =	sst s0;
	s0 =	simm.s32 @!p1 $0x0  }
0x14: {  	s2 =	sld [smem:$0x3F87];
	s0 =	simm.s32 @p1 $0x1  }
0x15: {  	[smem:$0x3FA4] =	sst s0;
	s0 =	simm.s32 @!p2 $0x0  }
0x16: {  	s3 =	sld [smem:$0x3FDB];
	s0 =	simm.s32 @p2 $0x1  }
0x17: {  	s4 =	simm.s32 $0x1BF5;
	[smem:$0x3FA6] =	sst s0  }
0x18: {  	s0 =	sld [smem:$0x3F89];
	_ =	swait.ge [sflag:s4], $0x0  }
0x19: {  	s7 =	sld [smem:$0x3F8A]  }
0x1a: {  	s8 =	sadd.s32 $0xFFFFE003, lr  }
0x1b: {  	s9 =	sadd.s32 $0xFFFFFEF7, lr;
	s5 =	simm.s32 $0xFFFFFFFF;
	p2 =	slt.u32 s8, $0xFFFFF086  }
0x1c: {  	p1 =	slt.u32 s9, $0xF7A;
	s5 =	simm.s32 @!p2 $0x0  }
0x1d: {  	s5 =	simm.s32 @p1 $0x1;
	p0 =	seq.s32 s7, s2  }
0x1e: {  	s7 =	smul.u32 @!p0 $0xF7A, s2;
	p2 =	seq.s32 @!p0 s5, $0x0  }
0x1f: {  	s9 =	smul.u32 $0xF7A, s1;
	s8 =	simm.s32 @!p0 $0x1BF5;
	p2 =	por !p2, p0  }
0x20: {  	[sflag:s8] =	ssyncset.s32 @!p0 $0xFFFFF086;
	s6 =	sadd.s32 @!p0 s3, s7;
	s7 =	simm.s32 @!p0 $0x108  }
0x21: {  	s3 =	sadd.s32 s3, s9;
	s6 =	sadd.s32 @!p0 $0x88, s6;
	s7 =	simm.s32 @p2 $0x1082  }
0x22: {  	[simem:s7], [sflag:s8] =	dma.local @!p0 [hbm:s6], $0xF7A  }
0x23: {  	s9 =	sor.u32 $0xD0000000, s2;
	s6 =	simm.s32 $0x108;
	_ =	swait.ge @!p0 [sflag:s8], $0x0  }
0x24: {  	s3 =	sadd.s32 $0x88, s3;
	s6 =	simm.s32 @!p1 $0x1082;
	[sflag:s4] =	ssyncset.s32 $0xFFFFF086  }
0x25: {  	[simem:s6], [sflag:s4] =	dma.local [hbm:s3], $0xF7A  }
0x26: {  	[smem:$0x3F8A] =	sst s1;
	(tag) =	ssettag s2;
	_ =	strace s9  }
0x27: {  	s1 =	sld [smem:$0x3F9A]  }
0x28: {  	s2 =	sld [smem:$0x3F9B]  }
0x29: {  	s4 =	sld [smem:$0x3F9D]  }
0x2a: {  	p0 =	seq.s32 s5, $0x0;
	s5 =	sld [smem:$0x3F9E]  }
0x2b: {  	s6 =	sld [smem:$0x3F9F]  }
0x2c: {  	s7 =	sld [smem:$0x3FA0]  }
0x2d: {  	s3 =	simm.s32 $0x108;
	s8 =	sld [smem:$0x3FA1]  }
0x2e: {  	s3 =	simm.s32 @!p0 $0x1082;
	s9 =	sld [smem:$0x3FA2]  }
0x2f: {  	lr =	sadd.s32 s0, s3;
	s0 =	sld [smem:$0x3F99]  }
0x30: {  	s3 =	sld [smem:$0x3F9C]  }
0x31: {  	[smem:$0x3FA5] =	sst s10  }
0x32: {  	s10 =	sld [smem:$0x3FA3];
	_ =	sdelay $0x3  }
0x33: {  	p0 =	seq.s32 s10, $0x1;
	s10 =	sld [smem:$0x3FA5];
	_ =	sdelay $0x3  }
0x34: {  	[smem:$0x3FA5] =	sst s10  }
0x35: {  	s10 =	sld [smem:$0x3FA4];
	_ =	sdelay $0x3  }
0x36: {  	p1 =	seq.s32 s10, $0x1;
	s10 =	sld [smem:$0x3FA5];
	_ =	sdelay $0x3  }
0x37: {  	[smem:$0x3FA5] =	sst s10  }
0x38: {  	s10 =	sld [smem:$0x3FA6]  }
0x39: {  	_ = 	snop;
	(pc) =	sbr.ind lr, $3  }
0x3a: {  	_ = 	snop  }
0x3b: {  	_ = 	snop  }
0x3c: {  	p2 =	seq.s32 s10, $0x1;
	s10 =	sld [smem:$0x3FA5]  }
0x3d: {  	_ =	shalt  }
0x3e: {  	_ =	shalt  }
0x3f: {  	_ =	shalt  }
0x40: {  	_ =	shalt  }
0x41: {  	_ =	shalt  }
0x42: {  	_ =	shalt  }
0x43: {  	_ =	shalt  }
0x44: {  	_ =	shalt  }
0x45: {  	_ =	shalt  }
0x46: {  	_ =	shalt  }
0x47: {  	_ =	shalt  }
0x48: {  	_ =	shalt  }
0x49: {  	_ =	shalt  }
0x4a: {  	_ =	shalt  }
0x4b: {  	_ =	shalt  }
0x4c: {  	_ =	shalt  }
0x4d: {  	_ =	shalt  }
0x4e: {  	_ =	shalt  }
0x4f: {  	_ =	shalt  }
0x50: {  	_ =	shalt  }
0x51: {  	_ =	shalt  }
0x52: {  	_ =	shalt  }
0x53: {  	_ =	shalt  }
0x54: {  	_ =	shalt  }
0x55: {  	_ =	shalt  }
0x56: {  	_ =	shalt  }
0x57: {  	_ =	shalt  }
0x58: {  	_ =	shalt  }
0x59: {  	_ =	shalt  }
0x5a: {  	_ =	shalt  }
0x5b: {  	_ =	shalt  }
0x5c: {  	_ =	shalt  }
0x5d: {  	_ =	shalt  }
0x5e: {  	_ =	shalt  }
0x5f: {  	_ =	shalt  }
0x60: {  	_ =	shalt  }
0x61: {  	_ =	shalt  }
0x62: {  	_ =	shalt  }
0x63: {  	_ =	shalt  }
0x64: {  	_ =	shalt  }
0x65: {  	_ =	shalt  }
0x66: {  	_ =	shalt  }
0x67: {  	_ =	shalt  }
0x68: {  	_ =	shalt  }
0x69: {  	_ =	shalt  }
0x6a: {  	_ =	shalt  }
0x6b: {  	_ =	shalt  }
0x6c: {  	_ =	shalt  }
0x6d: {  	_ =	shalt  }
0x6e: {  	_ =	shalt  }
0x6f: {  	_ =	shalt  }
0x70: {  	_ =	shalt  }
0x71: {  	_ =	shalt  }
0x72: {  	_ =	shalt  }
0x73: {  	_ =	shalt  }
0x74: {  	_ =	shalt  }
0x75: {  	_ =	shalt  }
0x76: {  	_ =	shalt  }
0x77: {  	_ =	shalt  }
0x78: {  	_ =	shalt  }
0x79: {  	_ =	shalt  }
0x7a: {  	_ =	shalt  }
0x7b: {  	_ =	shalt  }
0x7c: {  	_ =	shalt  }
0x7d: {  	_ =	shalt  }
0x7e: {  	_ =	shalt  }
0x7f: {  	_ =	shalt  }
0x80: {  	_ =	shalt  }
0x81: {  	_ =	shalt  }
0x82: {  	_ =	shalt  }
0x83: {  	_ =	shalt  }
0x84: {  	_ =	shalt  }
0x85: {  	_ =	shalt  }
0x86: {  	_ =	shalt  }
0x87: {  	_ =	shalt  }
.Lfunc_end0:
.L_simem_size_0:
called_computation_lowered:
.L_overlay_start_0:
0x88: {  	s2 =	sld [smem:$0x3FD9]  }
0x89: {  	s3 =	sld [smem:$0x3FFE];
	_ =	sdelay $0x1  }
0x8a: {  	s1 =	srdreg.scid  }
0x8b: {  	s0 =	sand.u32 $0x1, s1  }
0x8c: {  	s16 =	sshll.u32 s0, $0xA;
	s2 =	sadd.s32 s3, s2  }
0x8d: {  	s2 =	sadd.s32 s2, s16  }
0x8e: {  	[smem:$0x3FB1] =	sst s2  }
0x8f: {  	_ = 	snop  }
0x90: {  	(tm) =	ssettm $0x1  }
0x91: {  	s17 =	sld [smem:$0x3FFB];
	_ =	sdelay $0x3  }
0x92: {  	_ =	strace s17  }
0x93: {  	s2 =	sld [smem:$0x3FFC];
	_ =	sdelay $0x3  }
0x94: {  	_ =	strace s2  }
0x95: {  	s2 =	sld [smem:$0x3FFD];
	_ =	sdelay $0x3  }
0x96: {  	_ =	strace s2  }
0x97: {  	_ =	strace $0x8FFFFFFF  }
0x98: {  	s18 =	sld [smem:$0x3FDB];
	_ =	sdelay $0x1  }
0x99: {  	s19 =	simm.s32 $_scs_section_size  }
0x9a: {  	s4 =	simm.s32 $_size__tile_overlayer_lowered;
	s5 =	simm.s32 $_tile_overlayer_lowered  }
0x9b: {  	s22 =	simm.s32 $0x1BFF;
	s21 =	sshll.u32 s5, $0x1;
	s2 =	sadd.s32 s19, s18  }
0x9c: {  	s6 =	simm.s32 $0x0;
	s20 =	sshll.u32 s4, $0x1;
	s4 =	sadd.s32 s21, s2  }
0x9d: {  	[timem:s6], [sflag:s22] =	dma.local [hbm:s4], s20  }
0x9e: {  	_ =	swait.ge [sflag:s22], s20  }
0x9f: {  	s3 =	ssub.s32 $0x0, s20;
	[sflag:s22] =	ssyncset.done $0x0  }
0xa0: {  	[sflag:s22] =	ssyncadd.s32 s3;
	_ =	sdelay $0x1  }
0xa1: {  	s23 =	simm.s32 $0x1B8B  }
0xa2: {  	_ =	swait.ge [sflag:s23], $0x1  }
0xa3: {  	[sflag:s23] =	ssyncset.done $0x0  }
0xa4: {  	s25 =	simm.s32 $0x1B8E;
	s24 =	sld [smem:$0x3FFE];
	[sflag:s23] =	ssyncadd.s32 $0xFFFFFFFF  }
0xa5: {  	s26 =	simm.s32 $execute0_lowered;
	[smem:$0x3FD2] =	sst s25  }
0xa6: {  	s4 =	sshll.u32 s26, $0x1;
	_ =	strace $0x80000046;
	[dreg:$0x1] =	wrdreg $0xFFFFFFFF  }
0xa7: {  	s28 =	simm.s32 $_size_execute0_lowered;
	s2 =	sadd.s32 s2, s4;
	[dreg:$0x0] =	wrdreg $0x0  }
0xa8: {  	s4 =	sshll.u32 s28, $0x1;
	[dreg:$0x2] =	wrdreg s2  }
0xa9: {  	[dreg:$0x3] =	wrdreg s4  }
0xaa: {  	[dreg:$0x4] =	wrdreg $0xC0  }
0xab: {  	_ =	task [dreg:s6], $0x5FFFF  }
0xac: {  	[dreg:$0x1] =	wrdreg $0xFFFFFFFF  }
0xad: {  	[dreg:$0x0] =	wrdreg $0x60  }
0xae: {  	[dreg:$0x2] =	wrdreg s24  }
0xaf: {  	[dreg:$0x3] =	wrdreg $0x41000  }
0xb0: {  	[dreg:$0x4] =	wrdreg $0x9  }
0xb1: {  	_ =	task.clear_ibuf [dreg:s6], $0x5FFFF;
	_ =	strace $0x90000046  }
0xb2: {  	s29 =	simm.s32 $0x9;
	_ =	strace $0x80000048  }
0xb3: {  	_ =	swait.ge [sflag:s29], $0x1  }
0xb4: {  	[sflag:s29] =	ssyncadd.s32 $0xFFFFFFFF  }
0xb5: {  	_ =	strace $0x90000048  }
0xb6: {  	_ =	sfence  }
0xb7: {  	s30 =	sld [smem:$0x0];
	_ =	sdelay $0x2  }
0xb8: {  	s31 =	sshll.u32 s1, $0xD;
	s1 =	sshrl.u32 s1, $0x2  }
0xb9: {  	s3 =	sand.u32 $0x4000, s31;
	s1 =	sadd.s32 s1, s30  }
0xba: {  	s0 =	sor.u32 s3, s0;
	s1 =	sshll.u32 s1, $0x11  }
0xbb: {  	s0 =	sor.u32 s1, s0  }
0xbc: {  	s0 =	sadd.s32 $0x8F2B, s0  }
0xbd: {  	[sflag:s0] =	ssyncadd.remote.s32 $0x1  }
0xbe: {  	_ =	sfence.sel $0xFFFF  }
0xbf: {  	[dreg:$0x0] =	wrdreg $0xFFFFFFFF;
	(pc) =	sbr.abs _section_cstart, $3  }
0xc0: {  	[dreg:$0x1] =	wrdreg $0xFFFFFFFF  }
0xc1: {  	_ =	task.clear_ibuf [dreg:s6], $0x2FFFF;
	_ =	strace $0x9FFFFFFF  }
0xc2: {  	(tm) =	ssettm $0x7FFFFFFF  }
0xc3: {  	_ =	shalt  }
tec
execute0_lowered:
.L_overlay_start_1:
0x0: {  	(tag) =	ssettag $0x1  }
0x1: {  	s6 =	rddreg [dreg:$0x0]  }
0x2: {  	s1 =	rddreg [dreg:$0x1]  }
0x3: {  	s3 =	srdreg.scid;
	s0 =	rddreg [dreg:$0x2]  }
0x4: {  	s2 =	simm.s32 $0x0;
	s21 =	simm.s32 $0x80;
	s7 =	sand.u32 $0x1, s3  }
0x5: {  	s22 =	simm.s32 $0x1;
	s3 =	stileid.u32;
	s5 =	smul.u32 $0x4F00, s7  }
0x6: {  	s23 =	simm.s32 $0x0;
	[smem:$0x7FF] =	sst s2;
	s8 =	smul.u32 $0x50000, s3  }
0x7: {  	s4 =	sadd.s32 $0x19200, s6;
	s16 =	sadd.s32 $0x41200, s6;
	s10 =	smul.u32 $0x14000, s3  }
0x8: {  	_ =	strace $0x80000047;
	s9 =	ssub.s32 $0x2, s7;
	s18 =	smul.u32 $0x140000, s7  }
0x9: {  	s30 =	smul.u32 $0x4F0, s3;
	s29 =	sshrl.u32 s9, $0x1;
	s15 =	sadd.s32 s5, s6  }
0xa: {  	s5 =	sadd.s32 $0x18A00, s6;
	s8 =	sshrl.u32 s8, $0x2;
	s17 =	ssub.s32 s9, s29  }
0xb: {  	s11 =	sadd.s32 $0x4000, s10;
	s13 =	sadd.s32 $0x8000, s10;
	s14 =	sadd.s32 $0xC000, s10  }
0xc: {  	s19 =	sadd.s32 $0x10000, s10;
	s12 =	sadd.s32 s10, s18;
	s6 =	sadd.s32 s8, s1  }
0xd: {  	s7 =	sadd.s32 s11, s1;
	s8 =	sadd.s32 s13, s1;
	s9 =	sadd.s32 s14, s1  }
0xe: {  	s11 =	sadd.s32 s18, s11;
	s10 =	sadd.s32 s19, s1;
	s12 =	sshrl.u32 s12, $0x3  }
0xf: {  	s13 =	sadd.s32 s18, s13;
	s14 =	sadd.s32 s18, s14;
	s18 =	sadd.s32 s18, s19  }
0x10: {  	s31 =	sadd.s32 s30, s15;
	s19 =	simm.s32 $0x100;
	s20 =	sshrl.u32 s11, $0x3  }
0x11: {  	s11 =	sadd.s32 s16, s12;
	s13 =	sshrl.u32 s13, $0x3;
	s14 =	sshrl.u32 s14, $0x3  }
0x12: {  	s18 =	sshrl.u32 s18, $0x3;
	s12 =	sadd.s32 s16, s20;
	s13 =	sadd.s32 s16, s13  }
0x13: {  	s14 =	sadd.s32 s16, s14;
	s15 =	sadd.s32 s16, s18;
	s16 =	smax.u32 s17, $0x1  }
0x14: {  	s17 =	sadd.s32 $0x4E00, s31;
	s18 =	sadd.s32 $0xEC00, s31;
	s20 =	simm.s32 $0x2  }
.LBB2_1:
0x15: {  	[tilespmem:s19], [sflag:$0x2] =	stream.linear.gather [hbm4b:s5+s2], $0x4000, $0x38;
	[tilespmem:$0x18100] =	vst v63  }
0x16: {  	_ =	swait.ge [sflag:s20], $0x4000  }
0x17: {  	[sflag:s20] =	ssyncset.done $0x0  }
0x18: {  	[sflag:s20] =	ssyncadd.s32 $0xFFFFC000  }
0x19: {  	[spmem:s6] =	stream.linear.scatter [tilespmem:s19], [sflag:$0x2], $0x4000, $0x38;
	[tilespmem:$0x18100] =	vst v63  }
0x1a: {  	_ =	swait.ge [sflag:s20], $0x4000  }
0x1b: {  	[sflag:s20] =	ssyncset.done $0x0  }
0x1c: {  	[sflag:s20] =	ssyncadd.s32 $0xFFFFC000  }
0x1d: {  	[spmem:s7] =	stream.linear.scatter [tilespmem:s19], [sflag:$0x2], $0x4000, $0x38;
	[tilespmem:$0x18100] =	vst v63  }
0x1e: {  	_ =	swait.ge [sflag:s20], $0x4000  }
0x1f: {  	[sflag:s20] =	ssyncset.done $0x0  }
0x20: {  	[sflag:s20] =	ssyncadd.s32 $0xFFFFC000  }
0x21: {  	[spmem:s8] =	stream.linear.scatter [tilespmem:s19], [sflag:$0x2], $0x4000, $0x38;
	[tilespmem:$0x18100] =	vst v63  }
0x22: {  	_ =	swait.ge [sflag:s20], $0x4000  }
0x23: {  	[sflag:s20] =	ssyncset.done $0x0  }
0x24: {  	[sflag:s20] =	ssyncadd.s32 $0xFFFFC000  }
0x25: {  	[spmem:s9] =	stream.linear.scatter [tilespmem:s19], [sflag:$0x2], $0x4000, $0x38;
	[tilespmem:$0x18100] =	vst v63  }
0x26: {  	_ =	swait.ge [sflag:s20], $0x4000  }
0x27: {  	[sflag:s20] =	ssyncset.done $0x0  }
0x28: {  	[sflag:s20] =	ssyncadd.s32 $0xFFFFC000  }
0x29: {  	[spmem:s10] =	stream.linear.scatter [tilespmem:s19], [sflag:$0x2], $0x4000, $0x38;
	[tilespmem:$0x18100] =	vst v63  }
0x2a: {  	_ =	swait.ge [sflag:s20], $0x4000  }
0x2b: {  	[sflag:s20] =	ssyncset.done $0x0  }
0x2c: {  	[sflag:s20] =	ssyncadd.s32 $0xFFFFC000  }
0x2d: {  	s24 =	sadd.s32 $0x0, s18;
	[bflag:$0x0] =	sbarrier.arrive $0xFFFF  }
0x2e: {  	[tilespmem:s2], [sflag:$0x2] =	stream.linear.gather [hbm4b:s24+s2], $0x80, $0x38;
	[tilespmem:$0x18100] =	vst v63  }
0x2f: {  	_ =	swait.ge [sflag:s20], $0x80  }
0x30: {  	[sflag:s20] =	ssyncset.done $0x0  }
0x31: {  	[sflag:s20] =	ssyncadd.s32 $0xFFFFFF80  }
0x32: {  	[tilespmem:s19], [sflag:$0x1] =	stream.indirect.gather [hbm4b:s4+s21], $0x80, s2, s21, $0xb8;
	[tilespmem:$0x18100] =	vst v63  }
0x33: {  	_ =	swait.ge [sflag:s22], $0x4000  }
0x34: {  	[sflag:s22] =	ssyncset.done $0x0  }
0x35: {  	s31 =	sadd.s32 $0x0, s17;
	[sflag:s22] =	ssyncadd.s32 $0xFFFFC000  }
0x36: {  	[tilespmem:s21], [sflag:$0x2] =	stream.linear.gather [hbm4b:s31+s2], $0x80, $0x38;
	[tilespmem:$0x18100] =	vst v63  }
0x37: {  	_ =	swait.ge [sflag:s20], $0x80  }
0x38: {  	[sflag:s20] =	ssyncset.done $0x0  }
0x39: {  	[sflag:s20] =	ssyncadd.s32 $0xFFFFFF80  }
0x3a: {  	[spmem:s1] =	stream.indirect.scatter.add.f32 [tilespmem:s19], [sflag:$0x2], $0x80, s21, s21, $0xb8;
	[tilespmem:$0x18100] =	vst v63  }
0x3b: {  	_ =	swait.ge [sflag:s20], $0x4000  }
0x3c: {  	s25 =	simm.s32 $0x20;
	s24 =	simm.s32 $0x10;
	[sflag:s20] =	ssyncset.done $0x0  }
.LBB2_2:
0x3d: {  	s26 =	sadd.s32 s24, s18  }
0x3e: {  	[sflag:s20] =	ssyncadd.s32 $0xFFFFC000;
	s28 =	smov.u32 s25;
	s29 =	sadd.s32 $0x10, s25  }
0x3f: {  	[tilespmem:s2], [sflag:$0x2] =	stream.linear.gather [hbm4b:s26+s2], $0x80, $0x38;
	[tilespmem:$0x18100] =	vst v63  }
0x40: {  	p0 =	sne.s32 s25, $0x4E0;
	_ =	swait.ge [sflag:s20], $0x80  }
0x41: {  	[sflag:s20] =	ssyncset.done $0x0  }
0x42: {  	[sflag:s20] =	ssyncadd.s32 $0xFFFFFF80  }
0x43: {  	[tilespmem:s19], [sflag:$0x1] =	stream.indirect.gather [hbm4b:s4+s21], $0x80, s2, s21, $0xb8;
	[tilespmem:$0x18100] =	vst v63  }
0x44: {  	_ =	swait.ge [sflag:s22], $0x4000  }
0x45: {  	[sflag:s22] =	ssyncset.done $0x0  }
0x46: {  	s25 =	sadd.s32 s24, s17;
	s24 =	smov.u32 s28;
	[sflag:s22] =	ssyncadd.s32 $0xFFFFC000  }
0x47: {  	[tilespmem:s21], [sflag:$0x2] =	stream.linear.gather [hbm4b:s25+s2], $0x80, $0x38;
	[tilespmem:$0x18100] =	vst v63  }
0x48: {  	_ =	swait.ge [sflag:s20], $0x80  }
.Ltmp0:
0x49: {  	[sflag:s20] =	ssyncset.done $0x0;
	(pc) =	sbr.rel @p0 .LBB2_2-.Ltmp0, $4  }
0x4a: {  	[sflag:s20] =	ssyncadd.s32 $0xFFFFFF80  }
0x4b: {  	[spmem:s1] =	stream.indirect.scatter.add.f32 [tilespmem:s19], [sflag:$0x2], $0x80, s21, s21, $0xb8;
	[tilespmem:$0x18100] =	vst v63  }
0x4c: {  	_ =	swait.ge [sflag:s20], $0x4000  }
0x4d: {  	s25 =	smov.u32 s29;
	[sflag:s20] =	ssyncset.done $0x0  }
0x4e: {  	s25 =	sadd.s32 s24, s18;
	[sflag:s20] =	ssyncadd.s32 $0xFFFFC000  }
0x4f: {  	[tilespmem:s2], [sflag:$0x2] =	stream.linear.gather [hbm4b:s25+s2], $0x80, $0x38;
	[tilespmem:$0x18100] =	vst v63  }
0x50: {  	_ =	swait.ge [sflag:s20], $0x80  }
0x51: {  	[sflag:s20] =	ssyncset.done $0x0  }
0x52: {  	[sflag:s20] =	ssyncadd.s32 $0xFFFFFF80  }
0x53: {  	[tilespmem:s19], [sflag:$0x1] =	stream.indirect.gather [hbm4b:s4+s21], $0x80, s2, s21, $0xb8;
	[tilespmem:$0x18100] =	vst v63  }
0x54: {  	_ =	swait.ge [sflag:s22], $0x4000  }
0x55: {  	[sflag:s22] =	ssyncset.done $0x0  }
0x56: {  	s31 =	sadd.s32 s24, s17;
	[sflag:s22] =	ssyncadd.s32 $0xFFFFC000  }
0x57: {  	[tilespmem:s21], [sflag:$0x2] =	stream.linear.gather [hbm4b:s31+s2], $0x80, $0x38;
	[tilespmem:$0x18100] =	vst v63  }
0x58: {  	_ =	swait.ge [sflag:s20], $0x80  }
0x59: {  	[sflag:s20] =	ssyncset.done $0x0  }
0x5a: {  	[sflag:s20] =	ssyncadd.s32 $0xFFFFFF80  }
0x5b: {  	[spmem:s1] =	stream.indirect.scatter.add.f32 [tilespmem:s19], [sflag:$0x2], $0x80, s21, s21, $0xb8;
	[tilespmem:$0x18100] =	vst v63  }
0x5c: {  	_ =	swait.ge [sflag:s20], $0x4000  }
0x5d: {  	[sflag:s20] =	ssyncset.done $0x0  }
0x5e: {  	[sflag:s20] =	ssyncadd.s32 $0xFFFFC000  }
0x5f: {  	[bflag:$0x0] =	sbarrier.arrive $0xFFFF  }
0x60: {  	[tilespmem:s19], [sflag:$0x2] =	stream.linear.gather [spmem:s6], $0x4000, $0x38;
	[tilespmem:$0x18100] =	vst v63  }
0x61: {  	_ =	swait.ge [sflag:s20], $0x4000  }
0x62: {  	[sflag:s20] =	ssyncset.done $0x0  }
0x63: {  	[sflag:s20] =	ssyncadd.s32 $0xFFFFC000  }
0x64: {  	[hbm4b:s11+s2] =	stream.linear.scatter [tilespmem:s19], [sflag:$0x2], $0x4000, $0x38;
	[tilespmem:$0x18100] =	vst v63  }
0x65: {  	_ =	swait.ge [sflag:s20], $0x4000  }
0x66: {  	[sflag:s20] =	ssyncset.done $0x0  }
0x67: {  	[sflag:s20] =	ssyncadd.s32 $0xFFFFC000  }
0x68: {  	[tilespmem:s19], [sflag:$0x2] =	stream.linear.gather [spmem:s7], $0x4000, $0x38;
	[tilespmem:$0x18100] =	vst v63  }
0x69: {  	_ =	swait.ge [sflag:s20], $0x4000  }
0x6a: {  	[sflag:s20] =	ssyncset.done $0x0  }
0x6b: {  	[sflag:s20] =	ssyncadd.s32 $0xFFFFC000  }
0x6c: {  	[hbm4b:s12+s2] =	stream.linear.scatter [tilespmem:s19], [sflag:$0x2], $0x4000, $0x38;
	[tilespmem:$0x18100] =	vst v63  }
0x6d: {  	_ =	swait.ge [sflag:s20], $0x4000  }
0x6e: {  	[sflag:s20] =	ssyncset.done $0x0  }
0x6f: {  	[sflag:s20] =	ssyncadd.s32 $0xFFFFC000  }
0x70: {  	[tilespmem:s19], [sflag:$0x2] =	stream.linear.gather [spmem:s8], $0x4000, $0x38;
	[tilespmem:$0x18100] =	vst v63  }
0x71: {  	_ =	swait.ge [sflag:s20], $0x4000  }
0x72: {  	[sflag:s20] =	ssyncset.done $0x0  }
0x73: {  	[sflag:s20] =	ssyncadd.s32 $0xFFFFC000  }
0x74: {  	[hbm4b:s13+s2] =	stream.linear.scatter [tilespmem:s19], [sflag:$0x2], $0x4000, $0x38;
	[tilespmem:$0x18100] =	vst v63  }
0x75: {  	_ =	swait.ge [sflag:s20], $0x4000  }
0x76: {  	[sflag:s20] =	ssyncset.done $0x0  }
0x77: {  	[sflag:s20] =	ssyncadd.s32 $0xFFFFC000  }
0x78: {  	[tilespmem:s19], [sflag:$0x2] =	stream.linear.gather [spmem:s9], $0x4000, $0x38;
	[tilespmem:$0x18100] =	vst v63  }
0x79: {  	_ =	swait.ge [sflag:s20], $0x4000  }
0x7a: {  	[sflag:s20] =	ssyncset.done $0x0  }
0x7b: {  	[sflag:s20] =	ssyncadd.s32 $0xFFFFC000  }
0x7c: {  	[hbm4b:s14+s2] =	stream.linear.scatter [tilespmem:s19], [sflag:$0x2], $0x4000, $0x38;
	[tilespmem:$0x18100] =	vst v63  }
0x7d: {  	_ =	swait.ge [sflag:s20], $0x4000  }
0x7e: {  	[sflag:s20] =	ssyncset.done $0x0  }
0x7f: {  	[sflag:s20] =	ssyncadd.s32 $0xFFFFC000  }
0x80: {  	[tilespmem:s19], [sflag:$0x2] =	stream.linear.gather [spmem:s10], $0x4000, $0x38;
	[tilespmem:$0x18100] =	vst v63  }
0x81: {  	s23 =	sadd.s32 $0x1, s23;
	_ =	swait.ge [sflag:s20], $0x4000  }
0x82: {  	p0 =	sne.s32 s23, s16;
	[sflag:s20] =	ssyncset.done $0x0  }
.Ltmp1:
0x83: {  	[sflag:s20] =	ssyncadd.s32 $0xFFFFC000;
	(pc) =	sbr.rel @p0 .LBB2_1-.Ltmp1, $4  }
0x84: {  	[hbm4b:s15+s2] =	stream.linear.scatter [tilespmem:s19], [sflag:$0x2], $0x4000, $0x38;
	[tilespmem:$0x18100] =	vst v63  }
0x85: {  	_ =	swait.ge [sflag:s20], $0x4000  }
0x86: {  	[sflag:s20] =	ssyncset.done $0x0  }
0x87: {  	[sflag:s20] =	ssyncadd.s32 $0xFFFFC000  }
0x88: {  	_ =	sfence.sel $0x180000  }
0x89: {  	[bflag:$0x0] =	sbarrier.arrive $0xFFFF  }
0x8a: {  	p0 =	sne.s32 s3, $0x0;
	_ =	strace $0x90000047  }
0x8b: {  	s0 =	sadd.s32 @!p0 $0x100000, s0;
	[bflag:$0x2] =	sbarrier.arrive $0xFFFF  }
0x8c: {  	[sflag:s0] =	ssyncadd.tile.s32 @!p0 $0x1;
	_ =	shalt  }
.Lfunc_end2:
_tile_overlayer_lowered:
.L_overlay_start_2:
0x8d: {  	(tag) =	ssettag $0x2  }
0x8e: {  	s0 =	rddreg [dreg:$0x0];
	s2 =	stileid.u32  }
0x8f: {  	s1 =	rddreg [dreg:$0x1];
	p0 =	sne.s32 s2, $0x0  }
0x90: {  	s3 =	rddreg [dreg:$0x2];
	[bflag:$0x3] =	sbarrier.arrive $0xFFFF;
	s2 =	simm.s32 @!p0 $0x1C02  }
0x91: {  	[timem:s3], [sflag:s2] =	dma.local @!p0 [hbm:s0], s1  }
0x92: {  	s0 =	simm.s32 @!p0 $0x2  }
0x93: {  	_ =	swait.ge @!p0 [sflag:s0], s1  }
0x94: {  	s1 =	ssub.s32 @!p0 $0x0, s1;
	[sflag:s0] =	ssyncset.done @!p0 $0x0  }
0x95: {  	[sflag:s0] =	ssyncadd.s32 @!p0 s1  }
0x96: {  	[bflag:$0x3] =	sbarrier.arrive $0xFFFF  }
0x97: {  	_ =	shalt  }

// kernel: kernel.13.cloned.1.call-start
scs
__scs_entry_jumppad:
0x0: {  	(pc) =	sbr.rel $0x88, $3  }
0x1: {  	(tag) =	ssettag $0x0;
	lr =	simm.s32 $0x1  }
0x2: {  	[smem:$0x3F8A] =	sst lr;
	_ =	strace $0xD0000000  }
0x3: {  	_ = 	snop  }
0x4: {  	_ = 	snop  }
0x5: {  	_ = 	snop  }
0x6: {  	_ = 	snop  }
0x7: {  	_ = 	snop  }
__scs_overlays_trampoline_lowered:
0x8: {  	[smem:$0x3F99] =	sst s0  }
0x9: {  	[smem:$0x3F9A] =	sst s1  }
0xa: {  	[smem:$0x3F9B] =	sst s2  }
0xb: {  	[smem:$0x3F9C] =	sst s3  }
0xc: {  	[smem:$0x3F9D] =	sst s4  }
0xd: {  	[smem:$0x3F9E] =	sst s5  }
0xe: {  	[smem:$0x3F9F] =	sst s6  }
0xf: {  	[smem:$0x3FA0] =	sst s7  }
0x10: {  	[smem:$0x3FA1] =	sst s8  }
0x11: {  	[smem:$0x3FA2] =	sst s9;
	s0 =	simm.s32 @!p0 $0x0  }
0x12: {  	s1 =	sld [smem:$0x3F88];
	s0 =	simm.s32 @p0 $0x1  }
0x13: {  	[smem:$0x3FA3] =	sst s0;
	s0 =	simm.s32 @!p1 $0x0  }
0x14: {  	s2 =	sld [smem:$0x3F87];
	s0 =	simm.s32 @p1 $0x1  }
0x15: {  	[smem:$0x3FA4] =	sst s0;
	s0 =	simm.s32 @!p2 $0x0  }
0x16: {  	s3 =	sld [smem:$0x3FDB];
	s0 =	simm.s32 @p2 $0x1  }
0x17: {  	s4 =	simm.s32 $0x1BF5;
	[smem:$0x3FA6] =	sst s0  }
0x18: {  	s0 =	sld [smem:$0x3F89];
	_ =	swait.ge [sflag:s4], $0x0  }
0x19: {  	s7 =	sld [smem:$0x3F8A]  }
0x1a: {  	s8 =	sadd.s32 $0xFFFFE003, lr  }
0x1b: {  	s9 =	sadd.s32 $0xFFFFFEF7, lr;
	s5 =	simm.s32 $0xFFFFFFFF;
	p2 =	slt.u32 s8, $0xFFFFF086  }
0x1c: {  	p1 =	slt.u32 s9, $0xF7A;
	s5 =	simm.s32 @!p2 $0x0  }
0x1d: {  	s5 =	simm.s32 @p1 $0x1;
	p0 =	seq.s32 s7, s2  }
0x1e: {  	s7 =	smul.u32 @!p0 $0xF7A, s2;
	p2 =	seq.s32 @!p0 s5, $0x0  }
0x1f: {  	s9 =	smul.u32 $0xF7A, s1;
	s8 =	simm.s32 @!p0 $0x1BF5;
	p2 =	por !p2, p0  }
0x20: {  	[sflag:s8] =	ssyncset.s32 @!p0 $0xFFFFF086;
	s6 =	sadd.s32 @!p0 s3, s7;
	s7 =	simm.s32 @!p0 $0x108  }
0x21: {  	s3 =	sadd.s32 s3, s9;
	s6 =	sadd.s32 @!p0 $0x88, s6;
	s7 =	simm.s32 @p2 $0x1082  }
0x22: {  	[simem:s7], [sflag:s8] =	dma.local @!p0 [hbm:s6], $0xF7A  }
0x23: {  	s9 =	sor.u32 $0xD0000000, s2;
	s6 =	simm.s32 $0x108;
	_ =	swait.ge @!p0 [sflag:s8], $0x0  }
0x24: {  	s3 =	sadd.s32 $0x88, s3;
	s6 =	simm.s32 @!p1 $0x1082;
	[sflag:s4] =	ssyncset.s32 $0xFFFFF086  }
0x25: {  	[simem:s6], [sflag:s4] =	dma.local [hbm:s3], $0xF7A  }
0x26: {  	[smem:$0x3F8A] =	sst s1;
	(tag) =	ssettag s2;
	_ =	strace s9  }
0x27: {  	s1 =	sld [smem:$0x3F9A]  }
0x28: {  	s2 =	sld [smem:$0x3F9B]  }
0x29: {  	s4 =	sld [smem:$0x3F9D]  }
0x2a: {  	p0 =	seq.s32 s5, $0x0;
	s5 =	sld [smem:$0x3F9E]  }
0x2b: {  	s6 =	sld [smem:$0x3F9F]  }
0x2c: {  	s7 =	sld [smem:$0x3FA0]  }
0x2d: {  	s3 =	simm.s32 $0x108;
	s8 =	sld [smem:$0x3FA1]  }
0x2e: {  	s3 =	simm.s32 @!p0 $0x1082;
	s9 =	sld [smem:$0x3FA2]  }
0x2f: {  	lr =	sadd.s32 s0, s3;
	s0 =	sld [smem:$0x3F99]  }
0x30: {  	s3 =	sld [smem:$0x3F9C]  }
0x31: {  	[smem:$0x3FA5] =	sst s10  }
0x32: {  	s10 =	sld [smem:$0x3FA3];
	_ =	sdelay $0x3  }
0x33: {  	p0 =	seq.s32 s10, $0x1;
	s10 =	sld [smem:$0x3FA5];
	_ =	sdelay $0x3  }
0x34: {  	[smem:$0x3FA5] =	sst s10  }
0x35: {  	s10 =	sld [smem:$0x3FA4];
	_ =	sdelay $0x3  }
0x36: {  	p1 =	seq.s32 s10, $0x1;
	s10 =	sld [smem:$0x3FA5];
	_ =	sdelay $0x3  }
0x37: {  	[smem:$0x3FA5] =	sst s10  }
0x38: {  	s10 =	sld [smem:$0x3FA6]  }
0x39: {  	_ = 	snop;
	(pc) =	sbr.ind lr, $3  }
0x3a: {  	_ = 	snop  }
0x3b: {  	_ = 	snop  }
0x3c: {  	p2 =	seq.s32 s10, $0x1;
	s10 =	sld [smem:$0x3FA5]  }
0x3d: {  	_ =	shalt  }
0x3e: {  	_ =	shalt  }
0x3f: {  	_ =	shalt  }
0x40: {  	_ =	shalt  }
0x41: {  	_ =	shalt  }
0x42: {  	_ =	shalt  }
0x43: {  	_ =	shalt  }
0x44: {  	_ =	shalt  }
0x45: {  	_ =	shalt  }
0x46: {  	_ =	shalt  }
0x47: {  	_ =	shalt  }
0x48: {  	_ =	shalt  }
0x49: {  	_ =	shalt  }
0x4a: {  	_ =	shalt  }
0x4b: {  	_ =	shalt  }
0x4c: {  	_ =	shalt  }
0x4d: {  	_ =	shalt  }
0x4e: {  	_ =	shalt  }
0x4f: {  	_ =	shalt  }
0x50: {  	_ =	shalt  }
0x51: {  	_ =	shalt  }
0x52: {  	_ =	shalt  }
0x53: {  	_ =	shalt  }
0x54: {  	_ =	shalt  }
0x55: {  	_ =	shalt  }
0x56: {  	_ =	shalt  }
0x57: {  	_ =	shalt  }
0x58: {  	_ =	shalt  }
0x59: {  	_ =	shalt  }
0x5a: {  	_ =	shalt  }
0x5b: {  	_ =	shalt  }
0x5c: {  	_ =	shalt  }
0x5d: {  	_ =	shalt  }
0x5e: {  	_ =	shalt  }
0x5f: {  	_ =	shalt  }
0x60: {  	_ =	shalt  }
0x61: {  	_ =	shalt  }
0x62: {  	_ =	shalt  }
0x63: {  	_ =	shalt  }
0x64: {  	_ =	shalt  }
0x65: {  	_ =	shalt  }
0x66: {  	_ =	shalt  }
0x67: {  	_ =	shalt  }
0x68: {  	_ =	shalt  }
0x69: {  	_ =	shalt  }
0x6a: {  	_ =	shalt  }
0x6b: {  	_ =	shalt  }
0x6c: {  	_ =	shalt  }
0x6d: {  	_ =	shalt  }
0x6e: {  	_ =	shalt  }
0x6f: {  	_ =	shalt  }
0x70: {  	_ =	shalt  }
0x71: {  	_ =	shalt  }
0x72: {  	_ =	shalt  }
0x73: {  	_ =	shalt  }
0x74: {  	_ =	shalt  }
0x75: {  	_ =	shalt  }
0x76: {  	_ =	shalt  }
0x77: {  	_ =	shalt  }
0x78: {  	_ =	shalt  }
0x79: {  	_ =	shalt  }
0x7a: {  	_ =	shalt  }
0x7b: {  	_ =	shalt  }
0x7c: {  	_ =	shalt  }
0x7d: {  	_ =	shalt  }
0x7e: {  	_ =	shalt  }
0x7f: {  	_ =	shalt  }
0x80: {  	_ =	shalt  }
0x81: {  	_ =	shalt  }
0x82: {  	_ =	shalt  }
0x83: {  	_ =	shalt  }
0x84: {  	_ =	shalt  }
0x85: {  	_ =	shalt  }
0x86: {  	_ =	shalt  }
0x87: {  	_ =	shalt  }
.Lfunc_end0:
.L_simem_size_0:
called_computation.1_lowered:
.L_overlay_start_0:
0x88: {  	s2 =	sld [smem:$0x3FD9]  }
0x89: {  	s3 =	sld [smem:$0x3FFE];
	_ =	sdelay $0x1  }
0x8a: {  	s1 =	srdreg.scid  }
0x8b: {  	s0 =	sand.u32 $0x1, s1  }
0x8c: {  	s16 =	sshll.u32 s0, $0xA;
	s2 =	sadd.s32 s3, s2  }
0x8d: {  	s2 =	sadd.s32 s2, s16  }
0x8e: {  	[smem:$0x3FB1] =	sst s2  }
0x8f: {  	_ = 	snop  }
0x90: {  	(tm) =	ssettm $0x1  }
0x91: {  	s17 =	sld [smem:$0x3FFB];
	_ =	sdelay $0x3  }
0x92: {  	_ =	strace s17  }
0x93: {  	s2 =	sld [smem:$0x3FFC];
	_ =	sdelay $0x3  }
0x94: {  	_ =	strace s2  }
0x95: {  	s2 =	sld [smem:$0x3FFD];
	_ =	sdelay $0x3  }
0x96: {  	_ =	strace s2  }
0x97: {  	_ =	strace $0x8FFFFFFF  }
0x98: {  	s18 =	sld [smem:$0x3FDB];
	_ =	sdelay $0x1  }
0x99: {  	s19 =	simm.s32 $_scs_section_size  }
0x9a: {  	s4 =	simm.s32 $_size__tile_overlayer_lowered;
	s5 =	simm.s32 $_tile_overlayer_lowered  }
0x9b: {  	s22 =	simm.s32 $0x1BFF;
	s21 =	sshll.u32 s5, $0x1;
	s2 =	sadd.s32 s19, s18  }
0x9c: {  	s6 =	simm.s32 $0x0;
	s20 =	sshll.u32 s4, $0x1;
	s4 =	sadd.s32 s21, s2  }
0x9d: {  	[timem:s6], [sflag:s22] =	dma.local [hbm:s4], s20  }
0x9e: {  	_ =	swait.ge [sflag:s22], s20  }
0x9f: {  	s3 =	ssub.s32 $0x0, s20;
	[sflag:s22] =	ssyncset.done $0x0  }
0xa0: {  	[sflag:s22] =	ssyncadd.s32 s3;
	_ =	sdelay $0x1  }
0xa1: {  	s23 =	simm.s32 $0x1B8B  }
0xa2: {  	_ =	swait.ge [sflag:s23], $0x1  }
0xa3: {  	[sflag:s23] =	ssyncset.done $0x0  }
0xa4: {  	s25 =	simm.s32 $0x1B8E;
	s24 =	sld [smem:$0x3FFE];
	[sflag:s23] =	ssyncadd.s32 $0xFFFFFFFF  }
0xa5: {  	s26 =	simm.s32 $execute0_lowered;
	[smem:$0x3FD2] =	sst s25  }
0xa6: {  	s4 =	sshll.u32 s26, $0x1;
	_ =	strace $0x80000049;
	[dreg:$0x1] =	wrdreg $0xFFFFFFFF  }
0xa7: {  	s28 =	simm.s32 $_size_execute0_lowered;
	s2 =	sadd.s32 s2, s4;
	[dreg:$0x0] =	wrdreg $0x0  }
0xa8: {  	s4 =	sshll.u32 s28, $0x1;
	[dreg:$0x2] =	wrdreg s2  }
0xa9: {  	[dreg:$0x3] =	wrdreg s4  }
0xaa: {  	[dreg:$0x4] =	wrdreg $0xC0  }
0xab: {  	_ =	task [dreg:s6], $0x5FFFF  }
0xac: {  	[dreg:$0x1] =	wrdreg $0xFFFFFFFF  }
0xad: {  	[dreg:$0x0] =	wrdreg $0x60  }
0xae: {  	[dreg:$0x2] =	wrdreg s24  }
0xaf: {  	[dreg:$0x3] =	wrdreg $0x41000  }
0xb0: {  	[dreg:$0x4] =	wrdreg $0x9  }
0xb1: {  	_ =	task.clear_ibuf [dreg:s6], $0x5FFFF;
	_ =	strace $0x90000049  }
0xb2: {  	s29 =	simm.s32 $0x9;
	_ =	strace $0x8000004B  }
0xb3: {  	_ =	swait.ge [sflag:s29], $0x1  }
0xb4: {  	[sflag:s29] =	ssyncadd.s32 $0xFFFFFFFF  }
0xb5: {  	_ =	strace $0x9000004B  }
0xb6: {  	_ =	sfence  }
0xb7: {  	s30 =	sld [smem:$0x0];
	_ =	sdelay $0x2  }
0xb8: {  	s31 =	sshll.u32 s1, $0xD;
	s1 =	sshrl.u32 s1, $0x2  }
0xb9: {  	s3 =	sand.u32 $0x4000, s31;
	s1 =	sadd.s32 s1, s30  }
0xba: {  	s0 =	sor.u32 s3, s0;
	s1 =	sshll.u32 s1, $0x11  }
0xbb: {  	s0 =	sor.u32 s1, s0  }
0xbc: {  	s0 =	sadd.s32 $0x8F2B, s0  }
0xbd: {  	[sflag:s0] =	ssyncadd.remote.s32 $0x1  }
0xbe: {  	_ =	sfence.sel $0xFFFF  }
0xbf: {  	[dreg:$0x0] =	wrdreg $0xFFFFFFFF;
	(pc) =	sbr.abs _section_cstart, $3  }
0xc0: {  	[dreg:$0x1] =	wrdreg $0xFFFFFFFF  }
0xc1: {  	_ =	task.clear_ibuf [dreg:s6], $0x2FFFF;
	_ =	strace $0x9FFFFFFF  }
0xc2: {  	(tm) =	ssettm $0x7FFFFFFF  }
0xc3: {  	_ =	shalt  }
tec
execute0_lowered:
.L_overlay_start_1:
0x0: {  	(tag) =	ssettag $0x1  }
0x1: {  	s6 =	rddreg [dreg:$0x0]  }
0x2: {  	s1 =	rddreg [dreg:$0x1]  }
0x3: {  	s3 =	srdreg.scid;
	s0 =	rddreg [dreg:$0x2]  }
0x4: {  	s2 =	simm.s32 $0x0;
	s21 =	simm.s32 $0x80;
	s7 =	sand.u32 $0x1, s3  }
0x5: {  	s22 =	simm.s32 $0x1;
	s3 =	stileid.u32;
	s5 =	smul.u32 $0x4F00, s7  }
0x6: {  	s23 =	simm.s32 $0x0;
	[smem:$0x7FF] =	sst s2;
	s8 =	smul.u32 $0x50000, s3  }
0x7: {  	s4 =	sadd.s32 $0x19200, s6;
	s16 =	sadd.s32 $0x41200, s6;
	s10 =	smul.u32 $0x14000, s3  }
0x8: {  	_ =	strace $0x8000004A;
	s9 =	ssub.s32 $0x2, s7;
	s18 =	smul.u32 $0x140000, s7  }
0x9: {  	s30 =	smul.u32 $0x4F0, s3;
	s29 =	sshrl.u32 s9, $0x1;
	s15 =	sadd.s32 s5, s6  }
0xa: {  	s5 =	sadd.s32 $0x18A00, s6;
	s8 =	sshrl.u32 s8, $0x2;
	s17 =	ssub.s32 s9, s29  }
0xb: {  	s11 =	sadd.s32 $0x4000, s10;
	s13 =	sadd.s32 $0x8000, s10;
	s14 =	sadd.s32 $0xC000, s10  }
0xc: {  	s19 =	sadd.s32 $0x10000, s10;
	s12 =	sadd.s32 s10, s18;
	s6 =	sadd.s32 s8, s1  }
0xd: {  	s7 =	sadd.s32 s11, s1;
	s8 =	sadd.s32 s13, s1;
	s9 =	sadd.s32 s14, s1  }
0xe: {  	s11 =	sadd.s32 s18, s11;
	s10 =	sadd.s32 s19, s1;
	s12 =	sshrl.u32 s12, $0x3  }
0xf: {  	s13 =	sadd.s32 s18, s13;
	s14 =	sadd.s32 s18, s14;
	s18 =	sadd.s32 s18, s19  }
0x10: {  	s31 =	sadd.s32 s30, s15;
	s19 =	simm.s32 $0x100;
	s20 =	sshrl.u32 s11, $0x3  }
0x11: {  	s11 =	sadd.s32 s16, s12;
	s13 =	sshrl.u32 s13, $0x3;
	s14 =	sshrl.u32 s14, $0x3  }
0x12: {  	s18 =	sshrl.u32 s18, $0x3;
	s12 =	sadd.s32 s16, s20;
	s13 =	sadd.s32 s16, s13  }
0x13: {  	s14 =	sadd.s32 s16, s14;
	s15 =	sadd.s32 s16, s18;
	s16 =	smax.u32 s17, $0x1  }
0x14: {  	s17 =	sadd.s32 $0x4E00, s31;
	s18 =	sadd.s32 $0xEC00, s31;
	s20 =	simm.s32 $0x2  }
.LBB2_1:
0x15: {  	[tilespmem:s19], [sflag:$0x2] =	stream.linear.gather [hbm4b:s5+s2], $0x4000, $0x38;
	[tilespmem:$0x18100] =	vst v63  }
0x16: {  	_ =	swait.ge [sflag:s20], $0x4000  }
0x17: {  	[sflag:s20] =	ssyncset.done $0x0  }
0x18: {  	[sflag:s20] =	ssyncadd.s32 $0xFFFFC000  }
0x19: {  	[spmem:s6] =	stream.linear.scatter [tilespmem:s19], [sflag:$0x2], $0x4000, $0x38;
	[tilespmem:$0x18100] =	vst v63  }
0x1a: {  	_ =	swait.ge [sflag:s20], $0x4000  }
0x1b: {  	[sflag:s20] =	ssyncset.done $0x0  }
0x1c: {  	[sflag:s20] =	ssyncadd.s32 $0xFFFFC000  }
0x1d: {  	[spmem:s7] =	stream.linear.scatter [tilespmem:s19], [sflag:$0x2], $0x4000, $0x38;
	[tilespmem:$0x18100] =	vst v63  }
0x1e: {  	_ =	swait.ge [sflag:s20], $0x4000  }
0x1f: {  	[sflag:s20] =	ssyncset.done $0x0  }
0x20: {  	[sflag:s20] =	ssyncadd.s32 $0xFFFFC000  }
0x21: {  	[spmem:s8] =	stream.linear.scatter [tilespmem:s19], [sflag:$0x2], $0x4000, $0x38;
	[tilespmem:$0x18100] =	vst v63  }
0x22: {  	_ =	swait.ge [sflag:s20], $0x4000  }
0x23: {  	[sflag:s20] =	ssyncset.done $0x0  }
0x24: {  	[sflag:s20] =	ssyncadd.s32 $0xFFFFC000  }
0x25: {  	[spmem:s9] =	stream.linear.scatter [tilespmem:s19], [sflag:$0x2], $0x4000, $0x38;
	[tilespmem:$0x18100] =	vst v63  }
0x26: {  	_ =	swait.ge [sflag:s20], $0x4000  }
0x27: {  	[sflag:s20] =	ssyncset.done $0x0  }
0x28: {  	[sflag:s20] =	ssyncadd.s32 $0xFFFFC000  }
0x29: {  	[spmem:s10] =	stream.linear.scatter [tilespmem:s19], [sflag:$0x2], $0x4000, $0x38;
	[tilespmem:$0x18100] =	vst v63  }
0x2a: {  	_ =	swait.ge [sflag:s20], $0x4000  }
0x2b: {  	[sflag:s20] =	ssyncset.done $0x0  }
0x2c: {  	[sflag:s20] =	ssyncadd.s32 $0xFFFFC000  }
0x2d: {  	s24 =	sadd.s32 $0x0, s18;
	[bflag:$0x0] =	sbarrier.arrive $0xFFFF  }
0x2e: {  	[tilespmem:s2], [sflag:$0x2] =	stream.linear.gather [hbm4b:s24+s2], $0x80, $0x38;
	[tilespmem:$0x18100] =	vst v63  }
0x2f: {  	_ =	swait.ge [sflag:s20], $0x80  }
0x30: {  	[sflag:s20] =	ssyncset.done $0x0  }
0x31: {  	[sflag:s20] =	ssyncadd.s32 $0xFFFFFF80  }
0x32: {  	[tilespmem:s19], [sflag:$0x1] =	stream.indirect.gather [hbm4b:s4+s21], $0x80, s2, s21, $0xb8;
	[tilespmem:$0x18100] =	vst v63  }
0x33: {  	_ =	swait.ge [sflag:s22], $0x4000  }
0x34: {  	[sflag:s22] =	ssyncset.done $0x0  }
0x35: {  	s31 =	sadd.s32 $0x0, s17;
	[sflag:s22] =	ssyncadd.s32 $0xFFFFC000  }
0x36: {  	[tilespmem:s21], [sflag:$0x2] =	stream.linear.gather [hbm4b:s31+s2], $0x80, $0x38;
	[tilespmem:$0x18100] =	vst v63  }
0x37: {  	_ =	swait.ge [sflag:s20], $0x80  }
0x38: {  	[sflag:s20] =	ssyncset.done $0x0  }
0x39: {  	[sflag:s20] =	ssyncadd.s32 $0xFFFFFF80  }
0x3a: {  	[spmem:s1] =	stream.indirect.scatter.add.f32 [tilespmem:s19], [sflag:$0x2], $0x80, s21, s21, $0xb8;
	[tilespmem:$0x18100] =	vst v63  }
0x3b: {  	_ =	swait.ge [sflag:s20], $0x4000  }
0x3c: {  	s25 =	simm.s32 $0x20;
	s24 =	simm.s32 $0x10;
	[sflag:s20] =	ssyncset.done $0x0  }
.LBB2_2:
0x3d: {  	s26 =	sadd.s32 s24, s18  }
0x3e: {  	[sflag:s20] =	ssyncadd.s32 $0xFFFFC000;
	s28 =	smov.u32 s25;
	s29 =	sadd.s32 $0x10, s25  }
0x3f: {  	[tilespmem:s2], [sflag:$0x2] =	stream.linear.gather [hbm4b:s26+s2], $0x80, $0x38;
	[tilespmem:$0x18100] =	vst v63  }
0x40: {  	p0 =	sne.s32 s25, $0x4E0;
	_ =	swait.ge [sflag:s20], $0x80  }
0x41: {  	[sflag:s20] =	ssyncset.done $0x0  }
0x42: {  	[sflag:s20] =	ssyncadd.s32 $0xFFFFFF80  }
0x43: {  	[tilespmem:s19], [sflag:$0x1] =	stream.indirect.gather [hbm4b:s4+s21], $0x80, s2, s21, $0xb8;
	[tilespmem:$0x18100] =	vst v63  }
0x44: {  	_ =	swait.ge [sflag:s22], $0x4000  }
0x45: {  	[sflag:s22] =	ssyncset.done $0x0  }
0x46: {  	s25 =	sadd.s32 s24, s17;
	s24 =	smov.u32 s28;
	[sflag:s22] =	ssyncadd.s32 $0xFFFFC000  }
0x47: {  	[tilespmem:s21], [sflag:$0x2] =	stream.linear.gather [hbm4b:s25+s2], $0x80, $0x38;
	[tilespmem:$0x18100] =	vst v63  }
0x48: {  	_ =	swait.ge [sflag:s20], $0x80  }
.Ltmp0:
0x49: {  	[sflag:s20] =	ssyncset.done $0x0;
	(pc) =	sbr.rel @p0 .LBB2_2-.Ltmp0, $4  }
0x4a: {  	[sflag:s20] =	ssyncadd.s32 $0xFFFFFF80  }
0x4b: {  	[spmem:s1] =	stream.indirect.scatter.add.f32 [tilespmem:s19], [sflag:$0x2], $0x80, s21, s21, $0xb8;
	[tilespmem:$0x18100] =	vst v63  }
0x4c: {  	_ =	swait.ge [sflag:s20], $0x4000  }
0x4d: {  	s25 =	smov.u32 s29;
	[sflag:s20] =	ssyncset.done $0x0  }
0x4e: {  	s25 =	sadd.s32 s24, s18;
	[sflag:s20] =	ssyncadd.s32 $0xFFFFC000  }
0x4f: {  	[tilespmem:s2], [sflag:$0x2] =	stream.linear.gather [hbm4b:s25+s2], $0x80, $0x38;
	[tilespmem:$0x18100] =	vst v63  }
0x50: {  	_ =	swait.ge [sflag:s20], $0x80  }
0x51: {  	[sflag:s20] =	ssyncset.done $0x0  }
0x52: {  	[sflag:s20] =	ssyncadd.s32 $0xFFFFFF80  }
0x53: {  	[tilespmem:s19], [sflag:$0x1] =	stream.indirect.gather [hbm4b:s4+s21], $0x80, s2, s21, $0xb8;
	[tilespmem:$0x18100] =	vst v63  }
0x54: {  	_ =	swait.ge [sflag:s22], $0x4000  }
0x55: {  	[sflag:s22] =	ssyncset.done $0x0  }
0x56: {  	s31 =	sadd.s32 s24, s17;
	[sflag:s22] =	ssyncadd.s32 $0xFFFFC000  }
0x57: {  	[tilespmem:s21], [sflag:$0x2] =	stream.linear.gather [hbm4b:s31+s2], $0x80, $0x38;
	[tilespmem:$0x18100] =	vst v63  }
0x58: {  	_ =	swait.ge [sflag:s20], $0x80  }
0x59: {  	[sflag:s20] =	ssyncset.done $0x0  }
0x5a: {  	[sflag:s20] =	ssyncadd.s32 $0xFFFFFF80  }
0x5b: {  	[spmem:s1] =	stream.indirect.scatter.add.f32 [tilespmem:s19], [sflag:$0x2], $0x80, s21, s21, $0xb8;
	[tilespmem:$0x18100] =	vst v63  }
0x5c: {  	_ =	swait.ge [sflag:s20], $0x4000  }
0x5d: {  	[sflag:s20] =	ssyncset.done $0x0  }
0x5e: {  	[sflag:s20] =	ssyncadd.s32 $0xFFFFC000  }
0x5f: {  	[bflag:$0x0] =	sbarrier.arrive $0xFFFF  }
0x60: {  	[tilespmem:s19], [sflag:$0x2] =	stream.linear.gather [spmem:s6], $0x4000, $0x38;
	[tilespmem:$0x18100] =	vst v63  }
0x61: {  	_ =	swait.ge [sflag:s20], $0x4000  }
0x62: {  	[sflag:s20] =	ssyncset.done $0x0  }
0x63: {  	[sflag:s20] =	ssyncadd.s32 $0xFFFFC000  }
0x64: {  	[hbm4b:s11+s2] =	stream.linear.scatter [tilespmem:s19], [sflag:$0x2], $0x4000, $0x38;
	[tilespmem:$0x18100] =	vst v63  }
0x65: {  	_ =	swait.ge [sflag:s20], $0x4000  }
0x66: {  	[sflag:s20] =	ssyncset.done $0x0  }
0x67: {  	[sflag:s20] =	ssyncadd.s32 $0xFFFFC000  }
0x68: {  	[tilespmem:s19], [sflag:$0x2] =	stream.linear.gather [spmem:s7], $0x4000, $0x38;
	[tilespmem:$0x18100] =	vst v63  }
0x69: {  	_ =	swait.ge [sflag:s20], $0x4000  }
0x6a: {  	[sflag:s20] =	ssyncset.done $0x0  }
0x6b: {  	[sflag:s20] =	ssyncadd.s32 $0xFFFFC000  }
0x6c: {  	[hbm4b:s12+s2] =	stream.linear.scatter [tilespmem:s19], [sflag:$0x2], $0x4000, $0x38;
	[tilespmem:$0x18100] =	vst v63  }
0x6d: {  	_ =	swait.ge [sflag:s20], $0x4000  }
0x6e: {  	[sflag:s20] =	ssyncset.done $0x0  }
0x6f: {  	[sflag:s20] =	ssyncadd.s32 $0xFFFFC000  }
0x70: {  	[tilespmem:s19], [sflag:$0x2] =	stream.linear.gather [spmem:s8], $0x4000, $0x38;
	[tilespmem:$0x18100] =	vst v63  }
0x71: {  	_ =	swait.ge [sflag:s20], $0x4000  }
0x72: {  	[sflag:s20] =	ssyncset.done $0x0  }
0x73: {  	[sflag:s20] =	ssyncadd.s32 $0xFFFFC000  }
0x74: {  	[hbm4b:s13+s2] =	stream.linear.scatter [tilespmem:s19], [sflag:$0x2], $0x4000, $0x38;
	[tilespmem:$0x18100] =	vst v63  }
0x75: {  	_ =	swait.ge [sflag:s20], $0x4000  }
0x76: {  	[sflag:s20] =	ssyncset.done $0x0  }
0x77: {  	[sflag:s20] =	ssyncadd.s32 $0xFFFFC000  }
0x78: {  	[tilespmem:s19], [sflag:$0x2] =	stream.linear.gather [spmem:s9], $0x4000, $0x38;
	[tilespmem:$0x18100] =	vst v63  }
0x79: {  	_ =	swait.ge [sflag:s20], $0x4000  }
0x7a: {  	[sflag:s20] =	ssyncset.done $0x0  }
0x7b: {  	[sflag:s20] =	ssyncadd.s32 $0xFFFFC000  }
0x7c: {  	[hbm4b:s14+s2] =	stream.linear.scatter [tilespmem:s19], [sflag:$0x2], $0x4000, $0x38;
	[tilespmem:$0x18100] =	vst v63  }
0x7d: {  	_ =	swait.ge [sflag:s20], $0x4000  }
0x7e: {  	[sflag:s20] =	ssyncset.done $0x0  }
0x7f: {  	[sflag:s20] =	ssyncadd.s32 $0xFFFFC000  }
0x80: {  	[tilespmem:s19], [sflag:$0x2] =	stream.linear.gather [spmem:s10], $0x4000, $0x38;
	[tilespmem:$0x18100] =	vst v63  }
0x81: {  	s23 =	sadd.s32 $0x1, s23;
	_ =	swait.ge [sflag:s20], $0x4000  }
0x82: {  	p0 =	sne.s32 s23, s16;
	[sflag:s20] =	ssyncset.done $0x0  }
.Ltmp1:
0x83: {  	[sflag:s20] =	ssyncadd.s32 $0xFFFFC000;
	(pc) =	sbr.rel @p0 .LBB2_1-.Ltmp1, $4  }
0x84: {  	[hbm4b:s15+s2] =	stream.linear.scatter [tilespmem:s19], [sflag:$0x2], $0x4000, $0x38;
	[tilespmem:$0x18100] =	vst v63  }
0x85: {  	_ =	swait.ge [sflag:s20], $0x4000  }
0x86: {  	[sflag:s20] =	ssyncset.done $0x0  }
0x87: {  	[sflag:s20] =	ssyncadd.s32 $0xFFFFC000  }
0x88: {  	_ =	sfence.sel $0x180000  }
0x89: {  	[bflag:$0x0] =	sbarrier.arrive $0xFFFF  }
0x8a: {  	p0 =	sne.s32 s3, $0x0;
	_ =	strace $0x9000004A  }
0x8b: {  	s0 =	sadd.s32 @!p0 $0x100000, s0;
	[bflag:$0x2] =	sbarrier.arrive $0xFFFF  }
0x8c: {  	[sflag:s0] =	ssyncadd.tile.s32 @!p0 $0x1;
	_ =	shalt  }
.Lfunc_end2:
_tile_overlayer_lowered:
.L_overlay_start_2:
0x8d: {  	(tag) =	ssettag $0x2  }
0x8e: {  	s0 =	rddreg [dreg:$0x0];
	s2 =	stileid.u32  }
0x8f: {  	s1 =	rddreg [dreg:$0x1];
	p0 =	sne.s32 s2, $0x0  }
0x90: {  	s3 =	rddreg [dreg:$0x2];
	[bflag:$0x3] =	sbarrier.arrive $0xFFFF;
	s2 =	simm.s32 @!p0 $0x1C02  }
0x91: {  	[timem:s3], [sflag:s2] =	dma.local @!p0 [hbm:s0], s1  }
0x92: {  	s0 =	simm.s32 @!p0 $0x2  }
0x93: {  	_ =	swait.ge @!p0 [sflag:s0], s1  }
0x94: {  	s1 =	ssub.s32 @!p0 $0x0, s1;
	[sflag:s0] =	ssyncset.done @!p0 $0x0  }
0x95: {  	[sflag:s0] =	ssyncadd.s32 @!p0 s1  }
0x96: {  	[bflag:$0x3] =	sbarrier.arrive $0xFFFF  }
0x97: {  	_ =	shalt  }

// kernel: kernel.16.cloned.1.call-start
scs
__scs_entry_jumppad:
0x0: {  	(pc) =	sbr.rel $0x88, $3  }
0x1: {  	(tag) =	ssettag $0x0;
	lr =	simm.s32 $0x1  }
0x2: {  	[smem:$0x3F8A] =	sst lr;
	_ =	strace $0xD0000000  }
0x3: {  	_ = 	snop  }
0x4: {  	_ = 	snop  }
0x5: {  	_ = 	snop  }
0x6: {  	_ = 	snop  }
0x7: {  	_ = 	snop  }
__scs_overlays_trampoline_lowered:
0x8: {  	[smem:$0x3F99] =	sst s0  }
0x9: {  	[smem:$0x3F9A] =	sst s1  }
0xa: {  	[smem:$0x3F9B] =	sst s2  }
0xb: {  	[smem:$0x3F9C] =	sst s3  }
0xc: {  	[smem:$0x3F9D] =	sst s4  }
0xd: {  	[smem:$0x3F9E] =	sst s5  }
0xe: {  	[smem:$0x3F9F] =	sst s6  }
0xf: {  	[smem:$0x3FA0] =	sst s7  }
0x10: {  	[smem:$0x3FA1] =	sst s8  }
0x11: {  	[smem:$0x3FA2] =	sst s9;
	s0 =	simm.s32 @!p0 $0x0  }
0x12: {  	s1 =	sld [smem:$0x3F88];
	s0 =	simm.s32 @p0 $0x1  }
0x13: {  	[smem:$0x3FA3] =	sst s0;
	s0 =	simm.s32 @!p1 $0x0  }
0x14: {  	s2 =	sld [smem:$0x3F87];
	s0 =	simm.s32 @p1 $0x1  }
0x15: {  	[smem:$0x3FA4] =	sst s0;
	s0 =	simm.s32 @!p2 $0x0  }
0x16: {  	s3 =	sld [smem:$0x3FDB];
	s0 =	simm.s32 @p2 $0x1  }
0x17: {  	s4 =	simm.s32 $0x1BF5;
	[smem:$0x3FA6] =	sst s0  }
0x18: {  	s0 =	sld [smem:$0x3F89];
	_ =	swait.ge [sflag:s4], $0x0  }
0x19: {  	s7 =	sld [smem:$0x3F8A]  }
0x1a: {  	s8 =	sadd.s32 $0xFFFFE003, lr  }
0x1b: {  	s9 =	sadd.s32 $0xFFFFFEF7, lr;
	s5 =	simm.s32 $0xFFFFFFFF;
	p2 =	slt.u32 s8, $0xFFFFF086  }
0x1c: {  	p1 =	slt.u32 s9, $0xF7A;
	s5 =	simm.s32 @!p2 $0x0  }
0x1d: {  	s5 =	simm.s32 @p1 $0x1;
	p0 =	seq.s32 s7, s2  }
0x1e: {  	s7 =	smul.u32 @!p0 $0xF7A, s2;
	p2 =	seq.s32 @!p0 s5, $0x0  }
0x1f: {  	s9 =	smul.u32 $0xF7A, s1;
	s8 =	simm.s32 @!p0 $0x1BF5;
	p2 =	por !p2, p0  }
0x20: {  	[sflag:s8] =	ssyncset.s32 @!p0 $0xFFFFF086;
	s6 =	sadd.s32 @!p0 s3, s7;
	s7 =	simm.s32 @!p0 $0x108  }
0x21: {  	s3 =	sadd.s32 s3, s9;
	s6 =	sadd.s32 @!p0 $0x88, s6;
	s7 =	simm.s32 @p2 $0x1082  }
0x22: {  	[simem:s7], [sflag:s8] =	dma.local @!p0 [hbm:s6], $0xF7A  }
0x23: {  	s9 =	sor.u32 $0xD0000000, s2;
	s6 =	simm.s32 $0x108;
	_ =	swait.ge @!p0 [sflag:s8], $0x0  }
0x24: {  	s3 =	sadd.s32 $0x88, s3;
	s6 =	simm.s32 @!p1 $0x1082;
	[sflag:s4] =	ssyncset.s32 $0xFFFFF086  }
0x25: {  	[simem:s6], [sflag:s4] =	dma.local [hbm:s3], $0xF7A  }
0x26: {  	[smem:$0x3F8A] =	sst s1;
	(tag) =	ssettag s2;
	_ =	strace s9  }
0x27: {  	s1 =	sld [smem:$0x3F9A]  }
0x28: {  	s2 =	sld [smem:$0x3F9B]  }
0x29: {  	s4 =	sld [smem:$0x3F9D]  }
0x2a: {  	p0 =	seq.s32 s5, $0x0;
	s5 =	sld [smem:$0x3F9E]  }
0x2b: {  	s6 =	sld [smem:$0x3F9F]  }
0x2c: {  	s7 =	sld [smem:$0x3FA0]  }
0x2d: {  	s3 =	simm.s32 $0x108;
	s8 =	sld [smem:$0x3FA1]  }
0x2e: {  	s3 =	simm.s32 @!p0 $0x1082;
	s9 =	sld [smem:$0x3FA2]  }
0x2f: {  	lr =	sadd.s32 s0, s3;
	s0 =	sld [smem:$0x3F99]  }
0x30: {  	s3 =	sld [smem:$0x3F9C]  }
0x31: {  	[smem:$0x3FA5] =	sst s10  }
0x32: {  	s10 =	sld [smem:$0x3FA3];
	_ =	sdelay $0x3  }
0x33: {  	p0 =	seq.s32 s10, $0x1;
	s10 =	sld [smem:$0x3FA5];
	_ =	sdelay $0x3  }
0x34: {  	[smem:$0x3FA5] =	sst s10  }
0x35: {  	s10 =	sld [smem:$0x3FA4];
	_ =	sdelay $0x3  }
0x36: {  	p1 =	seq.s32 s10, $0x1;
	s10 =	sld [smem:$0x3FA5];
	_ =	sdelay $0x3  }
0x37: {  	[smem:$0x3FA5] =	sst s10  }
0x38: {  	s10 =	sld [smem:$0x3FA6]  }
0x39: {  	_ = 	snop;
	(pc) =	sbr.ind lr, $3  }
0x3a: {  	_ = 	snop  }
0x3b: {  	_ = 	snop  }
0x3c: {  	p2 =	seq.s32 s10, $0x1;
	s10 =	sld [smem:$0x3FA5]  }
0x3d: {  	_ =	shalt  }
0x3e: {  	_ =	shalt  }
0x3f: {  	_ =	shalt  }
0x40: {  	_ =	shalt  }
0x41: {  	_ =	shalt  }
0x42: {  	_ =	shalt  }
0x43: {  	_ =	shalt  }
0x44: {  	_ =	shalt  }
0x45: {  	_ =	shalt  }
0x46: {  	_ =	shalt  }
0x47: {  	_ =	shalt  }
0x48: {  	_ =	shalt  }
0x49: {  	_ =	shalt  }
0x4a: {  	_ =	shalt  }
0x4b: {  	_ =	shalt  }
0x4c: {  	_ =	shalt  }
0x4d: {  	_ =	shalt  }
0x4e: {  	_ =	shalt  }
0x4f: {  	_ =	shalt  }
0x50: {  	_ =	shalt  }
0x51: {  	_ =	shalt  }
0x52: {  	_ =	shalt  }
0x53: {  	_ =	shalt  }
0x54: {  	_ =	shalt  }
0x55: {  	_ =	shalt  }
0x56: {  	_ =	shalt  }
0x57: {  	_ =	shalt  }
0x58: {  	_ =	shalt  }
0x59: {  	_ =	shalt  }
0x5a: {  	_ =	shalt  }
0x5b: {  	_ =	shalt  }
0x5c: {  	_ =	shalt  }
0x5d: {  	_ =	shalt  }
0x5e: {  	_ =	shalt  }
0x5f: {  	_ =	shalt  }
0x60: {  	_ =	shalt  }
0x61: {  	_ =	shalt  }
0x62: {  	_ =	shalt  }
0x63: {  	_ =	shalt  }
0x64: {  	_ =	shalt  }
0x65: {  	_ =	shalt  }
0x66: {  	_ =	shalt  }
0x67: {  	_ =	shalt  }
0x68: {  	_ =	shalt  }
0x69: {  	_ =	shalt  }
0x6a: {  	_ =	shalt  }
0x6b: {  	_ =	shalt  }
0x6c: {  	_ =	shalt  }
0x6d: {  	_ =	shalt  }
0x6e: {  	_ =	shalt  }
0x6f: {  	_ =	shalt  }
0x70: {  	_ =	shalt  }
0x71: {  	_ =	shalt  }
0x72: {  	_ =	shalt  }
0x73: {  	_ =	shalt  }
0x74: {  	_ =	shalt  }
0x75: {  	_ =	shalt  }
0x76: {  	_ =	shalt  }
0x77: {  	_ =	shalt  }
0x78: {  	_ =	shalt  }
0x79: {  	_ =	shalt  }
0x7a: {  	_ =	shalt  }
0x7b: {  	_ =	shalt  }
0x7c: {  	_ =	shalt  }
0x7d: {  	_ =	shalt  }
0x7e: {  	_ =	shalt  }
0x7f: {  	_ =	shalt  }
0x80: {  	_ =	shalt  }
0x81: {  	_ =	shalt  }
0x82: {  	_ =	shalt  }
0x83: {  	_ =	shalt  }
0x84: {  	_ =	shalt  }
0x85: {  	_ =	shalt  }
0x86: {  	_ =	shalt  }
0x87: {  	_ =	shalt  }
.Lfunc_end0:
.L_simem_size_0:
called_computation.2_lowered:
.L_overlay_start_0:
0x88: {  	s2 =	sld [smem:$0x3FD9]  }
0x89: {  	s3 =	sld [smem:$0x3FFE];
	_ =	sdelay $0x1  }
0x8a: {  	s1 =	srdreg.scid  }
0x8b: {  	s0 =	sand.u32 $0x1, s1  }
0x8c: {  	s16 =	sshll.u32 s0, $0xA;
	s2 =	sadd.s32 s3, s2  }
0x8d: {  	s2 =	sadd.s32 s2, s16  }
0x8e: {  	[smem:$0x3FB1] =	sst s2  }
0x8f: {  	_ = 	snop  }
0x90: {  	(tm) =	ssettm $0x1  }
0x91: {  	s17 =	sld [smem:$0x3FFB];
	_ =	sdelay $0x3  }
0x92: {  	_ =	strace s17  }
0x93: {  	s2 =	sld [smem:$0x3FFC];
	_ =	sdelay $0x3  }
0x94: {  	_ =	strace s2  }
0x95: {  	s2 =	sld [smem:$0x3FFD];
	_ =	sdelay $0x3  }
0x96: {  	_ =	strace s2  }
0x97: {  	_ =	strace $0x8FFFFFFF  }
0x98: {  	s18 =	sld [smem:$0x3FDB];
	_ =	sdelay $0x1  }
0x99: {  	s19 =	simm.s32 $_scs_section_size  }
0x9a: {  	s4 =	simm.s32 $_size__tile_overlayer_lowered;
	s5 =	simm.s32 $_tile_overlayer_lowered  }
0x9b: {  	s22 =	simm.s32 $0x1BFF;
	s21 =	sshll.u32 s5, $0x1;
	s2 =	sadd.s32 s19, s18  }
0x9c: {  	s6 =	simm.s32 $0x0;
	s20 =	sshll.u32 s4, $0x1;
	s4 =	sadd.s32 s21, s2  }
0x9d: {  	[timem:s6], [sflag:s22] =	dma.local [hbm:s4], s20  }
0x9e: {  	_ =	swait.ge [sflag:s22], s20  }
0x9f: {  	s3 =	ssub.s32 $0x0, s20;
	[sflag:s22] =	ssyncset.done $0x0  }
0xa0: {  	[sflag:s22] =	ssyncadd.s32 s3;
	_ =	sdelay $0x1  }
0xa1: {  	s23 =	simm.s32 $0x1B8B  }
0xa2: {  	_ =	swait.ge [sflag:s23], $0x1  }
0xa3: {  	[sflag:s23] =	ssyncset.done $0x0  }
0xa4: {  	s25 =	simm.s32 $0x1B8E;
	s24 =	sld [smem:$0x3FFE];
	[sflag:s23] =	ssyncadd.s32 $0xFFFFFFFF  }
0xa5: {  	s26 =	simm.s32 $execute0_lowered;
	[smem:$0x3FD2] =	sst s25  }
0xa6: {  	s4 =	sshll.u32 s26, $0x1;
	_ =	strace $0x8000004C;
	[dreg:$0x1] =	wrdreg $0xFFFFFFFF  }
0xa7: {  	s28 =	simm.s32 $_size_execute0_lowered;
	s2 =	sadd.s32 s2, s4;
	[dreg:$0x0] =	wrdreg $0x0  }
0xa8: {  	s4 =	sshll.u32 s28, $0x1;
	[dreg:$0x2] =	wrdreg s2  }
0xa9: {  	[dreg:$0x3] =	wrdreg s4  }
0xaa: {  	[dreg:$0x4] =	wrdreg $0xC0  }
0xab: {  	_ =	task [dreg:s6], $0x5FFFF  }
0xac: {  	[dreg:$0x1] =	wrdreg $0xFFFFFFFF  }
0xad: {  	[dreg:$0x0] =	wrdreg $0x60  }
0xae: {  	[dreg:$0x2] =	wrdreg s24  }
0xaf: {  	[dreg:$0x3] =	wrdreg $0x41000  }
0xb0: {  	[dreg:$0x4] =	wrdreg $0x9  }
0xb1: {  	_ =	task.clear_ibuf [dreg:s6], $0x5FFFF;
	_ =	strace $0x9000004C  }
0xb2: {  	s29 =	simm.s32 $0x9;
	_ =	strace $0x8000004E  }
0xb3: {  	_ =	swait.ge [sflag:s29], $0x1  }
0xb4: {  	[sflag:s29] =	ssyncadd.s32 $0xFFFFFFFF  }
0xb5: {  	_ =	strace $0x9000004E  }
0xb6: {  	_ =	sfence  }
0xb7: {  	s30 =	sld [smem:$0x0];
	_ =	sdelay $0x2  }
0xb8: {  	s31 =	sshll.u32 s1, $0xD;
	s1 =	sshrl.u32 s1, $0x2  }
0xb9: {  	s3 =	sand.u32 $0x4000, s31;
	s1 =	sadd.s32 s1, s30  }
0xba: {  	s0 =	sor.u32 s3, s0;
	s1 =	sshll.u32 s1, $0x11  }
0xbb: {  	s0 =	sor.u32 s1, s0  }
0xbc: {  	s0 =	sadd.s32 $0x8F2B, s0  }
0xbd: {  	[sflag:s0] =	ssyncadd.remote.s32 $0x1  }
0xbe: {  	_ =	sfence.sel $0xFFFF  }
0xbf: {  	[dreg:$0x0] =	wrdreg $0xFFFFFFFF;
	(pc) =	sbr.abs _section_cstart, $3  }
0xc0: {  	[dreg:$0x1] =	wrdreg $0xFFFFFFFF  }
0xc1: {  	_ =	task.clear_ibuf [dreg:s6], $0x2FFFF;
	_ =	strace $0x9FFFFFFF  }
0xc2: {  	(tm) =	ssettm $0x7FFFFFFF  }
0xc3: {  	_ =	shalt  }
tec
execute0_lowered:
.L_overlay_start_1:
0x0: {  	(tag) =	ssettag $0x1  }
0x1: {  	s6 =	rddreg [dreg:$0x0]  }
0x2: {  	s1 =	rddreg [dreg:$0x1]  }
0x3: {  	s3 =	srdreg.scid;
	s0 =	rddreg [dreg:$0x2]  }
0x4: {  	s2 =	simm.s32 $0x0;
	s21 =	simm.s32 $0x80;
	s7 =	sand.u32 $0x1, s3  }
0x5: {  	s22 =	simm.s32 $0x1;
	s3 =	stileid.u32;
	s5 =	smul.u32 $0x4F00, s7  }
0x6: {  	s23 =	simm.s32 $0x0;
	[smem:$0x7FF] =	sst s2;
	s8 =	smul.u32 $0x50000, s3  }
0x7: {  	s4 =	sadd.s32 $0x19200, s6;
	s16 =	sadd.s32 $0x41200, s6;
	s10 =	smul.u32 $0x14000, s3  }
0x8: {  	_ =	strace $0x8000004D;
	s9 =	ssub.s32 $0x2, s7;
	s18 =	smul.u32 $0x140000, s7  }
0x9: {  	s30 =	smul.u32 $0x4F0, s3;
	s29 =	sshrl.u32 s9, $0x1;
	s15 =	sadd.s32 s5, s6  }
0xa: {  	s5 =	sadd.s32 $0x18A00, s6;
	s8 =	sshrl.u32 s8, $0x2;
	s17 =	ssub.s32 s9, s29  }
0xb: {  	s11 =	sadd.s32 $0x4000, s10;
	s13 =	sadd.s32 $0x8000, s10;
	s14 =	sadd.s32 $0xC000, s10  }
0xc: {  	s19 =	sadd.s32 $0x10000, s10;
	s12 =	sadd.s32 s10, s18;
	s6 =	sadd.s32 s8, s1  }
0xd: {  	s7 =	sadd.s32 s11, s1;
	s8 =	sadd.s32 s13, s1;
	s9 =	sadd.s32 s14, s1  }
0xe: {  	s11 =	sadd.s32 s18, s11;
	s10 =	sadd.s32 s19, s1;
	s12 =	sshrl.u32 s12, $0x3  }
0xf: {  	s13 =	sadd.s32 s18, s13;
	s14 =	sadd.s32 s18, s14;
	s18 =	sadd.s32 s18, s19  }
0x10: {  	s31 =	sadd.s32 s30, s15;
	s19 =	simm.s32 $0x100;
	s20 =	sshrl.u32 s11, $0x3  }
0x11: {  	s11 =	sadd.s32 s16, s12;
	s13 =	sshrl.u32 s13, $0x3;
	s14 =	sshrl.u32 s14, $0x3  }
0x12: {  	s18 =	sshrl.u32 s18, $0x3;
	s12 =	sadd.s32 s16, s20;
	s13 =	sadd.s32 s16, s13  }
0x13: {  	s14 =	sadd.s32 s16, s14;
	s15 =	sadd.s32 s16, s18;
	s16 =	smax.u32 s17, $0x1  }
0x14: {  	s17 =	sadd.s32 $0x4E00, s31;
	s18 =	sadd.s32 $0xEC00, s31;
	s20 =	simm.s32 $0x2  }
.LBB2_1:
0x15: {  	[tilespmem:s19], [sflag:$0x2] =	stream.linear.gather [hbm4b:s5+s2], $0x4000, $0x38;
	[tilespmem:$0x18100] =	vst v63  }
0x16: {  	_ =	swait.ge [sflag:s20], $0x4000  }
0x17: {  	[sflag:s20] =	ssyncset.done $0x0  }
0x18: {  	[sflag:s20] =	ssyncadd.s32 $0xFFFFC000  }
0x19: {  	[spmem:s6] =	stream.linear.scatter [tilespmem:s19], [sflag:$0x2], $0x4000, $0x38;
	[tilespmem:$0x18100] =	vst v63  }
0x1a: {  	_ =	swait.ge [sflag:s20], $0x4000  }
0x1b: {  	[sflag:s20] =	ssyncset.done $0x0  }
0x1c: {  	[sflag:s20] =	ssyncadd.s32 $0xFFFFC000  }
0x1d: {  	[spmem:s7] =	stream.linear.scatter [tilespmem:s19], [sflag:$0x2], $0x4000, $0x38;
	[tilespmem:$0x18100] =	vst v63  }
0x1e: {  	_ =	swait.ge [sflag:s20], $0x4000  }
0x1f: {  	[sflag:s20] =	ssyncset.done $0x0  }
0x20: {  	[sflag:s20] =	ssyncadd.s32 $0xFFFFC000  }
0x21: {  	[spmem:s8] =	stream.linear.scatter [tilespmem:s19], [sflag:$0x2], $0x4000, $0x38;
	[tilespmem:$0x18100] =	vst v63  }
0x22: {  	_ =	swait.ge [sflag:s20], $0x4000  }
0x23: {  	[sflag:s20] =	ssyncset.done $0x0  }
0x24: {  	[sflag:s20] =	ssyncadd.s32 $0xFFFFC000  }
0x25: {  	[spmem:s9] =	stream.linear.scatter [tilespmem:s19], [sflag:$0x2], $0x4000, $0x38;
	[tilespmem:$0x18100] =	vst v63  }
0x26: {  	_ =	swait.ge [sflag:s20], $0x4000  }
0x27: {  	[sflag:s20] =	ssyncset.done $0x0  }
0x28: {  	[sflag:s20] =	ssyncadd.s32 $0xFFFFC000  }
0x29: {  	[spmem:s10] =	stream.linear.scatter [tilespmem:s19], [sflag:$0x2], $0x4000, $0x38;
	[tilespmem:$0x18100] =	vst v63  }
0x2a: {  	_ =	swait.ge [sflag:s20], $0x4000  }
0x2b: {  	[sflag:s20] =	ssyncset.done $0x0  }
0x2c: {  	[sflag:s20] =	ssyncadd.s32 $0xFFFFC000  }
0x2d: {  	s24 =	sadd.s32 $0x0, s18;
	[bflag:$0x0] =	sbarrier.arrive $0xFFFF  }
0x2e: {  	[tilespmem:s2], [sflag:$0x2] =	stream.linear.gather [hbm4b:s24+s2], $0x80, $0x38;
	[tilespmem:$0x18100] =	vst v63  }
0x2f: {  	_ =	swait.ge [sflag:s20], $0x80  }
0x30: {  	[sflag:s20] =	ssyncset.done $0x0  }
0x31: {  	[sflag:s20] =	ssyncadd.s32 $0xFFFFFF80  }
0x32: {  	[tilespmem:s19], [sflag:$0x1] =	stream.indirect.gather [hbm4b:s4+s21], $0x80, s2, s21, $0xb8;
	[tilespmem:$0x18100] =	vst v63  }
0x33: {  	_ =	swait.ge [sflag:s22], $0x4000  }
0x34: {  	[sflag:s22] =	ssyncset.done $0x0  }
0x35: {  	s31 =	sadd.s32 $0x0, s17;
	[sflag:s22] =	ssyncadd.s32 $0xFFFFC000  }
0x36: {  	[tilespmem:s21], [sflag:$0x2] =	stream.linear.gather [hbm4b:s31+s2], $0x80, $0x38;
	[tilespmem:$0x18100] =	vst v63  }
0x37: {  	_ =	swait.ge [sflag:s20], $0x80  }
0x38: {  	[sflag:s20] =	ssyncset.done $0x0  }
0x39: {  	[sflag:s20] =	ssyncadd.s32 $0xFFFFFF80  }
0x3a: {  	[spmem:s1] =	stream.indirect.scatter.add.f32 [tilespmem:s19], [sflag:$0x2], $0x80, s21, s21, $0xb8;
	[tilespmem:$0x18100] =	vst v63  }
0x3b: {  	_ =	swait.ge [sflag:s20], $0x4000  }
0x3c: {  	s25 =	simm.s32 $0x20;
	s24 =	simm.s32 $0x10;
	[sflag:s20] =	ssyncset.done $0x0  }
.LBB2_2:
0x3d: {  	s26 =	sadd.s32 s24, s18  }
0x3e: {  	[sflag:s20] =	ssyncadd.s32 $0xFFFFC000;
	s28 =	smov.u32 s25;
	s29 =	sadd.s32 $0x10, s25  }
0x3f: {  	[tilespmem:s2], [sflag:$0x2] =	stream.linear.gather [hbm4b:s26+s2], $0x80, $0x38;
	[tilespmem:$0x18100] =	vst v63  }
0x40: {  	p0 =	sne.s32 s25, $0x4E0;
	_ =	swait.ge [sflag:s20], $0x80  }
0x41: {  	[sflag:s20] =	ssyncset.done $0x0  }
0x42: {  	[sflag:s20] =	ssyncadd.s32 $0xFFFFFF80  }
0x43: {  	[tilespmem:s19], [sflag:$0x1] =	stream.indirect.gather [hbm4b:s4+s21], $0x80, s2, s21, $0xb8;
	[tilespmem:$0x18100] =	vst v63  }
0x44: {  	_ =	swait.ge [sflag:s22], $0x4000  }
0x45: {  	[sflag:s22] =	ssyncset.done $0x0  }
0x46: {  	s25 =	sadd.s32 s24, s17;
	s24 =	smov.u32 s28;
	[sflag:s22] =	ssyncadd.s32 $0xFFFFC000  }
0x47: {  	[tilespmem:s21], [sflag:$0x2] =	stream.linear.gather [hbm4b:s25+s2], $0x80, $0x38;
	[tilespmem:$0x18100] =	vst v63  }
0x48: {  	_ =	swait.ge [sflag:s20], $0x80  }
.Ltmp0:
0x49: {  	[sflag:s20] =	ssyncset.done $0x0;
	(pc) =	sbr.rel @p0 .LBB2_2-.Ltmp0, $4  }
0x4a: {  	[sflag:s20] =	ssyncadd.s32 $0xFFFFFF80  }
0x4b: {  	[spmem:s1] =	stream.indirect.scatter.add.f32 [tilespmem:s19], [sflag:$0x2], $0x80, s21, s21, $0xb8;
	[tilespmem:$0x18100] =	vst v63  }
0x4c: {  	_ =	swait.ge [sflag:s20], $0x4000  }
0x4d: {  	s25 =	smov.u32 s29;
	[sflag:s20] =	ssyncset.done $0x0  }
0x4e: {  	s25 =	sadd.s32 s24, s18;
	[sflag:s20] =	ssyncadd.s32 $0xFFFFC000  }
0x4f: {  	[tilespmem:s2], [sflag:$0x2] =	stream.linear.gather [hbm4b:s25+s2], $0x80, $0x38;
	[tilespmem:$0x18100] =	vst v63  }
0x50: {  	_ =	swait.ge [sflag:s20], $0x80  }
0x51: {  	[sflag:s20] =	ssyncset.done $0x0  }
0x52: {  	[sflag:s20] =	ssyncadd.s32 $0xFFFFFF80  }
0x53: {  	[tilespmem:s19], [sflag:$0x1] =	stream.indirect.gather [hbm4b:s4+s21], $0x80, s2, s21, $0xb8;
	[tilespmem:$0x18100] =	vst v63  }
0x54: {  	_ =	swait.ge [sflag:s22], $0x4000  }
0x55: {  	[sflag:s22] =	ssyncset.done $0x0  }
0x56: {  	s31 =	sadd.s32 s24, s17;
	[sflag:s22] =	ssyncadd.s32 $0xFFFFC000  }
0x57: {  	[tilespmem:s21], [sflag:$0x2] =	stream.linear.gather [hbm4b:s31+s2], $0x80, $0x38;
	[tilespmem:$0x18100] =	vst v63  }
0x58: {  	_ =	swait.ge [sflag:s20], $0x80  }
0x59: {  	[sflag:s20] =	ssyncset.done $0x0  }
0x5a: {  	[sflag:s20] =	ssyncadd.s32 $0xFFFFFF80  }
0x5b: {  	[spmem:s1] =	stream.indirect.scatter.add.f32 [tilespmem:s19], [sflag:$0x2], $0x80, s21, s21, $0xb8;
	[tilespmem:$0x18100] =	vst v63  }
0x5c: {  	_ =	swait.ge [sflag:s20], $0x4000  }
0x5d: {  	[sflag:s20] =	ssyncset.done $0x0  }
0x5e: {  	[sflag:s20] =	ssyncadd.s32 $0xFFFFC000  }
0x5f: {  	[bflag:$0x0] =	sbarrier.arrive $0xFFFF  }
0x60: {  	[tilespmem:s19], [sflag:$0x2] =	stream.linear.gather [spmem:s6], $0x4000, $0x38;
	[tilespmem:$0x18100] =	vst v63  }
0x61: {  	_ =	swait.ge [sflag:s20], $0x4000  }
0x62: {  	[sflag:s20] =	ssyncset.done $0x0  }
0x63: {  	[sflag:s20] =	ssyncadd.s32 $0xFFFFC000  }
0x64: {  	[hbm4b:s11+s2] =	stream.linear.scatter [tilespmem:s19], [sflag:$0x2], $0x4000, $0x38;
	[tilespmem:$0x18100] =	vst v63  }
0x65: {  	_ =	swait.ge [sflag:s20], $0x4000  }
0x66: {  	[sflag:s20] =	ssyncset.done $0x0  }
0x67: {  	[sflag:s20] =	ssyncadd.s32 $0xFFFFC000  }
0x68: {  	[tilespmem:s19], [sflag:$0x2] =	stream.linear.gather [spmem:s7], $0x4000, $0x38;
	[tilespmem:$0x18100] =	vst v63  }
0x69: {  	_ =	swait.ge [sflag:s20], $0x4000  }
0x6a: {  	[sflag:s20] =	ssyncset.done $0x0  }
0x6b: {  	[sflag:s20] =	ssyncadd.s32 $0xFFFFC000  }
0x6c: {  	[hbm4b:s12+s2] =	stream.linear.scatter [tilespmem:s19], [sflag:$0x2], $0x4000, $0x38;
	[tilespmem:$0x18100] =	vst v63  }
0x6d: {  	_ =	swait.ge [sflag:s20], $0x4000  }
0x6e: {  	[sflag:s20] =	ssyncset.done $0x0  }
0x6f: {  	[sflag:s20] =	ssyncadd.s32 $0xFFFFC000  }
0x70: {  	[tilespmem:s19], [sflag:$0x2] =	stream.linear.gather [spmem:s8], $0x4000, $0x38;
	[tilespmem:$0x18100] =	vst v63  }
0x71: {  	_ =	swait.ge [sflag:s20], $0x4000  }
0x72: {  	[sflag:s20] =	ssyncset.done $0x0  }
0x73: {  	[sflag:s20] =	ssyncadd.s32 $0xFFFFC000  }
0x74: {  	[hbm4b:s13+s2] =	stream.linear.scatter [tilespmem:s19], [sflag:$0x2], $0x4000, $0x38;
	[tilespmem:$0x18100] =	vst v63  }
0x75: {  	_ =	swait.ge [sflag:s20], $0x4000  }
0x76: {  	[sflag:s20] =	ssyncset.done $0x0  }
0x77: {  	[sflag:s20] =	ssyncadd.s32 $0xFFFFC000  }
0x78: {  	[tilespmem:s19], [sflag:$0x2] =	stream.linear.gather [spmem:s9], $0x4000, $0x38;
	[tilespmem:$0x18100] =	vst v63  }
0x79: {  	_ =	swait.ge [sflag:s20], $0x4000  }
0x7a: {  	[sflag:s20] =	ssyncset.done $0x0  }
0x7b: {  	[sflag:s20] =	ssyncadd.s32 $0xFFFFC000  }
0x7c: {  	[hbm4b:s14+s2] =	stream.linear.scatter [tilespmem:s19], [sflag:$0x2], $0x4000, $0x38;
	[tilespmem:$0x18100] =	vst v63  }
0x7d: {  	_ =	swait.ge [sflag:s20], $0x4000  }
0x7e: {  	[sflag:s20] =	ssyncset.done $0x0  }
0x7f: {  	[sflag:s20] =	ssyncadd.s32 $0xFFFFC000  }
0x80: {  	[tilespmem:s19], [sflag:$0x2] =	stream.linear.gather [spmem:s10], $0x4000, $0x38;
	[tilespmem:$0x18100] =	vst v63  }
0x81: {  	s23 =	sadd.s32 $0x1, s23;
	_ =	swait.ge [sflag:s20], $0x4000  }
0x82: {  	p0 =	sne.s32 s23, s16;
	[sflag:s20] =	ssyncset.done $0x0  }
.Ltmp1:
0x83: {  	[sflag:s20] =	ssyncadd.s32 $0xFFFFC000;
	(pc) =	sbr.rel @p0 .LBB2_1-.Ltmp1, $4  }
0x84: {  	[hbm4b:s15+s2] =	stream.linear.scatter [tilespmem:s19], [sflag:$0x2], $0x4000, $0x38;
	[tilespmem:$0x18100] =	vst v63  }
0x85: {  	_ =	swait.ge [sflag:s20], $0x4000  }
0x86: {  	[sflag:s20] =	ssyncset.done $0x0  }
0x87: {  	[sflag:s20] =	ssyncadd.s32 $0xFFFFC000  }
0x88: {  	_ =	sfence.sel $0x180000  }
0x89: {  	[bflag:$0x0] =	sbarrier.arrive $0xFFFF  }
0x8a: {  	p0 =	sne.s32 s3, $0x0;
	_ =	strace $0x9000004D  }
0x8b: {  	s0 =	sadd.s32 @!p0 $0x100000, s0;
	[bflag:$0x2] =	sbarrier.arrive $0xFFFF  }
0x8c: {  	[sflag:s0] =	ssyncadd.tile.s32 @!p0 $0x1;
	_ =	shalt  }
.Lfunc_end2:
_tile_overlayer_lowered:
.L_overlay_start_2:
0x8d: {  	(tag) =	ssettag $0x2  }
0x8e: {  	s0 =	rddreg [dreg:$0x0];
	s2 =	stileid.u32  }
0x8f: {  	s1 =	rddreg [dreg:$0x1];
	p0 =	sne.s32 s2, $0x0  }
0x90: {  	s3 =	rddreg [dreg:$0x2];
	[bflag:$0x3] =	sbarrier.arrive $0xFFFF;
	s2 =	simm.s32 @!p0 $0x1C02  }
0x91: {  	[timem:s3], [sflag:s2] =	dma.local @!p0 [hbm:s0], s1  }
0x92: {  	s0 =	simm.s32 @!p0 $0x2  }
0x93: {  	_ =	swait.ge @!p0 [sflag:s0], s1  }
0x94: {  	s1 =	ssub.s32 @!p0 $0x0, s1;
	[sflag:s0] =	ssyncset.done @!p0 $0x0  }
0x95: {  	[sflag:s0] =	ssyncadd.s32 @!p0 s1  }
0x96: {  	[bflag:$0x3] =	sbarrier.arrive $0xFFFF  }
0x97: {  	_ =	shalt  }

// kernel: kernel.19.cloned.1.call-start
scs
__scs_entry_jumppad:
0x0: {  	(pc) =	sbr.rel $0x88, $3  }
0x1: {  	(tag) =	ssettag $0x0;
	lr =	simm.s32 $0x1  }
0x2: {  	[smem:$0x3F8A] =	sst lr;
	_ =	strace $0xD0000000  }
0x3: {  	_ = 	snop  }
0x4: {  	_ = 	snop  }
0x5: {  	_ = 	snop  }
0x6: {  	_ = 	snop  }
0x7: {  	_ = 	snop  }
__scs_overlays_trampoline_lowered:
0x8: {  	[smem:$0x3F99] =	sst s0  }
0x9: {  	[smem:$0x3F9A] =	sst s1  }
0xa: {  	[smem:$0x3F9B] =	sst s2  }
0xb: {  	[smem:$0x3F9C] =	sst s3  }
0xc: {  	[smem:$0x3F9D] =	sst s4  }
0xd: {  	[smem:$0x3F9E] =	sst s5  }
0xe: {  	[smem:$0x3F9F] =	sst s6  }
0xf: {  	[smem:$0x3FA0] =	sst s7  }
0x10: {  	[smem:$0x3FA1] =	sst s8  }
0x11: {  	[smem:$0x3FA2] =	sst s9;
	s0 =	simm.s32 @!p0 $0x0  }
0x12: {  	s1 =	sld [smem:$0x3F88];
	s0 =	simm.s32 @p0 $0x1  }
0x13: {  	[smem:$0x3FA3] =	sst s0;
	s0 =	simm.s32 @!p1 $0x0  }
0x14: {  	s2 =	sld [smem:$0x3F87];
	s0 =	simm.s32 @p1 $0x1  }
0x15: {  	[smem:$0x3FA4] =	sst s0;
	s0 =	simm.s32 @!p2 $0x0  }
0x16: {  	s3 =	sld [smem:$0x3FDB];
	s0 =	simm.s32 @p2 $0x1  }
0x17: {  	s4 =	simm.s32 $0x1BF5;
	[smem:$0x3FA6] =	sst s0  }
0x18: {  	s0 =	sld [smem:$0x3F89];
	_ =	swait.ge [sflag:s4], $0x0  }
0x19: {  	s7 =	sld [smem:$0x3F8A]  }
0x1a: {  	s8 =	sadd.s32 $0xFFFFE003, lr  }
0x1b: {  	s9 =	sadd.s32 $0xFFFFFEF7, lr;
	s5 =	simm.s32 $0xFFFFFFFF;
	p2 =	slt.u32 s8, $0xFFFFF086  }
0x1c: {  	p1 =	slt.u32 s9, $0xF7A;
	s5 =	simm.s32 @!p2 $0x0  }
0x1d: {  	s5 =	simm.s32 @p1 $0x1;
	p0 =	seq.s32 s7, s2  }
0x1e: {  	s7 =	smul.u32 @!p0 $0xF7A, s2;
	p2 =	seq.s32 @!p0 s5, $0x0  }
0x1f: {  	s9 =	smul.u32 $0xF7A, s1;
	s8 =	simm.s32 @!p0 $0x1BF5;
	p2 =	por !p2, p0  }
0x20: {  	[sflag:s8] =	ssyncset.s32 @!p0 $0xFFFFF086;
	s6 =	sadd.s32 @!p0 s3, s7;
	s7 =	simm.s32 @!p0 $0x108  }
0x21: {  	s3 =	sadd.s32 s3, s9;
	s6 =	sadd.s32 @!p0 $0x88, s6;
	s7 =	simm.s32 @p2 $0x1082  }
0x22: {  	[simem:s7], [sflag:s8] =	dma.local @!p0 [hbm:s6], $0xF7A  }
0x23: {  	s9 =	sor.u32 $0xD0000000, s2;
	s6 =	simm.s32 $0x108;
	_ =	swait.ge @!p0 [sflag:s8], $0x0  }
0x24: {  	s3 =	sadd.s32 $0x88, s3;
	s6 =	simm.s32 @!p1 $0x1082;
	[sflag:s4] =	ssyncset.s32 $0xFFFFF086  }
0x25: {  	[simem:s6], [sflag:s4] =	dma.local [hbm:s3], $0xF7A  }
0x26: {  	[smem:$0x3F8A] =	sst s1;
	(tag) =	ssettag s2;
	_ =	strace s9  }
0x27: {  	s1 =	sld [smem:$0x3F9A]  }
0x28: {  	s2 =	sld [smem:$0x3F9B]  }
0x29: {  	s4 =	sld [smem:$0x3F9D]  }
0x2a: {  	p0 =	seq.s32 s5, $0x0;
	s5 =	sld [smem:$0x3F9E]  }
0x2b: {  	s6 =	sld [smem:$0x3F9F]  }
0x2c: {  	s7 =	sld [smem:$0x3FA0]  }
0x2d: {  	s3 =	simm.s32 $0x108;
	s8 =	sld [smem:$0x3FA1]  }
0x2e: {  	s3 =	simm.s32 @!p0 $0x1082;
	s9 =	sld [smem:$0x3FA2]  }
0x2f: {  	lr =	sadd.s32 s0, s3;
	s0 =	sld [smem:$0x3F99]  }
0x30: {  	s3 =	sld [smem:$0x3F9C]  }
0x31: {  	[smem:$0x3FA5] =	sst s10  }
0x32: {  	s10 =	sld [smem:$0x3FA3];
	_ =	sdelay $0x3  }
0x33: {  	p0 =	seq.s32 s10, $0x1;
	s10 =	sld [smem:$0x3FA5];
	_ =	sdelay $0x3  }
0x34: {  	[smem:$0x3FA5] =	sst s10  }
0x35: {  	s10 =	sld [smem:$0x3FA4];
	_ =	sdelay $0x3  }
0x36: {  	p1 =	seq.s32 s10, $0x1;
	s10 =	sld [smem:$0x3FA5];
	_ =	sdelay $0x3  }
0x37: {  	[smem:$0x3FA5] =	sst s10  }
0x38: {  	s10 =	sld [smem:$0x3FA6]  }
0x39: {  	_ = 	snop;
	(pc) =	sbr.ind lr, $3  }
0x3a: {  	_ = 	snop  }
0x3b: {  	_ = 	snop  }
0x3c: {  	p2 =	seq.s32 s10, $0x1;
	s10 =	sld [smem:$0x3FA5]  }
0x3d: {  	_ =	shalt  }
0x3e: {  	_ =	shalt  }
0x3f: {  	_ =	shalt  }
0x40: {  	_ =	shalt  }
0x41: {  	_ =	shalt  }
0x42: {  	_ =	shalt  }
0x43: {  	_ =	shalt  }
0x44: {  	_ =	shalt  }
0x45: {  	_ =	shalt  }
0x46: {  	_ =	shalt  }
0x47: {  	_ =	shalt  }
0x48: {  	_ =	shalt  }
0x49: {  	_ =	shalt  }
0x4a: {  	_ =	shalt  }
0x4b: {  	_ =	shalt  }
0x4c: {  	_ =	shalt  }
0x4d: {  	_ =	shalt  }
0x4e: {  	_ =	shalt  }
0x4f: {  	_ =	shalt  }
0x50: {  	_ =	shalt  }
0x51: {  	_ =	shalt  }
0x52: {  	_ =	shalt  }
0x53: {  	_ =	shalt  }
0x54: {  	_ =	shalt  }
0x55: {  	_ =	shalt  }
0x56: {  	_ =	shalt  }
0x57: {  	_ =	shalt  }
0x58: {  	_ =	shalt  }
0x59: {  	_ =	shalt  }
0x5a: {  	_ =	shalt  }
0x5b: {  	_ =	shalt  }
0x5c: {  	_ =	shalt  }
0x5d: {  	_ =	shalt  }
0x5e: {  	_ =	shalt  }
0x5f: {  	_ =	shalt  }
0x60: {  	_ =	shalt  }
0x61: {  	_ =	shalt  }
0x62: {  	_ =	shalt  }
0x63: {  	_ =	shalt  }
0x64: {  	_ =	shalt  }
0x65: {  	_ =	shalt  }
0x66: {  	_ =	shalt  }
0x67: {  	_ =	shalt  }
0x68: {  	_ =	shalt  }
0x69: {  	_ =	shalt  }
0x6a: {  	_ =	shalt  }
0x6b: {  	_ =	shalt  }
0x6c: {  	_ =	shalt  }
0x6d: {  	_ =	shalt  }
0x6e: {  	_ =	shalt  }
0x6f: {  	_ =	shalt  }
0x70: {  	_ =	shalt  }
0x71: {  	_ =	shalt  }
0x72: {  	_ =	shalt  }
0x73: {  	_ =	shalt  }
0x74: {  	_ =	shalt  }
0x75: {  	_ =	shalt  }
0x76: {  	_ =	shalt  }
0x77: {  	_ =	shalt  }
0x78: {  	_ =	shalt  }
0x79: {  	_ =	shalt  }
0x7a: {  	_ =	shalt  }
0x7b: {  	_ =	shalt  }
0x7c: {  	_ =	shalt  }
0x7d: {  	_ =	shalt  }
0x7e: {  	_ =	shalt  }
0x7f: {  	_ =	shalt  }
0x80: {  	_ =	shalt  }
0x81: {  	_ =	shalt  }
0x82: {  	_ =	shalt  }
0x83: {  	_ =	shalt  }
0x84: {  	_ =	shalt  }
0x85: {  	_ =	shalt  }
0x86: {  	_ =	shalt  }
0x87: {  	_ =	shalt  }
.Lfunc_end0:
.L_simem_size_0:
called_computation.3_lowered:
.L_overlay_start_0:
0x88: {  	s2 =	sld [smem:$0x3FD9]  }
0x89: {  	s3 =	sld [smem:$0x3FFE];
	_ =	sdelay $0x1  }
0x8a: {  	s1 =	srdreg.scid  }
0x8b: {  	s0 =	sand.u32 $0x1, s1  }
0x8c: {  	s16 =	sshll.u32 s0, $0xA;
	s2 =	sadd.s32 s3, s2  }
0x8d: {  	s2 =	sadd.s32 s2, s16  }
0x8e: {  	[smem:$0x3FB1] =	sst s2  }
0x8f: {  	_ = 	snop  }
0x90: {  	(tm) =	ssettm $0x1  }
0x91: {  	s17 =	sld [smem:$0x3FFB];
	_ =	sdelay $0x3  }
0x92: {  	_ =	strace s17  }
0x93: {  	s2 =	sld [smem:$0x3FFC];
	_ =	sdelay $0x3  }
0x94: {  	_ =	strace s2  }
0x95: {  	s2 =	sld [smem:$0x3FFD];
	_ =	sdelay $0x3  }
0x96: {  	_ =	strace s2  }
0x97: {  	_ =	strace $0x8FFFFFFF  }
0x98: {  	s18 =	sld [smem:$0x3FDB];
	_ =	sdelay $0x1  }
0x99: {  	s19 =	simm.s32 $_scs_section_size  }
0x9a: {  	s4 =	simm.s32 $_size__tile_overlayer_lowered;
	s5 =	simm.s32 $_tile_overlayer_lowered  }
0x9b: {  	s22 =	simm.s32 $0x1BFF;
	s21 =	sshll.u32 s5, $0x1;
	s2 =	sadd.s32 s19, s18  }
0x9c: {  	s6 =	simm.s32 $0x0;
	s20 =	sshll.u32 s4, $0x1;
	s4 =	sadd.s32 s21, s2  }
0x9d: {  	[timem:s6], [sflag:s22] =	dma.local [hbm:s4], s20  }
0x9e: {  	_ =	swait.ge [sflag:s22], s20  }
0x9f: {  	s3 =	ssub.s32 $0x0, s20;
	[sflag:s22] =	ssyncset.done $0x0  }
0xa0: {  	[sflag:s22] =	ssyncadd.s32 s3;
	_ =	sdelay $0x1  }
0xa1: {  	s23 =	simm.s32 $0x1B8B  }
0xa2: {  	_ =	swait.ge [sflag:s23], $0x1  }
0xa3: {  	[sflag:s23] =	ssyncset.done $0x0  }
0xa4: {  	s25 =	simm.s32 $0x1B8E;
	s24 =	sld [smem:$0x3FFE];
	[sflag:s23] =	ssyncadd.s32 $0xFFFFFFFF  }
0xa5: {  	s26 =	simm.s32 $execute0_lowered;
	[smem:$0x3FD2] =	sst s25  }
0xa6: {  	s4 =	sshll.u32 s26, $0x1;
	_ =	strace $0x8000004F;
	[dreg:$0x1] =	wrdreg $0xFFFFFFFF  }
0xa7: {  	s28 =	simm.s32 $_size_execute0_lowered;
	s2 =	sadd.s32 s2, s4;
	[dreg:$0x0] =	wrdreg $0x0  }
0xa8: {  	s4 =	sshll.u32 s28, $0x1;
	[dreg:$0x2] =	wrdreg s2  }
0xa9: {  	[dreg:$0x3] =	wrdreg s4  }
0xaa: {  	[dreg:$0x4] =	wrdreg $0xC0  }
0xab: {  	_ =	task [dreg:s6], $0x5FFFF  }
0xac: {  	[dreg:$0x1] =	wrdreg $0xFFFFFFFF  }
0xad: {  	[dreg:$0x0] =	wrdreg $0x60  }
0xae: {  	[dreg:$0x2] =	wrdreg s24  }
0xaf: {  	[dreg:$0x3] =	wrdreg $0x41000  }
0xb0: {  	[dreg:$0x4] =	wrdreg $0x9  }
0xb1: {  	_ =	task.clear_ibuf [dreg:s6], $0x5FFFF;
	_ =	strace $0x9000004F  }
0xb2: {  	s29 =	simm.s32 $0x9;
	_ =	strace $0x80000051  }
0xb3: {  	_ =	swait.ge [sflag:s29], $0x1  }
0xb4: {  	[sflag:s29] =	ssyncadd.s32 $0xFFFFFFFF  }
0xb5: {  	_ =	strace $0x90000051  }
0xb6: {  	_ =	sfence  }
0xb7: {  	s30 =	sld [smem:$0x0];
	_ =	sdelay $0x2  }
0xb8: {  	s31 =	sshll.u32 s1, $0xD;
	s1 =	sshrl.u32 s1, $0x2  }
0xb9: {  	s3 =	sand.u32 $0x4000, s31;
	s1 =	sadd.s32 s1, s30  }
0xba: {  	s0 =	sor.u32 s3, s0;
	s1 =	sshll.u32 s1, $0x11  }
0xbb: {  	s0 =	sor.u32 s1, s0  }
0xbc: {  	s0 =	sadd.s32 $0x8F2B, s0  }
0xbd: {  	[sflag:s0] =	ssyncadd.remote.s32 $0x1  }
0xbe: {  	_ =	sfence.sel $0xFFFF  }
0xbf: {  	[dreg:$0x0] =	wrdreg $0xFFFFFFFF;
	(pc) =	sbr.abs _section_cstart, $3  }
0xc0: {  	[dreg:$0x1] =	wrdreg $0xFFFFFFFF  }
0xc1: {  	_ =	task.clear_ibuf [dreg:s6], $0x2FFFF;
	_ =	strace $0x9FFFFFFF  }
0xc2: {  	(tm) =	ssettm $0x7FFFFFFF  }
0xc3: {  	_ =	shalt  }
tec
execute0_lowered:
.L_overlay_start_1:
0x0: {  	(tag) =	ssettag $0x1  }
0x1: {  	s6 =	rddreg [dreg:$0x0]  }
0x2: {  	s1 =	rddreg [dreg:$0x1]  }
0x3: {  	s3 =	srdreg.scid;
	s0 =	rddreg [dreg:$0x2]  }
0x4: {  	s2 =	simm.s32 $0x0;
	s21 =	simm.s32 $0x80;
	s7 =	sand.u32 $0x1, s3  }
0x5: {  	s22 =	simm.s32 $0x1;
	s3 =	stileid.u32;
	s5 =	smul.u32 $0x4F00, s7  }
0x6: {  	s23 =	simm.s32 $0x0;
	[smem:$0x7FF] =	sst s2;
	s8 =	smul.u32 $0x50000, s3  }
0x7: {  	s4 =	sadd.s32 $0x19200, s6;
	s16 =	sadd.s32 $0x41200, s6;
	s10 =	smul.u32 $0x14000, s3  }
0x8: {  	_ =	strace $0x80000050;
	s9 =	ssub.s32 $0x2, s7;
	s18 =	smul.u32 $0x140000, s7  }
0x9: {  	s30 =	smul.u32 $0x4F0, s3;
	s29 =	sshrl.u32 s9, $0x1;
	s15 =	sadd.s32 s5, s6  }
0xa: {  	s5 =	sadd.s32 $0x18A00, s6;
	s8 =	sshrl.u32 s8, $0x2;
	s17 =	ssub.s32 s9, s29  }
0xb: {  	s11 =	sadd.s32 $0x4000, s10;
	s13 =	sadd.s32 $0x8000, s10;
	s14 =	sadd.s32 $0xC000, s10  }
0xc: {  	s19 =	sadd.s32 $0x10000, s10;
	s12 =	sadd.s32 s10, s18;
	s6 =	sadd.s32 s8, s1  }
0xd: {  	s7 =	sadd.s32 s11, s1;
	s8 =	sadd.s32 s13, s1;
	s9 =	sadd.s32 s14, s1  }
0xe: {  	s11 =	sadd.s32 s18, s11;
	s10 =	sadd.s32 s19, s1;
	s12 =	sshrl.u32 s12, $0x3  }
0xf: {  	s13 =	sadd.s32 s18, s13;
	s14 =	sadd.s32 s18, s14;
	s18 =	sadd.s32 s18, s19  }
0x10: {  	s31 =	sadd.s32 s30, s15;
	s19 =	simm.s32 $0x100;
	s20 =	sshrl.u32 s11, $0x3  }
0x11: {  	s11 =	sadd.s32 s16, s12;
	s13 =	sshrl.u32 s13, $0x3;
	s14 =	sshrl.u32 s14, $0x3  }
0x12: {  	s18 =	sshrl.u32 s18, $0x3;
	s12 =	sadd.s32 s16, s20;
	s13 =	sadd.s32 s16, s13  }
0x13: {  	s14 =	sadd.s32 s16, s14;
	s15 =	sadd.s32 s16, s18;
	s16 =	smax.u32 s17, $0x1  }
0x14: {  	s17 =	sadd.s32 $0x4E00, s31;
	s18 =	sadd.s32 $0xEC00, s31;
	s20 =	simm.s32 $0x2  }
.LBB2_1:
0x15: {  	[tilespmem:s19], [sflag:$0x2] =	stream.linear.gather [hbm4b:s5+s2], $0x4000, $0x38;
	[tilespmem:$0x18100] =	vst v63  }
0x16: {  	_ =	swait.ge [sflag:s20], $0x4000  }
0x17: {  	[sflag:s20] =	ssyncset.done $0x0  }
0x18: {  	[sflag:s20] =	ssyncadd.s32 $0xFFFFC000  }
0x19: {  	[spmem:s6] =	stream.linear.scatter [tilespmem:s19], [sflag:$0x2], $0x4000, $0x38;
	[tilespmem:$0x18100] =	vst v63  }
0x1a: {  	_ =	swait.ge [sflag:s20], $0x4000  }
0x1b: {  	[sflag:s20] =	ssyncset.done $0x0  }
0x1c: {  	[sflag:s20] =	ssyncadd.s32 $0xFFFFC000  }
0x1d: {  	[spmem:s7] =	stream.linear.scatter [tilespmem:s19], [sflag:$0x2], $0x4000, $0x38;
	[tilespmem:$0x18100] =	vst v63  }
0x1e: {  	_ =	swait.ge [sflag:s20], $0x4000  }
0x1f: {  	[sflag:s20] =	ssyncset.done $0x0  }
0x20: {  	[sflag:s20] =	ssyncadd.s32 $0xFFFFC000  }
0x21: {  	[spmem:s8] =	stream.linear.scatter [tilespmem:s19], [sflag:$0x2], $0x4000, $0x38;
	[tilespmem:$0x18100] =	vst v63  }
0x22: {  	_ =	swait.ge [sflag:s20], $0x4000  }
0x23: {  	[sflag:s20] =	ssyncset.done $0x0  }
0x24: {  	[sflag:s20] =	ssyncadd.s32 $0xFFFFC000  }
0x25: {  	[spmem:s9] =	stream.linear.scatter [tilespmem:s19], [sflag:$0x2], $0x4000, $0x38;
	[tilespmem:$0x18100] =	vst v63  }
0x26: {  	_ =	swait.ge [sflag:s20], $0x4000  }
0x27: {  	[sflag:s20] =	ssyncset.done $0x0  }
0x28: {  	[sflag:s20] =	ssyncadd.s32 $0xFFFFC000  }
0x29: {  	[spmem:s10] =	stream.linear.scatter [tilespmem:s19], [sflag:$0x2], $0x4000, $0x38;
	[tilespmem:$0x18100] =	vst v63  }
0x2a: {  	_ =	swait.ge [sflag:s20], $0x4000  }
0x2b: {  	[sflag:s20] =	ssyncset.done $0x0  }
0x2c: {  	[sflag:s20] =	ssyncadd.s32 $0xFFFFC000  }
0x2d: {  	s24 =	sadd.s32 $0x0, s18;
	[bflag:$0x0] =	sbarrier.arrive $0xFFFF  }
0x2e: {  	[tilespmem:s2], [sflag:$0x2] =	stream.linear.gather [hbm4b:s24+s2], $0x80, $0x38;
	[tilespmem:$0x18100] =	vst v63  }
0x2f: {  	_ =	swait.ge [sflag:s20], $0x80  }
0x30: {  	[sflag:s20] =	ssyncset.done $0x0  }
0x31: {  	[sflag:s20] =	ssyncadd.s32 $0xFFFFFF80  }
0x32: {  	[tilespmem:s19], [sflag:$0x1] =	stream.indirect.gather [hbm4b:s4+s21], $0x80, s2, s21, $0xb8;
	[tilespmem:$0x18100] =	vst v63  }
0x33: {  	_ =	swait.ge [sflag:s22], $0x4000  }
0x34: {  	[sflag:s22] =	ssyncset.done $0x0  }
0x35: {  	s31 =	sadd.s32 $0x0, s17;
	[sflag:s22] =	ssyncadd.s32 $0xFFFFC000  }
0x36: {  	[tilespmem:s21], [sflag:$0x2] =	stream.linear.gather [hbm4b:s31+s2], $0x80, $0x38;
	[tilespmem:$0x18100] =	vst v63  }
0x37: {  	_ =	swait.ge [sflag:s20], $0x80  }
0x38: {  	[sflag:s20] =	ssyncset.done $0x0  }
0x39: {  	[sflag:s20] =	ssyncadd.s32 $0xFFFFFF80  }
0x3a: {  	[spmem:s1] =	stream.indirect.scatter.add.f32 [tilespmem:s19], [sflag:$0x2], $0x80, s21, s21, $0xb8;
	[tilespmem:$0x18100] =	vst v63  }
0x3b: {  	_ =	swait.ge [sflag:s20], $0x4000  }
0x3c: {  	s25 =	simm.s32 $0x20;
	s24 =	simm.s32 $0x10;
	[sflag:s20] =	ssyncset.done $0x0  }
.LBB2_2:
0x3d: {  	s26 =	sadd.s32 s24, s18  }
0x3e: {  	[sflag:s20] =	ssyncadd.s32 $0xFFFFC000;
	s28 =	smov.u32 s25;
	s29 =	sadd.s32 $0x10, s25  }
0x3f: {  	[tilespmem:s2], [sflag:$0x2] =	stream.linear.gather [hbm4b:s26+s2], $0x80, $0x38;
	[tilespmem:$0x18100] =	vst v63  }
0x40: {  	p0 =	sne.s32 s25, $0x4E0;
	_ =	swait.ge [sflag:s20], $0x80  }
0x41: {  	[sflag:s20] =	ssyncset.done $0x0  }
0x42: {  	[sflag:s20] =	ssyncadd.s32 $0xFFFFFF80  }
0x43: {  	[tilespmem:s19], [sflag:$0x1] =	stream.indirect.gather [hbm4b:s4+s21], $0x80, s2, s21, $0xb8;
	[tilespmem:$0x18100] =	vst v63  }
0x44: {  	_ =	swait.ge [sflag:s22], $0x4000  }
0x45: {  	[sflag:s22] =	ssyncset.done $0x0  }
0x46: {  	s25 =	sadd.s32 s24, s17;
	s24 =	smov.u32 s28;
	[sflag:s22] =	ssyncadd.s32 $0xFFFFC000  }
0x47: {  	[tilespmem:s21], [sflag:$0x2] =	stream.linear.gather [hbm4b:s25+s2], $0x80, $0x38;
	[tilespmem:$0x18100] =	vst v63  }
0x48: {  	_ =	swait.ge [sflag:s20], $0x80  }
.Ltmp0:
0x49: {  	[sflag:s20] =	ssyncset.done $0x0;
	(pc) =	sbr.rel @p0 .LBB2_2-.Ltmp0, $4  }
0x4a: {  	[sflag:s20] =	ssyncadd.s32 $0xFFFFFF80  }
0x4b: {  	[spmem:s1] =	stream.indirect.scatter.add.f32 [tilespmem:s19], [sflag:$0x2], $0x80, s21, s21, $0xb8;
	[tilespmem:$0x18100] =	vst v63  }
0x4c: {  	_ =	swait.ge [sflag:s20], $0x4000  }
0x4d: {  	s25 =	smov.u32 s29;
	[sflag:s20] =	ssyncset.done $0x0  }
0x4e: {  	s25 =	sadd.s32 s24, s18;
	[sflag:s20] =	ssyncadd.s32 $0xFFFFC000  }
0x4f: {  	[tilespmem:s2], [sflag:$0x2] =	stream.linear.gather [hbm4b:s25+s2], $0x80, $0x38;
	[tilespmem:$0x18100] =	vst v63  }
0x50: {  	_ =	swait.ge [sflag:s20], $0x80  }
0x51: {  	[sflag:s20] =	ssyncset.done $0x0  }
0x52: {  	[sflag:s20] =	ssyncadd.s32 $0xFFFFFF80  }
0x53: {  	[tilespmem:s19], [sflag:$0x1] =	stream.indirect.gather [hbm4b:s4+s21], $0x80, s2, s21, $0xb8;
	[tilespmem:$0x18100] =	vst v63  }
0x54: {  	_ =	swait.ge [sflag:s22], $0x4000  }
0x55: {  	[sflag:s22] =	ssyncset.done $0x0  }
0x56: {  	s31 =	sadd.s32 s24, s17;
	[sflag:s22] =	ssyncadd.s32 $0xFFFFC000  }
0x57: {  	[tilespmem:s21], [sflag:$0x2] =	stream.linear.gather [hbm4b:s31+s2], $0x80, $0x38;
	[tilespmem:$0x18100] =	vst v63  }
0x58: {  	_ =	swait.ge [sflag:s20], $0x80  }
0x59: {  	[sflag:s20] =	ssyncset.done $0x0  }
0x5a: {  	[sflag:s20] =	ssyncadd.s32 $0xFFFFFF80  }
0x5b: {  	[spmem:s1] =	stream.indirect.scatter.add.f32 [tilespmem:s19], [sflag:$0x2], $0x80, s21, s21, $0xb8;
	[tilespmem:$0x18100] =	vst v63  }
0x5c: {  	_ =	swait.ge [sflag:s20], $0x4000  }
0x5d: {  	[sflag:s20] =	ssyncset.done $0x0  }
0x5e: {  	[sflag:s20] =	ssyncadd.s32 $0xFFFFC000  }
0x5f: {  	[bflag:$0x0] =	sbarrier.arrive $0xFFFF  }
0x60: {  	[tilespmem:s19], [sflag:$0x2] =	stream.linear.gather [spmem:s6], $0x4000, $0x38;
	[tilespmem:$0x18100] =	vst v63  }
0x61: {  	_ =	swait.ge [sflag:s20], $0x4000  }
0x62: {  	[sflag:s20] =	ssyncset.done $0x0  }
0x63: {  	[sflag:s20] =	ssyncadd.s32 $0xFFFFC000  }
0x64: {  	[hbm4b:s11+s2] =	stream.linear.scatter [tilespmem:s19], [sflag:$0x2], $0x4000, $0x38;
	[tilespmem:$0x18100] =	vst v63  }
0x65: {  	_ =	swait.ge [sflag:s20], $0x4000  }
0x66: {  	[sflag:s20] =	ssyncset.done $0x0  }
0x67: {  	[sflag:s20] =	ssyncadd.s32 $0xFFFFC000  }
0x68: {  	[tilespmem:s19], [sflag:$0x2] =	stream.linear.gather [spmem:s7], $0x4000, $0x38;
	[tilespmem:$0x18100] =	vst v63  }
0x69: {  	_ =	swait.ge [sflag:s20], $0x4000  }
0x6a: {  	[sflag:s20] =	ssyncset.done $0x0  }
0x6b: {  	[sflag:s20] =	ssyncadd.s32 $0xFFFFC000  }
0x6c: {  	[hbm4b:s12+s2] =	stream.linear.scatter [tilespmem:s19], [sflag:$0x2], $0x4000, $0x38;
	[tilespmem:$0x18100] =	vst v63  }
0x6d: {  	_ =	swait.ge [sflag:s20], $0x4000  }
0x6e: {  	[sflag:s20] =	ssyncset.done $0x0  }
0x6f: {  	[sflag:s20] =	ssyncadd.s32 $0xFFFFC000  }
0x70: {  	[tilespmem:s19], [sflag:$0x2] =	stream.linear.gather [spmem:s8], $0x4000, $0x38;
	[tilespmem:$0x18100] =	vst v63  }
0x71: {  	_ =	swait.ge [sflag:s20], $0x4000  }
0x72: {  	[sflag:s20] =	ssyncset.done $0x0  }
0x73: {  	[sflag:s20] =	ssyncadd.s32 $0xFFFFC000  }
0x74: {  	[hbm4b:s13+s2] =	stream.linear.scatter [tilespmem:s19], [sflag:$0x2], $0x4000, $0x38;
	[tilespmem:$0x18100] =	vst v63  }
0x75: {  	_ =	swait.ge [sflag:s20], $0x4000  }
0x76: {  	[sflag:s20] =	ssyncset.done $0x0  }
0x77: {  	[sflag:s20] =	ssyncadd.s32 $0xFFFFC000  }
0x78: {  	[tilespmem:s19], [sflag:$0x2] =	stream.linear.gather [spmem:s9], $0x4000, $0x38;
	[tilespmem:$0x18100] =	vst v63  }
0x79: {  	_ =	swait.ge [sflag:s20], $0x4000  }
0x7a: {  	[sflag:s20] =	ssyncset.done $0x0  }
0x7b: {  	[sflag:s20] =	ssyncadd.s32 $0xFFFFC000  }
0x7c: {  	[hbm4b:s14+s2] =	stream.linear.scatter [tilespmem:s19], [sflag:$0x2], $0x4000, $0x38;
	[tilespmem:$0x18100] =	vst v63  }
0x7d: {  	_ =	swait.ge [sflag:s20], $0x4000  }
0x7e: {  	[sflag:s20] =	ssyncset.done $0x0  }
0x7f: {  	[sflag:s20] =	ssyncadd.s32 $0xFFFFC000  }
0x80: {  	[tilespmem:s19], [sflag:$0x2] =	stream.linear.gather [spmem:s10], $0x4000, $0x38;
	[tilespmem:$0x18100] =	vst v63  }
0x81: {  	s23 =	sadd.s32 $0x1, s23;
	_ =	swait.ge [sflag:s20], $0x4000  }
0x82: {  	p0 =	sne.s32 s23, s16;
	[sflag:s20] =	ssyncset.done $0x0  }
.Ltmp1:
0x83: {  	[sflag:s20] =	ssyncadd.s32 $0xFFFFC000;
	(pc) =	sbr.rel @p0 .LBB2_1-.Ltmp1, $4  }
0x84: {  	[hbm4b:s15+s2] =	stream.linear.scatter [tilespmem:s19], [sflag:$0x2], $0x4000, $0x38;
	[tilespmem:$0x18100] =	vst v63  }
0x85: {  	_ =	swait.ge [sflag:s20], $0x4000  }
0x86: {  	[sflag:s20] =	ssyncset.done $0x0  }
0x87: {  	[sflag:s20] =	ssyncadd.s32 $0xFFFFC000  }
0x88: {  	_ =	sfence.sel $0x180000  }
0x89: {  	[bflag:$0x0] =	sbarrier.arrive $0xFFFF  }
0x8a: {  	p0 =	sne.s32 s3, $0x0;
	_ =	strace $0x90000050  }
0x8b: {  	s0 =	sadd.s32 @!p0 $0x100000, s0;
	[bflag:$0x2] =	sbarrier.arrive $0xFFFF  }
0x8c: {  	[sflag:s0] =	ssyncadd.tile.s32 @!p0 $0x1;
	_ =	shalt  }
.Lfunc_end2:
_tile_overlayer_lowered:
.L_overlay_start_2:
0x8d: {  	(tag) =	ssettag $0x2  }
0x8e: {  	s0 =	rddreg [dreg:$0x0];
	s2 =	stileid.u32  }
0x8f: {  	s1 =	rddreg [dreg:$0x1];
	p0 =	sne.s32 s2, $0x0  }
0x90: {  	s3 =	rddreg [dreg:$0x2];
	[bflag:$0x3] =	sbarrier.arrive $0xFFFF;
	s2 =	simm.s32 @!p0 $0x1C02  }
0x91: {  	[timem:s3], [sflag:s2] =	dma.local @!p0 [hbm:s0], s1  }
0x92: {  	s0 =	simm.s32 @!p0 $0x2  }
0x93: {  	_ =	swait.ge @!p0 [sflag:s0], s1  }
0x94: {  	s1 =	ssub.s32 @!p0 $0x0, s1;
	[sflag:s0] =	ssyncset.done @!p0 $0x0  }
0x95: {  	[sflag:s0] =	ssyncadd.s32 @!p0 s1  }
0x96: {  	[bflag:$0x3] =	sbarrier.arrive $0xFFFF  }
0x97: {  	_ =	shalt  }

</sc_bundles>
